<compile_context>
chip_gen: v7x
topology: tpu7x:2x2x1
jax: 0.10.2.dev20260603
libtpu: 0.0.44.dev20260713+nightly
codegen_flags: <defaults>
</compile_context>

<pallas_src>
import functools

import jax
import jax.numpy as jnp
from jax import lax
from jax.experimental import pallas as pl
from jax.experimental.pallas import tpu as pltpu
from jax.experimental.pallas import tpu_sc as plsc

_N = 10000
_D = 128
_H_MLP = 64
_EPS_K = 0.1
_KAPPA_K = 1.0
_KAPPA_H = 1.0

_BM = 200


def _symmv_body(w_ref, grow_ref, gcol_ref, y1_ref, y2_ref):
    i = pl.program_id(0)

    @pl.when(i == 0)
    def _():
        y2_ref[...] = jnp.zeros_like(y2_ref)

    wblk = w_ref[...]
    y1 = jnp.dot(wblk, gcol_ref[...], preferred_element_type=jnp.float32)
    y1_ref[...] = y1.reshape(1, 1, _BM)
    grow = grow_ref[0, 0, :]
    y2_ref[...] += jnp.dot(grow, wblk, preferred_element_type=jnp.float32)[None, :]


def _sym_matvec(weights, g):
    ni = _N // _BM
    g3 = g.reshape(ni, 1, _BM)
    y1, y2 = pl.pallas_call(
        _symmv_body,
        grid=(ni,),
        in_specs=[
            pl.BlockSpec((_BM, _N), lambda i: (i, 0)),
            pl.BlockSpec((1, 1, _BM), lambda i: (i, 0, 0)),
            pl.BlockSpec((_N,), lambda i: (0,)),
        ],
        out_specs=[
            pl.BlockSpec((1, 1, _BM), lambda i: (i, 0, 0)),
            pl.BlockSpec((1, _N), lambda i: (0, 0)),
        ],
        out_shape=[
            jax.ShapeDtypeStruct((ni, 1, _BM), jnp.float32),
            jax.ShapeDtypeStruct((1, _N), jnp.float32),
        ],
    )(weights, g3, g)
    return 0.5 * (y1.reshape(_N) + y2.reshape(_N))


_NP = 10240
_EPT = 10000
_C = 80
_CP = 128
_NCH = _EPT // _C
_RPT = _NP // 16


_DUMP = 10100


def _edge_body(sk_hbm, g_hbm, wflat_hbm, i0_hbm, i1_hbm, j0_hbm, j1_hbm,
               w1d_hbm, b2_hbm, w2_hbm, zfh_hbm, zfk_hbm,
               fh_out, fk_out,
               g_tab, fh_acc, idx0, idx1, idxp0, idxp1,
               fl01, fl10, w01, w10,
               rows0, rows1, red_v, w1v, b2v, w2v, fk_sh, sem):
    cid = lax.axis_index("c")
    sid = lax.axis_index("s")
    wid = sid * 2 + cid

    pltpu.sync_copy(g_hbm, g_tab)
    pltpu.sync_copy(w1d_hbm, w1v)
    pltpu.sync_copy(b2_hbm, b2v)
    pltpu.sync_copy(w2_hbm, w2v)
    pltpu.sync_copy(zfh_hbm, fh_acc)
    pltpu.sync_copy(zfk_hbm, fk_sh.at[pl.ds(sid * _RPT, _RPT)])
    plsc.subcore_barrier()

    def _hsum(v, off=0):
        for sh in (8, 4, 2, 1):
            red_v[pl.ds(off, 16)] = v
            v = v + red_v[pl.ds(off + sh, 16)]
        return v[0]

    lane0 = lax.iota(jnp.int32, 16) == 0
    w1g = [w1v[pl.ds(16 * i, 16)] for i in range(_H_MLP // 16)]
    b2g = [b2v[pl.ds(16 * i, 16)] for i in range(_H_MLP // 16)]
    w2g = [w2v[pl.ds(16 * i, 16)] for i in range(_H_MLP // 16)]

    def gather_chunk(k, ia_hbm, ib_hbm, with_w):
        base = wid * _EPT + k * _C
        icps = [pltpu.async_copy(ia_hbm.at[pl.ds(base, _C)], idx0, sem),
                pltpu.async_copy(ib_hbm.at[pl.ds(base, _C)], idx1, sem),
                pltpu.async_copy(ia_hbm.at[pl.ds(base, _C + 16)], idxp0, sem),
                pltpu.async_copy(ib_hbm.at[pl.ds(base, _C + 16)], idxp1, sem)]
        for cp in icps:
            cp.wait()
        cps = [pltpu.async_copy(sk_hbm.at[idx0], rows0, sem),
               pltpu.async_copy(sk_hbm.at[idx1], rows1, sem)]
        if with_w:
            def mkflat(gi, _):
                a = idxp0[pl.ds(gi * 16, 16)]
                b = idxp1[pl.ds(gi * 16, 16)]
                fl01[pl.ds(gi * 16, 16)] = a * _N + b
                fl10[pl.ds(gi * 16, 16)] = b * _N + a
                return 0
            lax.fori_loop(0, (_C + 16) // 16, mkflat, 0)
            cps.append(pltpu.async_copy(wflat_hbm.at[fl01], w01, sem))
            cps.append(pltpu.async_copy(wflat_hbm.at[fl10], w10, sem))
        for cp in cps:
            cp.wait()

    def edge_dot(e, off=0):
        acc = rows0[e, pl.ds(0, 16)] * rows1[e, pl.ds(0, 16)]
        for kk in range(1, _D // 16):
            sl = pl.ds(kk * 16, 16)
            acc = acc + rows0[e, sl] * rows1[e, sl]
        return _hsum(acc, off)

    def scale_rows(e, ck):
        ckv = jnp.full((16,), ck, jnp.float32)
        for kk in range(_D // 16):
            sl = pl.ds(kk * 16, 16)
            rows1[e, sl] = rows1[e, sl] * ckv
            rows0[e, sl] = rows0[e, sl] * ckv

    def scatter_fk():
        pltpu.sync_copy(rows1, fk_sh.at[idx0], add=True)
        pltpu.sync_copy(rows0, fk_sh.at[idx1], add=True)

    def hk_edge(e, off=0):
        gram = edge_dot(e, off)
        i0s = idxp0[pl.ds(e, 16)][0]
        i1s = idxp1[pl.ds(e, 16)][0]
        g0 = g_tab[pl.ds(i0s, 16)][0]
        g1 = g_tab[pl.ds(i1s, 16)][0]
        we = 0.5 * (w01[pl.ds(e, 16)][0] + w10[pl.ds(e, 16)][0])
        gw = gram * we * (1.0 / _KAPPA_H)
        v0 = fh_acc[pl.ds(i0s, 16)]
        fh_acc[pl.ds(i0s, 16)] = v0 + jnp.where(lane0, gw * g1, 0.0)
        v1 = fh_acc[pl.ds(i1s, 16)]
        fh_acc[pl.ds(i1s, 16)] = v1 + jnp.where(lane0, gw * g0, 0.0)
        scale_rows(e, -(g0 * g1) * we * (1.0 / _KAPPA_K))

    def hk_chunk(k, _):
        gather_chunk(k, i0_hbm, i1_hbm, True)

        def edge2(e2, _):
            hk_edge(e2 * 2, 0)
            hk_edge(e2 * 2 + 1, 32)
            return 0

        lax.fori_loop(0, _C // 2, edge2, 0)
        scatter_fk()
        return 0

    def k_edge(e, off=0):
        s2 = 2.0 * edge_dot(e, off)
        macc = jnp.zeros((16,), jnp.float32)
        for u in range(_H_MLP // 16):
            tt = jnp.exp(jnp.minimum(s2 * w1g[u] + b2g[u], 60.0))
            macc = macc + ((tt - 1.0) / (tt + 1.0)) * w2g[u]
        scale_rows(e, _EPS_K * _hsum(macc, off))

    def k_chunk(k, _):
        gather_chunk(k, j0_hbm, j1_hbm, False)

        def edge2(e2, _):
            k_edge(e2 * 2, 0)
            k_edge(e2 * 2 + 1, 32)
            return 0

        lax.fori_loop(0, _C // 2, edge2, 0)
        scatter_fk()
        return 0

    lax.fori_loop(0, _NCH, hk_chunk, 0)
    lax.fori_loop(0, _NCH, k_chunk, 0)

    plsc.subcore_barrier()
    pltpu.sync_copy(fh_acc, fh_out.at[wid])
    pltpu.sync_copy(fk_sh.at[pl.ds(sid * _RPT, _RPT)],
                    fk_out.at[cid, pl.ds(sid * _RPT, _RPT)])


def _edge_phase(sK, g, weights, ind_K, ind_HK, w1, b1, w2):
    gp = jnp.pad(g, (0, _NP - _N))
    wflat = weights.reshape(-1)
    i0 = jnp.pad(ind_HK[:, 0], (0, 16))
    i1 = jnp.pad(ind_HK[:, 1], (0, 16))
    j0 = jnp.pad(ind_K[:, 0], (0, 16))
    j1 = jnp.pad(ind_K[:, 1], (0, 16))
    w1d = 2.0 * w1.reshape(_H_MLP)
    b2 = 2.0 * b1
    w2r = w2.reshape(_H_MLP)
    zfh = jnp.zeros((_NP,), jnp.float32)
    zfk = jnp.zeros((_RPT, _D), jnp.float32)

    run = pl.kernel(
        _edge_body,
        mesh=plsc.VectorSubcoreMesh(core_axis_name="c", subcore_axis_name="s"),
        out_type=[
            jax.ShapeDtypeStruct((32, _NP), jnp.float32),
            jax.ShapeDtypeStruct((2, _NP, _D), jnp.float32),
        ],
        scratch_types=[
            pltpu.VMEM((_NP,), jnp.float32),
            pltpu.VMEM((_NP,), jnp.float32),
            pltpu.VMEM((_C,), jnp.int32),
            pltpu.VMEM((_C,), jnp.int32),
            pltpu.VMEM((_C + 16,), jnp.int32),
            pltpu.VMEM((_C + 16,), jnp.int32),
            pltpu.VMEM((_C + 16,), jnp.int32),
            pltpu.VMEM((_C + 16,), jnp.int32),
            pltpu.VMEM((_C + 16,), jnp.float32),
            pltpu.VMEM((_C + 16,), jnp.float32),
            pltpu.VMEM((_C, _D), jnp.float32),
            pltpu.VMEM((_C, _D), jnp.float32),
            pltpu.VMEM((64,), jnp.float32),
            pltpu.VMEM((_H_MLP,), jnp.float32),
            pltpu.VMEM((_H_MLP,), jnp.float32),
            pltpu.VMEM((_H_MLP,), jnp.float32),
            pltpu.VMEM_SHARED((_NP, _D), jnp.float32),
            pltpu.SemaphoreType.DMA,
        ],
    )
    fh_part, fk_part = run(sK, gp, wflat, i0, i1, j0, j1,
                           w1d, b2, w2r, zfh, zfk)
    return fh_part.sum(axis=0)[:_N], fk_part.sum(axis=0)[:_N]


def kernel(t, state_H, state_K, ind_K, ind_HK, weights, omega, w1, b1, w2):
    sK = state_K / jnp.linalg.norm(state_K, axis=1, keepdims=True)
    g = jnp.tanh(state_H)
    Wg = _sym_matvec(weights, g)

    fh_edges, f_K = _edge_phase(sK, g, weights, ind_K, ind_HK, w1, b1, w2)
    f_H = -state_H + Wg + fh_edges

    f_K = (
        -f_K
        + sK * jnp.sum(sK * f_K, axis=1, keepdims=True)
        + sK @ ((omega - omega.T) / 2.0)
    )
    return (f_H, f_K)

# --- scband reference (transcript-rebuilt; emitter-appended) ---
"""Pipeline reference for scband-hopfield-kuramoto-multiplicative-75110388072808 (READ-ONLY COPY).

The authoritative reference and input builder live on the scoring server;
editing this copy changes nothing except your own understanding.
"""

import jax, jax.numpy as jnp
import numpy as np

N = 10000
D = 128
E = 320000
H_MLP = 64
EPS_K = 0.1
KAPPA_K = 1.0
KAPPA_H = 1.0


def _interaction_K(s, w1, b1, w2):
    # concrete stand-in for the abstract interaction module: dE/ds via a 2-layer MLP
    h = jnp.tanh(s[:, None] @ w1 + b1)
    return EPS_K * (h @ w2)[:, 0]


def _forward(t, state_H, state_K, ind_K, ind_HK, weights, omega, w1, b1, w2):
    # normalize Kuramoto oscillator states onto the unit sphere
    state_K = state_K / jnp.linalg.norm(state_K, axis=1, keepdims=True)
    # symmetrized Hopfield coupling
    W = (weights + weights.T) / 2.0
    # Hopfield nonlinearity g (stand-in for Hopfield_model.LNet.get_g)
    g = jnp.tanh(state_H)
    # base Hopfield dynamics (stand-in for Hopfield_model(t, state_H, args))
    f_H = -state_H + W @ g
    i0 = ind_HK[:, 0]
    i1 = ind_HK[:, 1]
    Gram = jnp.sum(state_K[i0] * state_K[i1], axis=1)
    f_H = f_H.at[i0].add(Gram * W[i0, i1] * g[i1] / KAPPA_H)
    f_H = f_H.at[i1].add(Gram * W[i1, i0] * g[i0] / KAPPA_H)
    j0 = ind_K[:, 0]
    j1 = ind_K[:, 1]
    s = jnp.sum(state_K[j0] * state_K[j1], axis=1)
    dE_ds = jnp.expand_dims(_interaction_K(s, w1, b1, w2), 1)
    f_K = jnp.zeros_like(state_K)
    f_K = f_K.at[j0].add(dE_ds * state_K[j1])
    f_K = f_K.at[j1].add(dE_ds * state_K[j0])
    G = jnp.expand_dims(g[i0] * g[i1], 1)
    Wij = jnp.expand_dims(W[i0, i1], 1)
    f_K = f_K.at[i0].add(-G * Wij * state_K[i1] / KAPPA_K)
    f_K = f_K.at[i1].add(-G * Wij * state_K[i0] / KAPPA_K)
    f_K = -f_K + state_K * jnp.sum(state_K * f_K, axis=1, keepdims=True) + state_K @ (omega - omega.T) / 2.0
    return (f_H, f_K)


def setup_inputs(seed: int = 0):
    key = jax.random.key(seed)
    ks = jax.random.split(key, 8)
    t = jnp.zeros(())
    state_H = jax.random.normal(ks[0], (N,), dtype=jnp.float32)
    state_K = jax.random.normal(ks[1], (N, D), dtype=jnp.float32)
    ind_K = jax.random.randint(ks[2], (E, 2), 0, N, dtype=jnp.int32)
    ind_HK = jax.random.randint(ks[3], (E, 2), 0, N, dtype=jnp.int32)
    weights = 0.01 * jax.random.normal(ks[4], (N, N), dtype=jnp.float32)
    omega = jax.random.normal(ks[5], (D, D), dtype=jnp.float32)
    w1 = 0.5 * jax.random.normal(ks[6], (1, H_MLP), dtype=jnp.float32)
    b1 = jnp.zeros((H_MLP,), dtype=jnp.float32)
    w2 = 0.5 * jax.random.normal(ks[7], (H_MLP, 1), dtype=jnp.float32)
    return {"t": t, "state_H": state_H, "state_K": state_K, "ind_K": ind_K, "ind_HK": ind_HK, "weights": weights, "omega": omega, "w1": w1, "b1": b1, "w2": w2}


def reference(t, state_H, state_K, ind_K, ind_HK, weights, omega, w1, b1, w2):
    return _forward(t, state_H, state_K, ind_K, ind_HK, weights, omega, w1, b1, w2)

if __name__ == "__main__":
    import jax
    _d = setup_inputs()
    print(jax.jit(kernel)(*tuple(_d.values())))

</pallas_src>

<mosaic_0001>
#map = affine_map<(d0, d1) -> (0, 0)>
#map1 = affine_map<(d0, d1) -> (0)>
#map2 = affine_map<(d0, d1) -> (0, 0, 0)>
module attributes {stable_mosaic.version = 14 : i64} {
  func.func @_edge_body(%arg0: i32, %arg1: i32, %arg2: memref<10000x128xf32, #tpu.memory_space<hbm>>, %arg3: memref<10240xf32, #tpu.memory_space<hbm>>, %arg4: memref<100000000xf32, #tpu.memory_space<hbm>>, %arg5: memref<320016xi32, #tpu.memory_space<hbm>>, %arg6: memref<320016xi32, #tpu.memory_space<hbm>>, %arg7: memref<320016xi32, #tpu.memory_space<hbm>>, %arg8: memref<320016xi32, #tpu.memory_space<hbm>>, %arg9: memref<64xf32, #tpu.memory_space<hbm>>, %arg10: memref<64xf32, #tpu.memory_space<hbm>>, %arg11: memref<64xf32, #tpu.memory_space<hbm>>, %arg12: memref<10240xf32, #tpu.memory_space<hbm>>, %arg13: memref<640x128xf32, #tpu.memory_space<hbm>>, %arg14: memref<32x10240xf32, #tpu.memory_space<hbm>>, %arg15: memref<2x10240x128xf32, #tpu.memory_space<hbm>>, %arg16: memref<10240xf32, #tpu.memory_space<vmem>>, %arg17: memref<10240xf32, #tpu.memory_space<vmem>>, %arg18: memref<80xi32, #tpu.memory_space<vmem>>, %arg19: memref<80xi32, #tpu.memory_space<vmem>>, %arg20: memref<96xi32, #tpu.memory_space<vmem>>, %arg21: memref<96xi32, #tpu.memory_space<vmem>>, %arg22: memref<96xi32, #tpu.memory_space<vmem>>, %arg23: memref<96xi32, #tpu.memory_space<vmem>>, %arg24: memref<96xf32, #tpu.memory_space<vmem>>, %arg25: memref<96xf32, #tpu.memory_space<vmem>>, %arg26: memref<80x128xf32, #tpu.memory_space<vmem>>, %arg27: memref<80x128xf32, #tpu.memory_space<vmem>>, %arg28: memref<64xf32, #tpu.memory_space<vmem>>, %arg29: memref<64xf32, #tpu.memory_space<vmem>>, %arg30: memref<64xf32, #tpu.memory_space<vmem>>, %arg31: memref<64xf32, #tpu.memory_space<vmem>>, %arg32: memref<10240x128xf32, #tpu.memory_space<vmem_shared>>, %arg33: memref<!tpu.dma_semaphore, #tpu.memory_space<semaphore_mem>>) attributes {dimension_semantics = [#tpu.dimension_semantics<core_parallel>, #tpu.dimension_semantics<subcore_parallel>], iteration_bounds = array<i64: 2, 16>, scalar_prefetch = 0 : i64, scratch_operands = 18 : i64, tpu.core_type = #tpu.core_type<sc_vector_subcore>, window_params = [{transform_indices = #map}, {transform_indices = #map1}, {transform_indices = #map1}, {transform_indices = #map1}, {transform_indices = #map1}, {transform_indices = #map1}, {transform_indices = #map1}, {transform_indices = #map1}, {transform_indices = #map1}, {transform_indices = #map1}, {transform_indices = #map1}, {transform_indices = #map}, {transform_indices = #map}, {transform_indices = #map2}]} {
    %mul3A = arith.constant 2 : i32
    %mul3A_0 = arith.muli %arg1, %mul3A : i32
    %add3A = arith.addi %mul3A_0, %arg0 : i32
    "tpu.region"() ({
      %run_scoped3A = tpu.sem_alloc : memref<!tpu.dma_semaphore, #tpu.memory_space<semaphore_mem>>
      tpu.enqueue_dma source(%arg3 : memref<10240xf32, #tpu.memory_space<hbm>>) target(%arg16 : memref<10240xf32, #tpu.memory_space<vmem>>) target_semaphore(%run_scoped3A : memref<!tpu.dma_semaphore, #tpu.memory_space<semaphore_mem>>)
      tpu.wait_dma2 semaphore(%run_scoped3A : memref<!tpu.dma_semaphore, #tpu.memory_space<semaphore_mem>>) src(%arg3 : memref<10240xf32, #tpu.memory_space<hbm>>) dst(%arg16 : memref<10240xf32, #tpu.memory_space<vmem>>)
      tpu.yield
    }) : () -> ()
    "tpu.region"() ({
      %run_scoped3A = tpu.sem_alloc : memref<!tpu.dma_semaphore, #tpu.memory_space<semaphore_mem>>
      tpu.enqueue_dma source(%arg9 : memref<64xf32, #tpu.memory_space<hbm>>) target(%arg29 : memref<64xf32, #tpu.memory_space<vmem>>) target_semaphore(%run_scoped3A : memref<!tpu.dma_semaphore, #tpu.memory_space<semaphore_mem>>)
      tpu.wait_dma2 semaphore(%run_scoped3A : memref<!tpu.dma_semaphore, #tpu.memory_space<semaphore_mem>>) src(%arg9 : memref<64xf32, #tpu.memory_space<hbm>>) dst(%arg29 : memref<64xf32, #tpu.memory_space<vmem>>)
      tpu.yield
    }) : () -> ()
    "tpu.region"() ({
      %run_scoped3A = tpu.sem_alloc : memref<!tpu.dma_semaphore, #tpu.memory_space<semaphore_mem>>
      tpu.enqueue_dma source(%arg10 : memref<64xf32, #tpu.memory_space<hbm>>) target(%arg30 : memref<64xf32, #tpu.memory_space<vmem>>) target_semaphore(%run_scoped3A : memref<!tpu.dma_semaphore, #tpu.memory_space<semaphore_mem>>)
      tpu.wait_dma2 semaphore(%run_scoped3A : memref<!tpu.dma_semaphore, #tpu.memory_space<semaphore_mem>>) src(%arg10 : memref<64xf32, #tpu.memory_space<hbm>>) dst(%arg30 : memref<64xf32, #tpu.memory_space<vmem>>)
      tpu.yield
    }) : () -> ()
    "tpu.region"() ({
      %run_scoped3A = tpu.sem_alloc : memref<!tpu.dma_semaphore, #tpu.memory_space<semaphore_mem>>
      tpu.enqueue_dma source(%arg11 : memref<64xf32, #tpu.memory_space<hbm>>) target(%arg31 : memref<64xf32, #tpu.memory_space<vmem>>) target_semaphore(%run_scoped3A : memref<!tpu.dma_semaphore, #tpu.memory_space<semaphore_mem>>)
      tpu.wait_dma2 semaphore(%run_scoped3A : memref<!tpu.dma_semaphore, #tpu.memory_space<semaphore_mem>>) src(%arg11 : memref<64xf32, #tpu.memory_space<hbm>>) dst(%arg31 : memref<64xf32, #tpu.memory_space<vmem>>)
      tpu.yield
    }) : () -> ()
    "tpu.region"() ({
      %run_scoped3A = tpu.sem_alloc : memref<!tpu.dma_semaphore, #tpu.memory_space<semaphore_mem>>
      tpu.enqueue_dma source(%arg12 : memref<10240xf32, #tpu.memory_space<hbm>>) target(%arg17 : memref<10240xf32, #tpu.memory_space<vmem>>) target_semaphore(%run_scoped3A : memref<!tpu.dma_semaphore, #tpu.memory_space<semaphore_mem>>)
      tpu.wait_dma2 semaphore(%run_scoped3A : memref<!tpu.dma_semaphore, #tpu.memory_space<semaphore_mem>>) src(%arg12 : memref<10240xf32, #tpu.memory_space<hbm>>) dst(%arg17 : memref<10240xf32, #tpu.memory_space<vmem>>)
      tpu.yield
    }) : () -> ()
    %mul3A_1 = arith.constant 640 : i32
    %mul3A_2 = arith.muli %arg1, %mul3A_1 : i32
    "tpu.region"() ({
      %run_scoped3A = tpu.sem_alloc : memref<!tpu.dma_semaphore, #tpu.memory_space<semaphore_mem>>
      %dma_start3A = arith.constant 0 : i32
      %dma_start3A_58 = tpu.memref_slice %arg32[%mul3A_2, %dma_start3A] : memref<10240x128xf32, #tpu.memory_space<vmem_shared>> -> memref<640x128xf32, #tpu.memory_space<vmem_shared>>
      tpu.enqueue_dma source(%arg13 : memref<640x128xf32, #tpu.memory_space<hbm>>) target(%dma_start3A_58 : memref<640x128xf32, #tpu.memory_space<vmem_shared>>) target_semaphore(%run_scoped3A : memref<!tpu.dma_semaphore, #tpu.memory_space<semaphore_mem>>)
      %dma_wait3A = arith.constant 0 : i32
      %dma_wait3A_59 = tpu.memref_slice %arg32[%mul3A_2, %dma_wait3A] : memref<10240x128xf32, #tpu.memory_space<vmem_shared>> -> memref<640x128xf32, #tpu.memory_space<vmem_shared>>
      tpu.wait_dma2 semaphore(%run_scoped3A : memref<!tpu.dma_semaphore, #tpu.memory_space<semaphore_mem>>) src(%arg13 : memref<640x128xf32, #tpu.memory_space<hbm>>) dst(%dma_wait3A_59 : memref<640x128xf32, #tpu.memory_space<vmem_shared>>)
      tpu.yield
    }) : () -> ()
    %barrier3A = arith.constant 0 : index
    tpu.barrier barrier_id(%barrier3A)
    %iota3A = tpu.iota {dimensions = array<i32: 0>} : vector<16xi32>
    %eq3A = arith.constant 0 : i32
    %eq3A_3 = vector.broadcast %eq3A : i32 to vector<16xi32>
    %eq3A_4 = arith.cmpi eq, %iota3A, %eq3A_3 : vector<16xi32>
    %get3A = arith.constant 0 : index
    %get3A_5 = tpu.vector_load %arg29[%get3A] {strides = array<i32>} : memref<64xf32, #tpu.memory_space<vmem>>, vector<16xf32>,
    %get3A_6 = vector.shape_cast %get3A_5 : vector<16xf32> to vector<16xf32>
    %get3A_7 = arith.constant 16 : index
    %get3A_8 = tpu.vector_load %arg29[%get3A_7] {strides = array<i32>} : memref<64xf32, #tpu.memory_space<vmem>>, vector<16xf32>,
    %get3A_9 = vector.shape_cast %get3A_8 : vector<16xf32> to vector<16xf32>
    %get3A_10 = arith.constant 32 : index
    %get3A_11 = tpu.vector_load %arg29[%get3A_10] {strides = array<i32>} : memref<64xf32, #tpu.memory_space<vmem>>, vector<16xf32>,
    %get3A_12 = vector.shape_cast %get3A_11 : vector<16xf32> to vector<16xf32>
    %get3A_13 = arith.constant 48 : index
    %get3A_14 = tpu.vector_load %arg29[%get3A_13] {strides = array<i32>} : memref<64xf32, #tpu.memory_space<vmem>>, vector<16xf32>,
    %get3A_15 = vector.shape_cast %get3A_14 : vector<16xf32> to vector<16xf32>
    %get3A_16 = arith.constant 0 : index
    %get3A_17 = tpu.vector_load %arg30[%get3A_16] {strides = array<i32>} : memref<64xf32, #tpu.memory_space<vmem>>, vector<16xf32>,
    %get3A_18 = vector.shape_cast %get3A_17 : vector<16xf32> to vector<16xf32>
    %get3A_19 = arith.constant 16 : index
    %get3A_20 = tpu.vector_load %arg30[%get3A_19] {strides = array<i32>} : memref<64xf32, #tpu.memory_space<vmem>>, vector<16xf32>,
    %get3A_21 = vector.shape_cast %get3A_20 : vector<16xf32> to vector<16xf32>
    %get3A_22 = arith.constant 32 : index
    %get3A_23 = tpu.vector_load %arg30[%get3A_22] {strides = array<i32>} : memref<64xf32, #tpu.memory_space<vmem>>, vector<16xf32>,
    %get3A_24 = vector.shape_cast %get3A_23 : vector<16xf32> to vector<16xf32>
    %get3A_25 = arith.constant 48 : index
    %get3A_26 = tpu.vector_load %arg30[%get3A_25] {strides = array<i32>} : memref<64xf32, #tpu.memory_space<vmem>>, vector<16xf32>,
    %get3A_27 = vector.shape_cast %get3A_26 : vector<16xf32> to vector<16xf32>
    %get3A_28 = arith.constant 0 : index
    %get3A_29 = tpu.vector_load %arg31[%get3A_28] {strides = array<i32>} : memref<64xf32, #tpu.memory_space<vmem>>, vector<16xf32>,
    %get3A_30 = vector.shape_cast %get3A_29 : vector<16xf32> to vector<16xf32>
    %get3A_31 = arith.constant 16 : index
    %get3A_32 = tpu.vector_load %arg31[%get3A_31] {strides = array<i32>} : memref<64xf32, #tpu.memory_space<vmem>>, vector<16xf32>,
    %get3A_33 = vector.shape_cast %get3A_32 : vector<16xf32> to vector<16xf32>
    %get3A_34 = arith.constant 32 : index
    %get3A_35 = tpu.vector_load %arg31[%get3A_34] {strides = array<i32>} : memref<64xf32, #tpu.memory_space<vmem>>, vector<16xf32>,
    %get3A_36 = vector.shape_cast %get3A_35 : vector<16xf32> to vector<16xf32>
    %get3A_37 = arith.constant 48 : index
    %get3A_38 = tpu.vector_load %arg31[%get3A_37] {strides = array<i32>} : memref<64xf32, #tpu.memory_space<vmem>>, vector<16xf32>,
    %get3A_39 = vector.shape_cast %get3A_38 : vector<16xf32> to vector<16xf32>
    %scan3A = arith.constant 0 : i32
    %scan3A_40 = arith.constant 0 : i32
    %scan3A_41 = arith.constant 125 : i32
    %scan3A_42 = arith.addi %scan3A_40, %scan3A_41 : i32
    %scan3A_43 = arith.constant 1 : i32
    %scan3A_44 = scf.for %scan3A_58 = %scan3A_40 to %scan3A_42 step %scan3A_43 iter_args(%scan3A_59 = %scan3A) -> (i32)  : i32 {
      %mul3A_60 = arith.constant 10000 : i32
      %mul3A_61 = arith.muli %add3A, %mul3A_60 : i32
      %mul3A_62 = arith.constant 80 : i32
      %mul3A_63 = arith.muli %scan3A_58, %mul3A_62 : i32
      %add3A_64 = arith.addi %mul3A_61, %mul3A_63 : i32
      %dma_start3A = tpu.memref_slice %arg5[%add3A_64] : memref<320016xi32, #tpu.memory_space<hbm>> -> memref<80xi32, #tpu.memory_space<hbm>>
      %dma_start3A_65 = tpu.memref_slice %arg5[%add3A_64] : memref<320016xi32, #tpu.memory_space<hbm>> -> memref<80xi32, #tpu.memory_space<hbm>>
      tpu.enqueue_dma source(%dma_start3A_65 : memref<80xi32, #tpu.memory_space<hbm>>) target(%arg18 : memref<80xi32, #tpu.memory_space<vmem>>) target_semaphore(%arg33 : memref<!tpu.dma_semaphore, #tpu.memory_space<semaphore_mem>>)
      %dma_start3A_66 = tpu.memref_slice %arg6[%add3A_64] : memref<320016xi32, #tpu.memory_space<hbm>> -> memref<80xi32, #tpu.memory_space<hbm>>
      %dma_start3A_67 = tpu.memref_slice %arg6[%add3A_64] : memref<320016xi32, #tpu.memory_space<hbm>> -> memref<80xi32, #tpu.memory_space<hbm>>
      tpu.enqueue_dma source(%dma_start3A_67 : memref<80xi32, #tpu.memory_space<hbm>>) target(%arg19 : memref<80xi32, #tpu.memory_space<vmem>>) target_semaphore(%arg33 : memref<!tpu.dma_semaphore, #tpu.memory_space<semaphore_mem>>)
      %dma_start3A_68 = tpu.memref_slice %arg5[%add3A_64] : memref<320016xi32, #tpu.memory_space<hbm>> -> memref<96xi32, #tpu.memory_space<hbm>>
      %dma_start3A_69 = tpu.memref_slice %arg5[%add3A_64] : memref<320016xi32, #tpu.memory_space<hbm>> -> memref<96xi32, #tpu.memory_space<hbm>>
      tpu.enqueue_dma source(%dma_start3A_69 : memref<96xi32, #tpu.memory_space<hbm>>) target(%arg20 : memref<96xi32, #tpu.memory_space<vmem>>) target_semaphore(%arg33 : memref<!tpu.dma_semaphore, #tpu.memory_space<semaphore_mem>>)
      %dma_start3A_70 = tpu.memref_slice %arg6[%add3A_64] : memref<320016xi32, #tpu.memory_space<hbm>> -> memref<96xi32, #tpu.memory_space<hbm>>
      %dma_start3A_71 = tpu.memref_slice %arg6[%add3A_64] : memref<320016xi32, #tpu.memory_space<hbm>> -> memref<96xi32, #tpu.memory_space<hbm>>
      tpu.enqueue_dma source(%dma_start3A_71 : memref<96xi32, #tpu.memory_space<hbm>>) target(%arg21 : memref<96xi32, #tpu.memory_space<vmem>>) target_semaphore(%arg33 : memref<!tpu.dma_semaphore, #tpu.memory_space<semaphore_mem>>)
      %dma_wait3A = tpu.memref_slice %arg5[%add3A_64] : memref<320016xi32, #tpu.memory_space<hbm>> -> memref<80xi32, #tpu.memory_space<hbm>>
      %dma_wait3A_72 = tpu.memref_slice %arg5[%add3A_64] : memref<320016xi32, #tpu.memory_space<hbm>> -> memref<80xi32, #tpu.memory_space<hbm>>
      tpu.wait_dma2 semaphore(%arg33 : memref<!tpu.dma_semaphore, #tpu.memory_space<semaphore_mem>>) src(%dma_wait3A_72 : memref<80xi32, #tpu.memory_space<hbm>>) dst(%arg18 : memref<80xi32, #tpu.memory_space<vmem>>)
      %dma_wait3A_73 = tpu.memref_slice %arg6[%add3A_64] : memref<320016xi32, #tpu.memory_space<hbm>> -> memref<80xi32, #tpu.memory_space<hbm>>
      %dma_wait3A_74 = tpu.memref_slice %arg6[%add3A_64] : memref<320016xi32, #tpu.memory_space<hbm>> -> memref<80xi32, #tpu.memory_space<hbm>>
      tpu.wait_dma2 semaphore(%arg33 : memref<!tpu.dma_semaphore, #tpu.memory_space<semaphore_mem>>) src(%dma_wait3A_74 : memref<80xi32, #tpu.memory_space<hbm>>) dst(%arg19 : memref<80xi32, #tpu.memory_space<vmem>>)
      %dma_wait3A_75 = tpu.memref_slice %arg5[%add3A_64] : memref<320016xi32, #tpu.memory_space<hbm>> -> memref<96xi32, #tpu.memory_space<hbm>>
      %dma_wait3A_76 = tpu.memref_slice %arg5[%add3A_64] : memref<320016xi32, #tpu.memory_space<hbm>> -> memref<96xi32, #tpu.memory_space<hbm>>
      tpu.wait_dma2 semaphore(%arg33 : memref<!tpu.dma_semaphore, #tpu.memory_space<semaphore_mem>>) src(%dma_wait3A_76 : memref<96xi32, #tpu.memory_space<hbm>>) dst(%arg20 : memref<96xi32, #tpu.memory_space<vmem>>)
      %dma_wait3A_77 = tpu.memref_slice %arg6[%add3A_64] : memref<320016xi32, #tpu.memory_space<hbm>> -> memref<96xi32, #tpu.memory_space<hbm>>
      %dma_wait3A_78 = tpu.memref_slice %arg6[%add3A_64] : memref<320016xi32, #tpu.memory_space<hbm>> -> memref<96xi32, #tpu.memory_space<hbm>>
      tpu.wait_dma2 semaphore(%arg33 : memref<!tpu.dma_semaphore, #tpu.memory_space<semaphore_mem>>) src(%dma_wait3A_78 : memref<96xi32, #tpu.memory_space<hbm>>) dst(%arg21 : memref<96xi32, #tpu.memory_space<vmem>>)
      %dma_start3A_79 = arith.constant 0 : i32
      %dma_start3A_80 = arith.constant 0 : i32
      %dma_start3A_81 = tpu.memref_slice %arg2[%dma_start3A_79, %dma_start3A_80] : memref<10000x128xf32, #tpu.memory_space<hbm>> -> memref<10000x128xf32, #tpu.memory_space<hbm>>
      tpu.enqueue_indirect_dma source(%dma_start3A_81 : memref<10000x128xf32, #tpu.memory_space<hbm>>) target(%arg26 : memref<80x128xf32, #tpu.memory_space<vmem>>) offsets(%arg18 : memref<80xi32, #tpu.memory_space<vmem>>) semaphore(%arg33 : memref<!tpu.dma_semaphore, #tpu.memory_space<semaphore_mem>>)
      %dma_start3A_82 = arith.constant 0 : i32
      %dma_start3A_83 = arith.constant 0 : i32
      %dma_start3A_84 = tpu.memref_slice %arg2[%dma_start3A_82, %dma_start3A_83] : memref<10000x128xf32, #tpu.memory_space<hbm>> -> memref<10000x128xf32, #tpu.memory_space<hbm>>
      tpu.enqueue_indirect_dma source(%dma_start3A_84 : memref<10000x128xf32, #tpu.memory_space<hbm>>) target(%arg27 : memref<80x128xf32, #tpu.memory_space<vmem>>) offsets(%arg19 : memref<80xi32, #tpu.memory_space<vmem>>) semaphore(%arg33 : memref<!tpu.dma_semaphore, #tpu.memory_space<semaphore_mem>>)
      %scan3A_85 = arith.constant 0 : i32
      %scan3A_86 = arith.constant 0 : i32
      %scan3A_87 = arith.constant 6 : i32
      %scan3A_88 = arith.addi %scan3A_86, %scan3A_87 : i32
      %scan3A_89 = arith.constant 1 : i32
      %scan3A_90 = scf.for %scan3A_114 = %scan3A_86 to %scan3A_88 step %scan3A_89 iter_args(%scan3A_115 = %scan3A_85) -> (i32)  : i32 {
        %mul3A_116 = arith.constant 16 : i32
        %mul3A_117 = arith.muli %scan3A_114, %mul3A_116 : i32
        %get3A_118 = arith.index_cast %mul3A_117 : i32 to index
        %get3A_119 = tpu.vector_load %arg20[%get3A_118] {strides = array<i32>} : memref<96xi32, #tpu.memory_space<vmem>>, vector<16xi32>,
        %get3A_120 = vector.shape_cast %get3A_119 : vector<16xi32> to vector<16xi32>
        %mul3A_121 = arith.constant 16 : i32
        %mul3A_122 = arith.muli %scan3A_114, %mul3A_121 : i32
        %get3A_123 = arith.index_cast %mul3A_122 : i32 to index
        %get3A_124 = tpu.vector_load %arg21[%get3A_123] {strides = array<i32>} : memref<96xi32, #tpu.memory_space<vmem>>, vector<16xi32>,
        %get3A_125 = vector.shape_cast %get3A_124 : vector<16xi32> to vector<16xi32>
        %mul3A_126 = arith.constant 10000 : i32
        %mul3A_127 = vector.broadcast %mul3A_126 : i32 to vector<16xi32>
        %mul3A_128 = arith.muli %get3A_120, %mul3A_127 : vector<16xi32>
        %add3A_129 = arith.addi %mul3A_128, %get3A_125 : vector<16xi32>
        %mul3A_130 = arith.constant 16 : i32
        %mul3A_131 = arith.muli %scan3A_114, %mul3A_130 : i32
        %swap3A = arith.index_cast %mul3A_131 : i32 to index
        %swap3A_132 = tpu.vector_load %arg22[%swap3A] {strides = array<i32>} : memref<96xi32, #tpu.memory_space<vmem>>, vector<16xi32>,
        %swap3A_133 = vector.shape_cast %swap3A_132 : vector<16xi32> to vector<16xi32>
        %swap3A_134 = vector.shape_cast %add3A_129 : vector<16xi32> to vector<16xi32>
        tpu.vector_store %arg22[%swap3A], %swap3A_134 {strides = array<i32>} : memref<96xi32, #tpu.memory_space<vmem>>, vector<16xi32>,
        %mul3A_135 = arith.constant 10000 : i32
        %mul3A_136 = vector.broadcast %mul3A_135 : i32 to vector<16xi32>
        %mul3A_137 = arith.muli %get3A_125, %mul3A_136 : vector<16xi32>
        %add3A_138 = arith.addi %mul3A_137, %get3A_120 : vector<16xi32>
        %mul3A_139 = arith.constant 16 : i32
        %mul3A_140 = arith.muli %scan3A_114, %mul3A_139 : i32
        %swap3A_141 = arith.index_cast %mul3A_140 : i32 to index
        %swap3A_142 = tpu.vector_load %arg23[%swap3A_141] {strides = array<i32>} : memref<96xi32, #tpu.memory_space<vmem>>, vector<16xi32>,
        %swap3A_143 = vector.shape_cast %swap3A_142 : vector<16xi32> to vector<16xi32>
        %swap3A_144 = vector.shape_cast %add3A_138 : vector<16xi32> to vector<16xi32>
        tpu.vector_store %arg23[%swap3A_141], %swap3A_144 {strides = array<i32>} : memref<96xi32, #tpu.memory_space<vmem>>, vector<16xi32>,
        %scan3A_145 = arith.constant 0 : i32
        scf.yield %scan3A_145 : i32
      }
      %scan3A_91 = arith.constant 6 : i32
      %dma_start3A_92 = arith.constant 0 : i32
      %dma_start3A_93 = tpu.memref_slice %arg4[%dma_start3A_92] : memref<100000000xf32, #tpu.memory_space<hbm>> -> memref<100000000xf32, #tpu.memory_space<hbm>>
      tpu.enqueue_indirect_dma source(%dma_start3A_93 : memref<100000000xf32, #tpu.memory_space<hbm>>) target(%arg24 : memref<96xf32, #tpu.memory_space<vmem>>) offsets(%arg22 : memref<96xi32, #tpu.memory_space<vmem>>) semaphore(%arg33 : memref<!tpu.dma_semaphore, #tpu.memory_space<semaphore_mem>>)
      %dma_start3A_94 = arith.constant 0 : i32
      %dma_start3A_95 = tpu.memref_slice %arg4[%dma_start3A_94] : memref<100000000xf32, #tpu.memory_space<hbm>> -> memref<100000000xf32, #tpu.memory_space<hbm>>
      tpu.enqueue_indirect_dma source(%dma_start3A_95 : memref<100000000xf32, #tpu.memory_space<hbm>>) target(%arg25 : memref<96xf32, #tpu.memory_space<vmem>>) offsets(%arg23 : memref<96xi32, #tpu.memory_space<vmem>>) semaphore(%arg33 : memref<!tpu.dma_semaphore, #tpu.memory_space<semaphore_mem>>)
      %dma_wait3A_96 = arith.constant 0 : i32
      %dma_wait3A_97 = arith.constant 0 : i32
      %dma_wait3A_98 = tpu.memref_slice %arg2[%dma_wait3A_96, %dma_wait3A_97] : memref<10000x128xf32, #tpu.memory_space<hbm>> -> memref<10000x128xf32, #tpu.memory_space<hbm>>
      tpu.wait_indirect_dma semaphore(%arg33 : memref<!tpu.dma_semaphore, #tpu.memory_space<semaphore_mem>>) src(%dma_wait3A_98 : memref<10000x128xf32, #tpu.memory_space<hbm>>) dst(%arg26 : memref<80x128xf32, #tpu.memory_space<vmem>>)
      %dma_wait3A_99 = arith.constant 0 : i32
      %dma_wait3A_100 = arith.constant 0 : i32
      %dma_wait3A_101 = tpu.memref_slice %arg2[%dma_wait3A_99, %dma_wait3A_100] : memref<10000x128xf32, #tpu.memory_space<hbm>> -> memref<10000x128xf32, #tpu.memory_space<hbm>>
      tpu.wait_indirect_dma semaphore(%arg33 : memref<!tpu.dma_semaphore, #tpu.memory_space<semaphore_mem>>) src(%dma_wait3A_101 : memref<10000x128xf32, #tpu.memory_space<hbm>>) dst(%arg27 : memref<80x128xf32, #tpu.memory_space<vmem>>)
      %dma_wait3A_102 = arith.constant 0 : i32
      %dma_wait3A_103 = tpu.memref_slice %arg4[%dma_wait3A_102] : memref<100000000xf32, #tpu.memory_space<hbm>> -> memref<100000000xf32, #tpu.memory_space<hbm>>
      tpu.wait_indirect_dma semaphore(%arg33 : memref<!tpu.dma_semaphore, #tpu.memory_space<semaphore_mem>>) src(%dma_wait3A_103 : memref<100000000xf32, #tpu.memory_space<hbm>>) dst(%arg24 : memref<96xf32, #tpu.memory_space<vmem>>)
      %dma_wait3A_104 = arith.constant 0 : i32
      %dma_wait3A_105 = tpu.memref_slice %arg4[%dma_wait3A_104] : memref<100000000xf32, #tpu.memory_space<hbm>> -> memref<100000000xf32, #tpu.memory_space<hbm>>
      tpu.wait_indirect_dma semaphore(%arg33 : memref<!tpu.dma_semaphore, #tpu.memory_space<semaphore_mem>>) src(%dma_wait3A_105 : memref<100000000xf32, #tpu.memory_space<hbm>>) dst(%arg25 : memref<96xf32, #tpu.memory_space<vmem>>)
      %scan3A_106 = arith.constant 0 : i32
      %scan3A_107 = arith.constant 0 : i32
      %scan3A_108 = arith.constant 40 : i32
      %scan3A_109 = arith.addi %scan3A_107, %scan3A_108 : i32
      %scan3A_110 = arith.constant 1 : i32
      %scan3A_111 = scf.for %scan3A_114 = %scan3A_107 to %scan3A_109 step %scan3A_110 iter_args(%scan3A_115 = %scan3A_106) -> (i32)  : i32 {
        %mul3A_116 = arith.constant 2 : i32
        %mul3A_117 = arith.muli %scan3A_114, %mul3A_116 : i32
        %get3A_118 = arith.index_cast %mul3A_117 : i32 to index
        %get3A_119 = arith.constant 0 : index
        %get3A_120 = tpu.vector_load %arg26[%get3A_118, %get3A_119] {strides = array<i32>} : memref<80x128xf32, #tpu.memory_space<vmem>>, vector<1x16xf32>,
        %get3A_121 = vector.shape_cast %get3A_120 : vector<1x16xf32> to vector<16xf32>
        %get3A_122 = arith.index_cast %mul3A_117 : i32 to index
        %get3A_123 = arith.constant 0 : index
        %get3A_124 = tpu.vector_load %arg27[%get3A_122, %get3A_123] {strides = array<i32>} : memref<80x128xf32, #tpu.memory_space<vmem>>, vector<1x16xf32>,
        %get3A_125 = vector.shape_cast %get3A_124 : vector<1x16xf32> to vector<16xf32>
        %mul3A_126 = arith.mulf %get3A_121, %get3A_125 : vector<16xf32>
        %get3A_127 = arith.index_cast %mul3A_117 : i32 to index
        %get3A_128 = arith.constant 16 : index
        %get3A_129 = tpu.vector_load %arg26[%get3A_127, %get3A_128] {strides = array<i32>} : memref<80x128xf32, #tpu.memory_space<vmem>>, vector<1x16xf32>,
        %get3A_130 = vector.shape_cast %get3A_129 : vector<1x16xf32> to vector<16xf32>
        %get3A_131 = arith.index_cast %mul3A_117 : i32 to index
        %get3A_132 = arith.constant 16 : index
        %get3A_133 = tpu.vector_load %arg27[%get3A_131, %get3A_132] {strides = array<i32>} : memref<80x128xf32, #tpu.memory_space<vmem>>, vector<1x16xf32>,
        %get3A_134 = vector.shape_cast %get3A_133 : vector<1x16xf32> to vector<16xf32>
        %mul3A_135 = arith.mulf %get3A_130, %get3A_134 : vector<16xf32>
        %add3A_136 = arith.addf %mul3A_126, %mul3A_135 : vector<16xf32>
        %get3A_137 = arith.index_cast %mul3A_117 : i32 to index
        %get3A_138 = arith.constant 32 : index
        %get3A_139 = tpu.vector_load %arg26[%get3A_137, %get3A_138] {strides = array<i32>} : memref<80x128xf32, #tpu.memory_space<vmem>>, vector<1x16xf32>,
        %get3A_140 = vector.shape_cast %get3A_139 : vector<1x16xf32> to vector<16xf32>
        %get3A_141 = arith.index_cast %mul3A_117 : i32 to index
        %get3A_142 = arith.constant 32 : index
        %get3A_143 = tpu.vector_load %arg27[%get3A_141, %get3A_142] {strides = array<i32>} : memref<80x128xf32, #tpu.memory_space<vmem>>, vector<1x16xf32>,
        %get3A_144 = vector.shape_cast %get3A_143 : vector<1x16xf32> to vector<16xf32>
        %mul3A_145 = arith.mulf %get3A_140, %get3A_144 : vector<16xf32>
        %add3A_146 = arith.addf %add3A_136, %mul3A_145 : vector<16xf32>
        %get3A_147 = arith.index_cast %mul3A_117 : i32 to index
        %get3A_148 = arith.constant 48 : index
        %get3A_149 = tpu.vector_load %arg26[%get3A_147, %get3A_148] {strides = array<i32>} : memref<80x128xf32, #tpu.memory_space<vmem>>, vector<1x16xf32>,
        %get3A_150 = vector.shape_cast %get3A_149 : vector<1x16xf32> to vector<16xf32>
        %get3A_151 = arith.index_cast %mul3A_117 : i32 to index
        %get3A_152 = arith.constant 48 : index
        %get3A_153 = tpu.vector_load %arg27[%get3A_151, %get3A_152] {strides = array<i32>} : memref<80x128xf32, #tpu.memory_space<vmem>>, vector<1x16xf32>,
        %get3A_154 = vector.shape_cast %get3A_153 : vector<1x16xf32> to vector<16xf32>
        %mul3A_155 = arith.mulf %get3A_150, %get3A_154 : vector<16xf32>
        %add3A_156 = arith.addf %add3A_146, %mul3A_155 : vector<16xf32>
        %get3A_157 = arith.index_cast %mul3A_117 : i32 to index
        %get3A_158 = arith.constant 64 : index
        %get3A_159 = tpu.vector_load %arg26[%get3A_157, %get3A_158] {strides = array<i32>} : memref<80x128xf32, #tpu.memory_space<vmem>>, vector<1x16xf32>,
        %get3A_160 = vector.shape_cast %get3A_159 : vector<1x16xf32> to vector<16xf32>
        %get3A_161 = arith.index_cast %mul3A_117 : i32 to index
        %get3A_162 = arith.constant 64 : index
        %get3A_163 = tpu.vector_load %arg27[%get3A_161, %get3A_162] {strides = array<i32>} : memref<80x128xf32, #tpu.memory_space<vmem>>, vector<1x16xf32>,
        %get3A_164 = vector.shape_cast %get3A_163 : vector<1x16xf32> to vector<16xf32>
        %mul3A_165 = arith.mulf %get3A_160, %get3A_164 : vector<16xf32>
        %add3A_166 = arith.addf %add3A_156, %mul3A_165 : vector<16xf32>
        %get3A_167 = arith.index_cast %mul3A_117 : i32 to index
        %get3A_168 = arith.constant 80 : index
        %get3A_169 = tpu.vector_load %arg26[%get3A_167, %get3A_168] {strides = array<i32>} : memref<80x128xf32, #tpu.memory_space<vmem>>, vector<1x16xf32>,
        %get3A_170 = vector.shape_cast %get3A_169 : vector<1x16xf32> to vector<16xf32>
        %get3A_171 = arith.index_cast %mul3A_117 : i32 to index
        %get3A_172 = arith.constant 80 : index
        %get3A_173 = tpu.vector_load %arg27[%get3A_171, %get3A_172] {strides = array<i32>} : memref<80x128xf32, #tpu.memory_space<vmem>>, vector<1x16xf32>,
        %get3A_174 = vector.shape_cast %get3A_173 : vector<1x16xf32> to vector<16xf32>
        %mul3A_175 = arith.mulf %get3A_170, %get3A_174 : vector<16xf32>
        %add3A_176 = arith.addf %add3A_166, %mul3A_175 : vector<16xf32>
        %get3A_177 = arith.index_cast %mul3A_117 : i32 to index
        %get3A_178 = arith.constant 96 : index
        %get3A_179 = tpu.vector_load %arg26[%get3A_177, %get3A_178] {strides = array<i32>} : memref<80x128xf32, #tpu.memory_space<vmem>>, vector<1x16xf32>,
        %get3A_180 = vector.shape_cast %get3A_179 : vector<1x16xf32> to vector<16xf32>
        %get3A_181 = arith.index_cast %mul3A_117 : i32 to index
        %get3A_182 = arith.constant 96 : index
        %get3A_183 = tpu.vector_load %arg27[%get3A_181, %get3A_182] {strides = array<i32>} : memref<80x128xf32, #tpu.memory_space<vmem>>, vector<1x16xf32>,
        %get3A_184 = vector.shape_cast %get3A_183 : vector<1x16xf32> to vector<16xf32>
        %mul3A_185 = arith.mulf %get3A_180, %get3A_184 : vector<16xf32>
        %add3A_186 = arith.addf %add3A_176, %mul3A_185 : vector<16xf32>
        %get3A_187 = arith.index_cast %mul3A_117 : i32 to index
        %get3A_188 = arith.constant 112 : index
        %get3A_189 = tpu.vector_load %arg26[%get3A_187, %get3A_188] {strides = array<i32>} : memref<80x128xf32, #tpu.memory_space<vmem>>, vector<1x16xf32>,
        %get3A_190 = vector.shape_cast %get3A_189 : vector<1x16xf32> to vector<16xf32>
        %get3A_191 = arith.index_cast %mul3A_117 : i32 to index
        %get3A_192 = arith.constant 112 : index
        %get3A_193 = tpu.vector_load %arg27[%get3A_191, %get3A_192] {strides = array<i32>} : memref<80x128xf32, #tpu.memory_space<vmem>>, vector<1x16xf32>,
        %get3A_194 = vector.shape_cast %get3A_193 : vector<1x16xf32> to vector<16xf32>
        %mul3A_195 = arith.mulf %get3A_190, %get3A_194 : vector<16xf32>
        %add3A_196 = arith.addf %add3A_186, %mul3A_195 : vector<16xf32>
        %swap3A = arith.constant 0 : index
        %swap3A_197 = tpu.vector_load %arg28[%swap3A] {strides = array<i32>} : memref<64xf32, #tpu.memory_space<vmem>>, vector<16xf32>,
        %swap3A_198 = vector.shape_cast %swap3A_197 : vector<16xf32> to vector<16xf32>
        %swap3A_199 = vector.shape_cast %add3A_196 : vector<16xf32> to vector<16xf32>
        tpu.vector_store %arg28[%swap3A], %swap3A_199 {strides = array<i32>} : memref<64xf32, #tpu.memory_space<vmem>>, vector<16xf32>,
        %get3A_200 = arith.constant 8 : index
        %get3A_201 = tpu.vector_load %arg28[%get3A_200] {strides = array<i32>} : memref<64xf32, #tpu.memory_space<vmem>>, vector<16xf32>,
        %get3A_202 = vector.shape_cast %get3A_201 : vector<16xf32> to vector<16xf32>
        %add3A_203 = arith.addf %add3A_196, %get3A_202 : vector<16xf32>
        %swap3A_204 = arith.constant 0 : index
        %swap3A_205 = tpu.vector_load %arg28[%swap3A_204] {strides = array<i32>} : memref<64xf32, #tpu.memory_space<vmem>>, vector<16xf32>,
        %swap3A_206 = vector.shape_cast %swap3A_205 : vector<16xf32> to vector<16xf32>
        %swap3A_207 = vector.shape_cast %add3A_203 : vector<16xf32> to vector<16xf32>
        tpu.vector_store %arg28[%swap3A_204], %swap3A_207 {strides = array<i32>} : memref<64xf32, #tpu.memory_space<vmem>>, vector<16xf32>,
        %get3A_208 = arith.constant 4 : index
        %get3A_209 = tpu.vector_load %arg28[%get3A_208] {strides = array<i32>} : memref<64xf32, #tpu.memory_space<vmem>>, vector<16xf32>,
        %get3A_210 = vector.shape_cast %get3A_209 : vector<16xf32> to vector<16xf32>
        %add3A_211 = arith.addf %add3A_203, %get3A_210 : vector<16xf32>
        %swap3A_212 = arith.constant 0 : index
        %swap3A_213 = tpu.vector_load %arg28[%swap3A_212] {strides = array<i32>} : memref<64xf32, #tpu.memory_space<vmem>>, vector<16xf32>,
        %swap3A_214 = vector.shape_cast %swap3A_213 : vector<16xf32> to vector<16xf32>
        %swap3A_215 = vector.shape_cast %add3A_211 : vector<16xf32> to vector<16xf32>
        tpu.vector_store %arg28[%swap3A_212], %swap3A_215 {strides = array<i32>} : memref<64xf32, #tpu.memory_space<vmem>>, vector<16xf32>,
        %get3A_216 = arith.constant 2 : index
        %get3A_217 = tpu.vector_load %arg28[%get3A_216] {strides = array<i32>} : memref<64xf32, #tpu.memory_space<vmem>>, vector<16xf32>,
        %get3A_218 = vector.shape_cast %get3A_217 : vector<16xf32> to vector<16xf32>
        %add3A_219 = arith.addf %add3A_211, %get3A_218 : vector<16xf32>
        %swap3A_220 = arith.constant 0 : index
        %swap3A_221 = tpu.vector_load %arg28[%swap3A_220] {strides = array<i32>} : memref<64xf32, #tpu.memory_space<vmem>>, vector<16xf32>,
        %swap3A_222 = vector.shape_cast %swap3A_221 : vector<16xf32> to vector<16xf32>
        %swap3A_223 = vector.shape_cast %add3A_219 : vector<16xf32> to vector<16xf32>
        tpu.vector_store %arg28[%swap3A_220], %swap3A_223 {strides = array<i32>} : memref<64xf32, #tpu.memory_space<vmem>>, vector<16xf32>,
        %get3A_224 = arith.constant 1 : index
        %get3A_225 = tpu.vector_load %arg28[%get3A_224] {strides = array<i32>} : memref<64xf32, #tpu.memory_space<vmem>>, vector<16xf32>,
        %get3A_226 = vector.shape_cast %get3A_225 : vector<16xf32> to vector<16xf32>
        %add3A_227 = arith.addf %add3A_219, %get3A_226 : vector<16xf32>
        %slice3A = vector.extract_strided_slice %add3A_227 {offsets = [0], sizes = [1], strides = [1]} : vector<16xf32> to vector<1xf32>
        %squeeze3A = vector.extract %slice3A[0] : f32 from vector<1xf32>
        %get3A_228 = arith.index_cast %mul3A_117 : i32 to index
        %get3A_229 = tpu.vector_load %arg20[%get3A_228] {strides = array<i32>} : memref<96xi32, #tpu.memory_space<vmem>>, vector<16xi32>,
        %get3A_230 = vector.shape_cast %get3A_229 : vector<16xi32> to vector<16xi32>
        %slice3A_231 = vector.extract_strided_slice %get3A_230 {offsets = [0], sizes = [1], strides = [1]} : vector<16xi32> to vector<1xi32>
        %squeeze3A_232 = vector.extract %slice3A_231[0] : i32 from vector<1xi32>
        %get3A_233 = arith.index_cast %mul3A_117 : i32 to index
        %get3A_234 = tpu.vector_load %arg21[%get3A_233] {strides = array<i32>} : memref<96xi32, #tpu.memory_space<vmem>>, vector<16xi32>,
        %get3A_235 = vector.shape_cast %get3A_234 : vector<16xi32> to vector<16xi32>
        %slice3A_236 = vector.extract_strided_slice %get3A_235 {offsets = [0], sizes = [1], strides = [1]} : vector<16xi32> to vector<1xi32>
        %squeeze3A_237 = vector.extract %slice3A_236[0] : i32 from vector<1xi32>
        %get3A_238 = arith.index_cast %squeeze3A_232 : i32 to index
        %get3A_239 = tpu.vector_load %arg16[%get3A_238] {strides = array<i32>} : memref<10240xf32, #tpu.memory_space<vmem>>, vector<16xf32>,
        %get3A_240 = vector.shape_cast %get3A_239 : vector<16xf32> to vector<16xf32>
        %slice3A_241 = vector.extract_strided_slice %get3A_240 {offsets = [0], sizes = [1], strides = [1]} : vector<16xf32> to vector<1xf32>
        %squeeze3A_242 = vector.extract %slice3A_241[0] : f32 from vector<1xf32>
        %get3A_243 = arith.index_cast %squeeze3A_237 : i32 to index
        %get3A_244 = tpu.vector_load %arg16[%get3A_243] {strides = array<i32>} : memref<10240xf32, #tpu.memory_space<vmem>>, vector<16xf32>,
        %get3A_245 = vector.shape_cast %get3A_244 : vector<16xf32> to vector<16xf32>
        %slice3A_246 = vector.extract_strided_slice %get3A_245 {offsets = [0], sizes = [1], strides = [1]} : vector<16xf32> to vector<1xf32>
        %squeeze3A_247 = vector.extract %slice3A_246[0] : f32 from vector<1xf32>
        %get3A_248 = arith.index_cast %mul3A_117 : i32 to index
        %get3A_249 = tpu.vector_load %arg24[%get3A_248] {strides = array<i32>} : memref<96xf32, #tpu.memory_space<vmem>>, vector<16xf32>,
        %get3A_250 = vector.shape_cast %get3A_249 : vector<16xf32> to vector<16xf32>
        %slice3A_251 = vector.extract_strided_slice %get3A_250 {offsets = [0], sizes = [1], strides = [1]} : vector<16xf32> to vector<1xf32>
        %squeeze3A_252 = vector.extract %slice3A_251[0] : f32 from vector<1xf32>
        %get3A_253 = arith.index_cast %mul3A_117 : i32 to index
        %get3A_254 = tpu.vector_load %arg25[%get3A_253] {strides = array<i32>} : memref<96xf32, #tpu.memory_space<vmem>>, vector<16xf32>,
        %get3A_255 = vector.shape_cast %get3A_254 : vector<16xf32> to vector<16xf32>
        %slice3A_256 = vector.extract_strided_slice %get3A_255 {offsets = [0], sizes = [1], strides = [1]} : vector<16xf32> to vector<1xf32>
        %squeeze3A_257 = vector.extract %slice3A_256[0] : f32 from vector<1xf32>
        %add3A_258 = arith.addf %squeeze3A_252, %squeeze3A_257 : f32
        %mul3A_259 = arith.constant 5.000000e-01 : f32
        %mul3A_260 = arith.mulf %mul3A_259, %add3A_258 : f32
        %mul3A_261 = arith.mulf %squeeze3A, %mul3A_260 : f32
        %mul3A_262 = arith.constant 1.000000e+00 : f32
        %mul3A_263 = arith.mulf %mul3A_261, %mul3A_262 : f32
        %get3A_264 = arith.index_cast %squeeze3A_232 : i32 to index
        %get3A_265 = tpu.vector_load %arg17[%get3A_264] {strides = array<i32>} : memref<10240xf32, #tpu.memory_space<vmem>>, vector<16xf32>,
        %get3A_266 = vector.shape_cast %get3A_265 : vector<16xf32> to vector<16xf32>
        %mul3A_267 = arith.mulf %mul3A_263, %squeeze3A_247 : f32
        %jit3A = arith.constant 0.000000e+00 : f32
        %broadcast_in_dim3A = vector.broadcast %mul3A_267 : f32 to vector<16xf32>
        %broadcast_in_dim3A_268 = vector.broadcast %jit3A : f32 to vector<16xf32>
        %select_n3A = arith.select %eq3A_4, %broadcast_in_dim3A, %broadcast_in_dim3A_268 : vector<16xi1>, vector<16xf32>
        %add3A_269 = arith.addf %get3A_266, %select_n3A : vector<16xf32>
        %swap3A_270 = arith.index_cast %squeeze3A_232 : i32 to index
        %swap3A_271 = tpu.vector_load %arg17[%swap3A_270] {strides = array<i32>} : memref<10240xf32, #tpu.memory_space<vmem>>, vector<16xf32>,
        %swap3A_272 = vector.shape_cast %swap3A_271 : vector<16xf32> to vector<16xf32>
        %swap3A_273 = vector.shape_cast %add3A_269 : vector<16xf32> to vector<16xf32>
        tpu.vector_store %arg17[%swap3A_270], %swap3A_273 {strides = array<i32>} : memref<10240xf32, #tpu.memory_space<vmem>>, vector<16xf32>,
        %get3A_274 = arith.index_cast %squeeze3A_237 : i32 to index
        %get3A_275 = tpu.vector_load %arg17[%get3A_274] {strides = array<i32>} : memref<10240xf32, #tpu.memory_space<vmem>>, vector<16xf32>,
        %get3A_276 = vector.shape_cast %get3A_275 : vector<16xf32> to vector<16xf32>
        %mul3A_277 = arith.mulf %mul3A_263, %squeeze3A_242 : f32
        %jit3A_278 = arith.constant 0.000000e+00 : f32
        %broadcast_in_dim3A_279 = vector.broadcast %mul3A_277 : f32 to vector<16xf32>
        %broadcast_in_dim3A_280 = vector.broadcast %jit3A_278 : f32 to vector<16xf32>
        %select_n3A_281 = arith.select %eq3A_4, %broadcast_in_dim3A_279, %broadcast_in_dim3A_280 : vector<16xi1>, vector<16xf32>
        %add3A_282 = arith.addf %get3A_276, %select_n3A_281 : vector<16xf32>
        %swap3A_283 = arith.index_cast %squeeze3A_237 : i32 to index
        %swap3A_284 = tpu.vector_load %arg17[%swap3A_283] {strides = array<i32>} : memref<10240xf32, #tpu.memory_space<vmem>>, vector<16xf32>,
        %swap3A_285 = vector.shape_cast %swap3A_284 : vector<16xf32> to vector<16xf32>
        %swap3A_286 = vector.shape_cast %add3A_282 : vector<16xf32> to vector<16xf32>
        tpu.vector_store %arg17[%swap3A_283], %swap3A_286 {strides = array<i32>} : memref<10240xf32, #tpu.memory_space<vmem>>, vector<16xf32>,
        %mul3A_287 = arith.mulf %squeeze3A_242, %squeeze3A_247 : f32
        %neg3A = arith.constant 0.000000e+00 : f32
        %neg3A_288 = arith.subf %neg3A, %mul3A_287 : f32
        %mul3A_289 = arith.mulf %neg3A_288, %mul3A_260 : f32
        %mul3A_290 = arith.constant 1.000000e+00 : f32
        %mul3A_291 = arith.mulf %mul3A_289, %mul3A_290 : f32
        %broadcast_in_dim3A_292 = vector.broadcast %mul3A_291 : f32 to vector<16xf32>
        %get3A_293 = arith.index_cast %mul3A_117 : i32 to index
        %get3A_294 = arith.constant 0 : index
        %get3A_295 = tpu.vector_load %arg27[%get3A_293, %get3A_294] {strides = array<i32>} : memref<80x128xf32, #tpu.memory_space<vmem>>, vector<1x16xf32>,
        %get3A_296 = vector.shape_cast %get3A_295 : vector<1x16xf32> to vector<16xf32>
        %mul3A_297 = arith.mulf %get3A_296, %broadcast_in_dim3A_292 : vector<16xf32>
        %swap3A_298 = arith.index_cast %mul3A_117 : i32 to index
        %swap3A_299 = arith.constant 0 : index
        %swap3A_300 = tpu.vector_load %arg27[%swap3A_298, %swap3A_299] {strides = array<i32>} : memref<80x128xf32, #tpu.memory_space<vmem>>, vector<1x16xf32>,
        %swap3A_301 = vector.shape_cast %swap3A_300 : vector<1x16xf32> to vector<16xf32>
        %swap3A_302 = vector.shape_cast %mul3A_297 : vector<16xf32> to vector<1x16xf32>
        tpu.vector_store %arg27[%swap3A_298, %swap3A_299], %swap3A_302 {strides = array<i32>} : memref<80x128xf32, #tpu.memory_space<vmem>>, vector<1x16xf32>,
        %get3A_303 = arith.index_cast %mul3A_117 : i32 to index
        %get3A_304 = arith.constant 0 : index
        %get3A_305 = tpu.vector_load %arg26[%get3A_303, %get3A_304] {strides = array<i32>} : memref<80x128xf32, #tpu.memory_space<vmem>>, vector<1x16xf32>,
        %get3A_306 = vector.shape_cast %get3A_305 : vector<1x16xf32> to vector<16xf32>
        %mul3A_307 = arith.mulf %get3A_306, %broadcast_in_dim3A_292 : vector<16xf32>
        %swap3A_308 = arith.index_cast %mul3A_117 : i32 to index
        %swap3A_309 = arith.constant 0 : index
        %swap3A_310 = tpu.vector_load %arg26[%swap3A_308, %swap3A_309] {strides = array<i32>} : memref<80x128xf32, #tpu.memory_space<vmem>>, vector<1x16xf32>,
        %swap3A_311 = vector.shape_cast %swap3A_310 : vector<1x16xf32> to vector<16xf32>
        %swap3A_312 = vector.shape_cast %mul3A_307 : vector<16xf32> to vector<1x16xf32>
        tpu.vector_store %arg26[%swap3A_308, %swap3A_309], %swap3A_312 {strides = array<i32>} : memref<80x128xf32, #tpu.memory_space<vmem>>, vector<1x16xf32>,
        %get3A_313 = arith.index_cast %mul3A_117 : i32 to index
        %get3A_314 = arith.constant 16 : index
        %get3A_315 = tpu.vector_load %arg27[%get3A_313, %get3A_314] {strides = array<i32>} : memref<80x128xf32, #tpu.memory_space<vmem>>, vector<1x16xf32>,
        %get3A_316 = vector.shape_cast %get3A_315 : vector<1x16xf32> to vector<16xf32>
        %mul3A_317 = arith.mulf %get3A_316, %broadcast_in_dim3A_292 : vector<16xf32>
        %swap3A_318 = arith.index_cast %mul3A_117 : i32 to index
        %swap3A_319 = arith.constant 16 : index
        %swap3A_320 = tpu.vector_load %arg27[%swap3A_318, %swap3A_319] {strides = array<i32>} : memref<80x128xf32, #tpu.memory_space<vmem>>, vector<1x16xf32>,
        %swap3A_321 = vector.shape_cast %swap3A_320 : vector<1x16xf32> to vector<16xf32>
        %swap3A_322 = vector.shape_cast %mul3A_317 : vector<16xf32> to vector<1x16xf32>
        tpu.vector_store %arg27[%swap3A_318, %swap3A_319], %swap3A_322 {strides = array<i32>} : memref<80x128xf32, #tpu.memory_space<vmem>>, vector<1x16xf32>,
        %get3A_323 = arith.index_cast %mul3A_117 : i32 to index
        %get3A_324 = arith.constant 16 : index
        %get3A_325 = tpu.vector_load %arg26[%get3A_323, %get3A_324] {strides = array<i32>} : memref<80x128xf32, #tpu.memory_space<vmem>>, vector<1x16xf32>,
        %get3A_326 = vector.shape_cast %get3A_325 : vector<1x16xf32> to vector<16xf32>
        %mul3A_327 = arith.mulf %get3A_326, %broadcast_in_dim3A_292 : vector<16xf32>
        %swap3A_328 = arith.index_cast %mul3A_117 : i32 to index
        %swap3A_329 = arith.constant 16 : index
        %swap3A_330 = tpu.vector_load %arg26[%swap3A_328, %swap3A_329] {strides = array<i32>} : memref<80x128xf32, #tpu.memory_space<vmem>>, vector<1x16xf32>,
        %swap3A_331 = vector.shape_cast %swap3A_330 : vector<1x16xf32> to vector<16xf32>
        %swap3A_332 = vector.shape_cast %mul3A_327 : vector<16xf32> to vector<1x16xf32>
        tpu.vector_store %arg26[%swap3A_328, %swap3A_329], %swap3A_332 {strides = array<i32>} : memref<80x128xf32, #tpu.memory_space<vmem>>, vector<1x16xf32>,
        %get3A_333 = arith.index_cast %mul3A_117 : i32 to index
        %get3A_334 = arith.constant 32 : index
        %get3A_335 = tpu.vector_load %arg27[%get3A_333, %get3A_334] {strides = array<i32>} : memref<80x128xf32, #tpu.memory_space<vmem>>, vector<1x16xf32>,
        %get3A_336 = vector.shape_cast %get3A_335 : vector<1x16xf32> to vector<16xf32>
        %mul3A_337 = arith.mulf %get3A_336, %broadcast_in_dim3A_292 : vector<16xf32>
        %swap3A_338 = arith.index_cast %mul3A_117 : i32 to index
        %swap3A_339 = arith.constant 32 : index
        %swap3A_340 = tpu.vector_load %arg27[%swap3A_338, %swap3A_339] {strides = array<i32>} : memref<80x128xf32, #tpu.memory_space<vmem>>, vector<1x16xf32>,
        %swap3A_341 = vector.shape_cast %swap3A_340 : vector<1x16xf32> to vector<16xf32>
        %swap3A_342 = vector.shape_cast %mul3A_337 : vector<16xf32> to vector<1x16xf32>
        tpu.vector_store %arg27[%swap3A_338, %swap3A_339], %swap3A_342 {strides = array<i32>} : memref<80x128xf32, #tpu.memory_space<vmem>>, vector<1x16xf32>,
        %get3A_343 = arith.index_cast %mul3A_117 : i32 to index
        %get3A_344 = arith.constant 32 : index
        %get3A_345 = tpu.vector_load %arg26[%get3A_343, %get3A_344] {strides = array<i32>} : memref<80x128xf32, #tpu.memory_space<vmem>>, vector<1x16xf32>,
        %get3A_346 = vector.shape_cast %get3A_345 : vector<1x16xf32> to vector<16xf32>
        %mul3A_347 = arith.mulf %get3A_346, %broadcast_in_dim3A_292 : vector<16xf32>
        %swap3A_348 = arith.index_cast %mul3A_117 : i32 to index
        %swap3A_349 = arith.constant 32 : index
        %swap3A_350 = tpu.vector_load %arg26[%swap3A_348, %swap3A_349] {strides = array<i32>} : memref<80x128xf32, #tpu.memory_space<vmem>>, vector<1x16xf32>,
        %swap3A_351 = vector.shape_cast %swap3A_350 : vector<1x16xf32> to vector<16xf32>
        %swap3A_352 = vector.shape_cast %mul3A_347 : vector<16xf32> to vector<1x16xf32>
        tpu.vector_store %arg26[%swap3A_348, %swap3A_349], %swap3A_352 {strides = array<i32>} : memref<80x128xf32, #tpu.memory_space<vmem>>, vector<1x16xf32>,
        %get3A_353 = arith.index_cast %mul3A_117 : i32 to index
        %get3A_354 = arith.constant 48 : index
        %get3A_355 = tpu.vector_load %arg27[%get3A_353, %get3A_354] {strides = array<i32>} : memref<80x128xf32, #tpu.memory_space<vmem>>, vector<1x16xf32>,
        %get3A_356 = vector.shape_cast %get3A_355 : vector<1x16xf32> to vector<16xf32>
        %mul3A_357 = arith.mulf %get3A_356, %broadcast_in_dim3A_292 : vector<16xf32>
        %swap3A_358 = arith.index_cast %mul3A_117 : i32 to index
        %swap3A_359 = arith.constant 48 : index
        %swap3A_360 = tpu.vector_load %arg27[%swap3A_358, %swap3A_359] {strides = array<i32>} : memref<80x128xf32, #tpu.memory_space<vmem>>, vector<1x16xf32>,
        %swap3A_361 = vector.shape_cast %swap3A_360 : vector<1x16xf32> to vector<16xf32>
        %swap3A_362 = vector.shape_cast %mul3A_357 : vector<16xf32> to vector<1x16xf32>
        tpu.vector_store %arg27[%swap3A_358, %swap3A_359], %swap3A_362 {strides = array<i32>} : memref<80x128xf32, #tpu.memory_space<vmem>>, vector<1x16xf32>,
        %get3A_363 = arith.index_cast %mul3A_117 : i32 to index
        %get3A_364 = arith.constant 48 : index
        %get3A_365 = tpu.vector_load %arg26[%get3A_363, %get3A_364] {strides = array<i32>} : memref<80x128xf32, #tpu.memory_space<vmem>>, vector<1x16xf32>,
        %get3A_366 = vector.shape_cast %get3A_365 : vector<1x16xf32> to vector<16xf32>
        %mul3A_367 = arith.mulf %get3A_366, %broadcast_in_dim3A_292 : vector<16xf32>
        %swap3A_368 = arith.index_cast %mul3A_117 : i32 to index
        %swap3A_369 = arith.constant 48 : index
        %swap3A_370 = tpu.vector_load %arg26[%swap3A_368, %swap3A_369] {strides = array<i32>} : memref<80x128xf32, #tpu.memory_space<vmem>>, vector<1x16xf32>,
        %swap3A_371 = vector.shape_cast %swap3A_370 : vector<1x16xf32> to vector<16xf32>
        %swap3A_372 = vector.shape_cast %mul3A_367 : vector<16xf32> to vector<1x16xf32>
        tpu.vector_store %arg26[%swap3A_368, %swap3A_369], %swap3A_372 {strides = array<i32>} : memref<80x128xf32, #tpu.memory_space<vmem>>, vector<1x16xf32>,
        %get3A_373 = arith.index_cast %mul3A_117 : i32 to index
        %get3A_374 = arith.constant 64 : index
        %get3A_375 = tpu.vector_load %arg27[%get3A_373, %get3A_374] {strides = array<i32>} : memref<80x128xf32, #tpu.memory_space<vmem>>, vector<1x16xf32>,
        %get3A_376 = vector.shape_cast %get3A_375 : vector<1x16xf32> to vector<16xf32>
        %mul3A_377 = arith.mulf %get3A_376, %broadcast_in_dim3A_292 : vector<16xf32>
        %swap3A_378 = arith.index_cast %mul3A_117 : i32 to index
        %swap3A_379 = arith.constant 64 : index
        %swap3A_380 = tpu.vector_load %arg27[%swap3A_378, %swap3A_379] {strides = array<i32>} : memref<80x128xf32, #tpu.memory_space<vmem>>, vector<1x16xf32>,
        %swap3A_381 = vector.shape_cast %swap3A_380 : vector<1x16xf32> to vector<16xf32>
        %swap3A_382 = vector.shape_cast %mul3A_377 : vector<16xf32> to vector<1x16xf32>
        tpu.vector_store %arg27[%swap3A_378, %swap3A_379], %swap3A_382 {strides = array<i32>} : memref<80x128xf32, #tpu.memory_space<vmem>>, vector<1x16xf32>,
        %get3A_383 = arith.index_cast %mul3A_117 : i32 to index
        %get3A_384 = arith.constant 64 : index
        %get3A_385 = tpu.vector_load %arg26[%get3A_383, %get3A_384] {strides = array<i32>} : memref<80x128xf32, #tpu.memory_space<vmem>>, vector<1x16xf32>,
        %get3A_386 = vector.shape_cast %get3A_385 : vector<1x16xf32> to vector<16xf32>
        %mul3A_387 = arith.mulf %get3A_386, %broadcast_in_dim3A_292 : vector<16xf32>
        %swap3A_388 = arith.index_cast %mul3A_117 : i32 to index
        %swap3A_389 = arith.constant 64 : index
        %swap3A_390 = tpu.vector_load %arg26[%swap3A_388, %swap3A_389] {strides = array<i32>} : memref<80x128xf32, #tpu.memory_space<vmem>>, vector<1x16xf32>,
        %swap3A_391 = vector.shape_cast %swap3A_390 : vector<1x16xf32> to vector<16xf32>
        %swap3A_392 = vector.shape_cast %mul3A_387 : vector<16xf32> to vector<1x16xf32>
        tpu.vector_store %arg26[%swap3A_388, %swap3A_389], %swap3A_392 {strides = array<i32>} : memref<80x128xf32, #tpu.memory_space<vmem>>, vector<1x16xf32>,
        %get3A_393 = arith.index_cast %mul3A_117 : i32 to index
        %get3A_394 = arith.constant 80 : index
        %get3A_395 = tpu.vector_load %arg27[%get3A_393, %get3A_394] {strides = array<i32>} : memref<80x128xf32, #tpu.memory_space<vmem>>, vector<1x16xf32>,
        %get3A_396 = vector.shape_cast %get3A_395 : vector<1x16xf32> to vector<16xf32>
        %mul3A_397 = arith.mulf %get3A_396, %broadcast_in_dim3A_292 : vector<16xf32>
        %swap3A_398 = arith.index_cast %mul3A_117 : i32 to index
        %swap3A_399 = arith.constant 80 : index
        %swap3A_400 = tpu.vector_load %arg27[%swap3A_398, %swap3A_399] {strides = array<i32>} : memref<80x128xf32, #tpu.memory_space<vmem>>, vector<1x16xf32>,
        %swap3A_401 = vector.shape_cast %swap3A_400 : vector<1x16xf32> to vector<16xf32>
        %swap3A_402 = vector.shape_cast %mul3A_397 : vector<16xf32> to vector<1x16xf32>
        tpu.vector_store %arg27[%swap3A_398, %swap3A_399], %swap3A_402 {strides = array<i32>} : memref<80x128xf32, #tpu.memory_space<vmem>>, vector<1x16xf32>,
        %get3A_403 = arith.index_cast %mul3A_117 : i32 to index
        %get3A_404 = arith.constant 80 : index
        %get3A_405 = tpu.vector_load %arg26[%get3A_403, %get3A_404] {strides = array<i32>} : memref<80x128xf32, #tpu.memory_space<vmem>>, vector<1x16xf32>,
        %get3A_406 = vector.shape_cast %get3A_405 : vector<1x16xf32> to vector<16xf32>
        %mul3A_407 = arith.mulf %get3A_406, %broadcast_in_dim3A_292 : vector<16xf32>
        %swap3A_408 = arith.index_cast %mul3A_117 : i32 to index
        %swap3A_409 = arith.constant 80 : index
        %swap3A_410 = tpu.vector_load %arg26[%swap3A_408, %swap3A_409] {strides = array<i32>} : memref<80x128xf32, #tpu.memory_space<vmem>>, vector<1x16xf32>,
        %swap3A_411 = vector.shape_cast %swap3A_410 : vector<1x16xf32> to vector<16xf32>
        %swap3A_412 = vector.shape_cast %mul3A_407 : vector<16xf32> to vector<1x16xf32>
        tpu.vector_store %arg26[%swap3A_408, %swap3A_409], %swap3A_412 {strides = array<i32>} : memref<80x128xf32, #tpu.memory_space<vmem>>, vector<1x16xf32>,
        %get3A_413 = arith.index_cast %mul3A_117 : i32 to index
        %get3A_414 = arith.constant 96 : index
        %get3A_415 = tpu.vector_load %arg27[%get3A_413, %get3A_414] {strides = array<i32>} : memref<80x128xf32, #tpu.memory_space<vmem>>, vector<1x16xf32>,
        %get3A_416 = vector.shape_cast %get3A_415 : vector<1x16xf32> to vector<16xf32>
        %mul3A_417 = arith.mulf %get3A_416, %broadcast_in_dim3A_292 : vector<16xf32>
        %swap3A_418 = arith.index_cast %mul3A_117 : i32 to index
        %swap3A_419 = arith.constant 96 : index
        %swap3A_420 = tpu.vector_load %arg27[%swap3A_418, %swap3A_419] {strides = array<i32>} : memref<80x128xf32, #tpu.memory_space<vmem>>, vector<1x16xf32>,
        %swap3A_421 = vector.shape_cast %swap3A_420 : vector<1x16xf32> to vector<16xf32>
        %swap3A_422 = vector.shape_cast %mul3A_417 : vector<16xf32> to vector<1x16xf32>
        tpu.vector_store %arg27[%swap3A_418, %swap3A_419], %swap3A_422 {strides = array<i32>} : memref<80x128xf32, #tpu.memory_space<vmem>>, vector<1x16xf32>,
        %get3A_423 = arith.index_cast %mul3A_117 : i32 to index
        %get3A_424 = arith.constant 96 : index
        %get3A_425 = tpu.vector_load %arg26[%get3A_423, %get3A_424] {strides = array<i32>} : memref<80x128xf32, #tpu.memory_space<vmem>>, vector<1x16xf32>,
        %get3A_426 = vector.shape_cast %get3A_425 : vector<1x16xf32> to vector<16xf32>
        %mul3A_427 = arith.mulf %get3A_426, %broadcast_in_dim3A_292 : vector<16xf32>
        %swap3A_428 = arith.index_cast %mul3A_117 : i32 to index
        %swap3A_429 = arith.constant 96 : index
        %swap3A_430 = tpu.vector_load %arg26[%swap3A_428, %swap3A_429] {strides = array<i32>} : memref<80x128xf32, #tpu.memory_space<vmem>>, vector<1x16xf32>,
        %swap3A_431 = vector.shape_cast %swap3A_430 : vector<1x16xf32> to vector<16xf32>
        %swap3A_432 = vector.shape_cast %mul3A_427 : vector<16xf32> to vector<1x16xf32>
        tpu.vector_store %arg26[%swap3A_428, %swap3A_429], %swap3A_432 {strides = array<i32>} : memref<80x128xf32, #tpu.memory_space<vmem>>, vector<1x16xf32>,
        %get3A_433 = arith.index_cast %mul3A_117 : i32 to index
        %get3A_434 = arith.constant 112 : index
        %get3A_435 = tpu.vector_load %arg27[%get3A_433, %get3A_434] {strides = array<i32>} : memref<80x128xf32, #tpu.memory_space<vmem>>, vector<1x16xf32>,
        %get3A_436 = vector.shape_cast %get3A_435 : vector<1x16xf32> to vector<16xf32>
        %mul3A_437 = arith.mulf %get3A_436, %broadcast_in_dim3A_292 : vector<16xf32>
        %swap3A_438 = arith.index_cast %mul3A_117 : i32 to index
        %swap3A_439 = arith.constant 112 : index
        %swap3A_440 = tpu.vector_load %arg27[%swap3A_438, %swap3A_439] {strides = array<i32>} : memref<80x128xf32, #tpu.memory_space<vmem>>, vector<1x16xf32>,
        %swap3A_441 = vector.shape_cast %swap3A_440 : vector<1x16xf32> to vector<16xf32>
        %swap3A_442 = vector.shape_cast %mul3A_437 : vector<16xf32> to vector<1x16xf32>
        tpu.vector_store %arg27[%swap3A_438, %swap3A_439], %swap3A_442 {strides = array<i32>} : memref<80x128xf32, #tpu.memory_space<vmem>>, vector<1x16xf32>,
        %get3A_443 = arith.index_cast %mul3A_117 : i32 to index
        %get3A_444 = arith.constant 112 : index
        %get3A_445 = tpu.vector_load %arg26[%get3A_443, %get3A_444] {strides = array<i32>} : memref<80x128xf32, #tpu.memory_space<vmem>>, vector<1x16xf32>,
        %get3A_446 = vector.shape_cast %get3A_445 : vector<1x16xf32> to vector<16xf32>
        %mul3A_447 = arith.mulf %get3A_446, %broadcast_in_dim3A_292 : vector<16xf32>
        %swap3A_448 = arith.index_cast %mul3A_117 : i32 to index
        %swap3A_449 = arith.constant 112 : index
        %swap3A_450 = tpu.vector_load %arg26[%swap3A_448, %swap3A_449] {strides = array<i32>} : memref<80x128xf32, #tpu.memory_space<vmem>>, vector<1x16xf32>,
        %swap3A_451 = vector.shape_cast %swap3A_450 : vector<1x16xf32> to vector<16xf32>
        %swap3A_452 = vector.shape_cast %mul3A_447 : vector<16xf32> to vector<1x16xf32>
        tpu.vector_store %arg26[%swap3A_448, %swap3A_449], %swap3A_452 {strides = array<i32>} : memref<80x128xf32, #tpu.memory_space<vmem>>, vector<1x16xf32>,
        %mul3A_453 = arith.constant 2 : i32
        %mul3A_454 = arith.muli %scan3A_114, %mul3A_453 : i32
        %add3A_455 = arith.constant 1 : i32
        %add3A_456 = arith.addi %mul3A_454, %add3A_455 : i32
        %get3A_457 = arith.index_cast %add3A_456 : i32 to index
        %get3A_458 = arith.constant 0 : index
        %get3A_459 = tpu.vector_load %arg26[%get3A_457, %get3A_458] {strides = array<i32>} : memref<80x128xf32, #tpu.memory_space<vmem>>, vector<1x16xf32>,
        %get3A_460 = vector.shape_cast %get3A_459 : vector<1x16xf32> to vector<16xf32>
        %get3A_461 = arith.index_cast %add3A_456 : i32 to index
        %get3A_462 = arith.constant 0 : index
        %get3A_463 = tpu.vector_load %arg27[%get3A_461, %get3A_462] {strides = array<i32>} : memref<80x128xf32, #tpu.memory_space<vmem>>, vector<1x16xf32>,
        %get3A_464 = vector.shape_cast %get3A_463 : vector<1x16xf32> to vector<16xf32>
        %mul3A_465 = arith.mulf %get3A_460, %get3A_464 : vector<16xf32>
        %get3A_466 = arith.index_cast %add3A_456 : i32 to index
        %get3A_467 = arith.constant 16 : index
        %get3A_468 = tpu.vector_load %arg26[%get3A_466, %get3A_467] {strides = array<i32>} : memref<80x128xf32, #tpu.memory_space<vmem>>, vector<1x16xf32>,
        %get3A_469 = vector.shape_cast %get3A_468 : vector<1x16xf32> to vector<16xf32>
        %get3A_470 = arith.index_cast %add3A_456 : i32 to index
        %get3A_471 = arith.constant 16 : index
        %get3A_472 = tpu.vector_load %arg27[%get3A_470, %get3A_471] {strides = array<i32>} : memref<80x128xf32, #tpu.memory_space<vmem>>, vector<1x16xf32>,
        %get3A_473 = vector.shape_cast %get3A_472 : vector<1x16xf32> to vector<16xf32>
        %mul3A_474 = arith.mulf %get3A_469, %get3A_473 : vector<16xf32>
        %add3A_475 = arith.addf %mul3A_465, %mul3A_474 : vector<16xf32>
        %get3A_476 = arith.index_cast %add3A_456 : i32 to index
        %get3A_477 = arith.constant 32 : index
        %get3A_478 = tpu.vector_load %arg26[%get3A_476, %get3A_477] {strides = array<i32>} : memref<80x128xf32, #tpu.memory_space<vmem>>, vector<1x16xf32>,
        %get3A_479 = vector.shape_cast %get3A_478 : vector<1x16xf32> to vector<16xf32>
        %get3A_480 = arith.index_cast %add3A_456 : i32 to index
        %get3A_481 = arith.constant 32 : index
        %get3A_482 = tpu.vector_load %arg27[%get3A_480, %get3A_481] {strides = array<i32>} : memref<80x128xf32, #tpu.memory_space<vmem>>, vector<1x16xf32>,
        %get3A_483 = vector.shape_cast %get3A_482 : vector<1x16xf32> to vector<16xf32>
        %mul3A_484 = arith.mulf %get3A_479, %get3A_483 : vector<16xf32>
        %add3A_485 = arith.addf %add3A_475, %mul3A_484 : vector<16xf32>
        %get3A_486 = arith.index_cast %add3A_456 : i32 to index
        %get3A_487 = arith.constant 48 : index
        %get3A_488 = tpu.vector_load %arg26[%get3A_486, %get3A_487] {strides = array<i32>} : memref<80x128xf32, #tpu.memory_space<vmem>>, vector<1x16xf32>,
        %get3A_489 = vector.shape_cast %get3A_488 : vector<1x16xf32> to vector<16xf32>
        %get3A_490 = arith.index_cast %add3A_456 : i32 to index
        %get3A_491 = arith.constant 48 : index
        %get3A_492 = tpu.vector_load %arg27[%get3A_490, %get3A_491] {strides = array<i32>} : memref<80x128xf32, #tpu.memory_space<vmem>>, vector<1x16xf32>,
        %get3A_493 = vector.shape_cast %get3A_492 : vector<1x16xf32> to vector<16xf32>
        %mul3A_494 = arith.mulf %get3A_489, %get3A_493 : vector<16xf32>
        %add3A_495 = arith.addf %add3A_485, %mul3A_494 : vector<16xf32>
        %get3A_496 = arith.index_cast %add3A_456 : i32 to index
        %get3A_497 = arith.constant 64 : index
        %get3A_498 = tpu.vector_load %arg26[%get3A_496, %get3A_497] {strides = array<i32>} : memref<80x128xf32, #tpu.memory_space<vmem>>, vector<1x16xf32>,
        %get3A_499 = vector.shape_cast %get3A_498 : vector<1x16xf32> to vector<16xf32>
        %get3A_500 = arith.index_cast %add3A_456 : i32 to index
        %get3A_501 = arith.constant 64 : index
        %get3A_502 = tpu.vector_load %arg27[%get3A_500, %get3A_501] {strides = array<i32>} : memref<80x128xf32, #tpu.memory_space<vmem>>, vector<1x16xf32>,
        %get3A_503 = vector.shape_cast %get3A_502 : vector<1x16xf32> to vector<16xf32>
        %mul3A_504 = arith.mulf %get3A_499, %get3A_503 : vector<16xf32>
        %add3A_505 = arith.addf %add3A_495, %mul3A_504 : vector<16xf32>
        %get3A_506 = arith.index_cast %add3A_456 : i32 to index
        %get3A_507 = arith.constant 80 : index
        %get3A_508 = tpu.vector_load %arg26[%get3A_506, %get3A_507] {strides = array<i32>} : memref<80x128xf32, #tpu.memory_space<vmem>>, vector<1x16xf32>,
        %get3A_509 = vector.shape_cast %get3A_508 : vector<1x16xf32> to vector<16xf32>
        %get3A_510 = arith.index_cast %add3A_456 : i32 to index
        %get3A_511 = arith.constant 80 : index
        %get3A_512 = tpu.vector_load %arg27[%get3A_510, %get3A_511] {strides = array<i32>} : memref<80x128xf32, #tpu.memory_space<vmem>>, vector<1x16xf32>,
        %get3A_513 = vector.shape_cast %get3A_512 : vector<1x16xf32> to vector<16xf32>
        %mul3A_514 = arith.mulf %get3A_509, %get3A_513 : vector<16xf32>
        %add3A_515 = arith.addf %add3A_505, %mul3A_514 : vector<16xf32>
        %get3A_516 = arith.index_cast %add3A_456 : i32 to index
        %get3A_517 = arith.constant 96 : index
        %get3A_518 = tpu.vector_load %arg26[%get3A_516, %get3A_517] {strides = array<i32>} : memref<80x128xf32, #tpu.memory_space<vmem>>, vector<1x16xf32>,
        %get3A_519 = vector.shape_cast %get3A_518 : vector<1x16xf32> to vector<16xf32>
        %get3A_520 = arith.index_cast %add3A_456 : i32 to index
        %get3A_521 = arith.constant 96 : index
        %get3A_522 = tpu.vector_load %arg27[%get3A_520, %get3A_521] {strides = array<i32>} : memref<80x128xf32, #tpu.memory_space<vmem>>, vector<1x16xf32>,
        %get3A_523 = vector.shape_cast %get3A_522 : vector<1x16xf32> to vector<16xf32>
        %mul3A_524 = arith.mulf %get3A_519, %get3A_523 : vector<16xf32>
        %add3A_525 = arith.addf %add3A_515, %mul3A_524 : vector<16xf32>
        %get3A_526 = arith.index_cast %add3A_456 : i32 to index
        %get3A_527 = arith.constant 112 : index
        %get3A_528 = tpu.vector_load %arg26[%get3A_526, %get3A_527] {strides = array<i32>} : memref<80x128xf32, #tpu.memory_space<vmem>>, vector<1x16xf32>,
        %get3A_529 = vector.shape_cast %get3A_528 : vector<1x16xf32> to vector<16xf32>
        %get3A_530 = arith.index_cast %add3A_456 : i32 to index
        %get3A_531 = arith.constant 112 : index
        %get3A_532 = tpu.vector_load %arg27[%get3A_530, %get3A_531] {strides = array<i32>} : memref<80x128xf32, #tpu.memory_space<vmem>>, vector<1x16xf32>,
        %get3A_533 = vector.shape_cast %get3A_532 : vector<1x16xf32> to vector<16xf32>
        %mul3A_534 = arith.mulf %get3A_529, %get3A_533 : vector<16xf32>
        %add3A_535 = arith.addf %add3A_525, %mul3A_534 : vector<16xf32>
        %swap3A_536 = arith.constant 32 : index
        %swap3A_537 = tpu.vector_load %arg28[%swap3A_536] {strides = array<i32>} : memref<64xf32, #tpu.memory_space<vmem>>, vector<16xf32>,
        %swap3A_538 = vector.shape_cast %swap3A_537 : vector<16xf32> to vector<16xf32>
        %swap3A_539 = vector.shape_cast %add3A_535 : vector<16xf32> to vector<16xf32>
        tpu.vector_store %arg28[%swap3A_536], %swap3A_539 {strides = array<i32>} : memref<64xf32, #tpu.memory_space<vmem>>, vector<16xf32>,
        %get3A_540 = arith.constant 40 : index
        %get3A_541 = tpu.vector_load %arg28[%get3A_540] {strides = array<i32>} : memref<64xf32, #tpu.memory_space<vmem>>, vector<16xf32>,
        %get3A_542 = vector.shape_cast %get3A_541 : vector<16xf32> to vector<16xf32>
        %add3A_543 = arith.addf %add3A_535, %get3A_542 : vector<16xf32>
        %swap3A_544 = arith.constant 32 : index
        %swap3A_545 = tpu.vector_load %arg28[%swap3A_544] {strides = array<i32>} : memref<64xf32, #tpu.memory_space<vmem>>, vector<16xf32>,
        %swap3A_546 = vector.shape_cast %swap3A_545 : vector<16xf32> to vector<16xf32>
        %swap3A_547 = vector.shape_cast %add3A_543 : vector<16xf32> to vector<16xf32>
        tpu.vector_store %arg28[%swap3A_544], %swap3A_547 {strides = array<i32>} : memref<64xf32, #tpu.memory_space<vmem>>, vector<16xf32>,
        %get3A_548 = arith.constant 36 : index
        %get3A_549 = tpu.vector_load %arg28[%get3A_548] {strides = array<i32>} : memref<64xf32, #tpu.memory_space<vmem>>, vector<16xf32>,
        %get3A_550 = vector.shape_cast %get3A_549 : vector<16xf32> to vector<16xf32>
        %add3A_551 = arith.addf %add3A_543, %get3A_550 : vector<16xf32>
        %swap3A_552 = arith.constant 32 : index
        %swap3A_553 = tpu.vector_load %arg28[%swap3A_552] {strides = array<i32>} : memref<64xf32, #tpu.memory_space<vmem>>, vector<16xf32>,
        %swap3A_554 = vector.shape_cast %swap3A_553 : vector<16xf32> to vector<16xf32>
        %swap3A_555 = vector.shape_cast %add3A_551 : vector<16xf32> to vector<16xf32>
        tpu.vector_store %arg28[%swap3A_552], %swap3A_555 {strides = array<i32>} : memref<64xf32, #tpu.memory_space<vmem>>, vector<16xf32>,
        %get3A_556 = arith.constant 34 : index
        %get3A_557 = tpu.vector_load %arg28[%get3A_556] {strides = array<i32>} : memref<64xf32, #tpu.memory_space<vmem>>, vector<16xf32>,
        %get3A_558 = vector.shape_cast %get3A_557 : vector<16xf32> to vector<16xf32>
        %add3A_559 = arith.addf %add3A_551, %get3A_558 : vector<16xf32>
        %swap3A_560 = arith.constant 32 : index
        %swap3A_561 = tpu.vector_load %arg28[%swap3A_560] {strides = array<i32>} : memref<64xf32, #tpu.memory_space<vmem>>, vector<16xf32>,
        %swap3A_562 = vector.shape_cast %swap3A_561 : vector<16xf32> to vector<16xf32>
        %swap3A_563 = vector.shape_cast %add3A_559 : vector<16xf32> to vector<16xf32>
        tpu.vector_store %arg28[%swap3A_560], %swap3A_563 {strides = array<i32>} : memref<64xf32, #tpu.memory_space<vmem>>, vector<16xf32>,
        %get3A_564 = arith.constant 33 : index
        %get3A_565 = tpu.vector_load %arg28[%get3A_564] {strides = array<i32>} : memref<64xf32, #tpu.memory_space<vmem>>, vector<16xf32>,
        %get3A_566 = vector.shape_cast %get3A_565 : vector<16xf32> to vector<16xf32>
        %add3A_567 = arith.addf %add3A_559, %get3A_566 : vector<16xf32>
        %slice3A_568 = vector.extract_strided_slice %add3A_567 {offsets = [0], sizes = [1], strides = [1]} : vector<16xf32> to vector<1xf32>
        %squeeze3A_569 = vector.extract %slice3A_568[0] : f32 from vector<1xf32>
        %get3A_570 = arith.index_cast %add3A_456 : i32 to index
        %get3A_571 = tpu.vector_load %arg20[%get3A_570] {strides = array<i32>} : memref<96xi32, #tpu.memory_space<vmem>>, vector<16xi32>,
        %get3A_572 = vector.shape_cast %get3A_571 : vector<16xi32> to vector<16xi32>
        %slice3A_573 = vector.extract_strided_slice %get3A_572 {offsets = [0], sizes = [1], strides = [1]} : vector<16xi32> to vector<1xi32>
        %squeeze3A_574 = vector.extract %slice3A_573[0] : i32 from vector<1xi32>
        %get3A_575 = arith.index_cast %add3A_456 : i32 to index
        %get3A_576 = tpu.vector_load %arg21[%get3A_575] {strides = array<i32>} : memref<96xi32, #tpu.memory_space<vmem>>, vector<16xi32>,
        %get3A_577 = vector.shape_cast %get3A_576 : vector<16xi32> to vector<16xi32>
        %slice3A_578 = vector.extract_strided_slice %get3A_577 {offsets = [0], sizes = [1], strides = [1]} : vector<16xi32> to vector<1xi32>
        %squeeze3A_579 = vector.extract %slice3A_578[0] : i32 from vector<1xi32>
        %get3A_580 = arith.index_cast %squeeze3A_574 : i32 to index
        %get3A_581 = tpu.vector_load %arg16[%get3A_580] {strides = array<i32>} : memref<10240xf32, #tpu.memory_space<vmem>>, vector<16xf32>,
        %get3A_582 = vector.shape_cast %get3A_581 : vector<16xf32> to vector<16xf32>
        %slice3A_583 = vector.extract_strided_slice %get3A_582 {offsets = [0], sizes = [1], strides = [1]} : vector<16xf32> to vector<1xf32>
        %squeeze3A_584 = vector.extract %slice3A_583[0] : f32 from vector<1xf32>
        %get3A_585 = arith.index_cast %squeeze3A_579 : i32 to index
        %get3A_586 = tpu.vector_load %arg16[%get3A_585] {strides = array<i32>} : memref<10240xf32, #tpu.memory_space<vmem>>, vector<16xf32>,
        %get3A_587 = vector.shape_cast %get3A_586 : vector<16xf32> to vector<16xf32>
        %slice3A_588 = vector.extract_strided_slice %get3A_587 {offsets = [0], sizes = [1], strides = [1]} : vector<16xf32> to vector<1xf32>
        %squeeze3A_589 = vector.extract %slice3A_588[0] : f32 from vector<1xf32>
        %get3A_590 = arith.index_cast %add3A_456 : i32 to index
        %get3A_591 = tpu.vector_load %arg24[%get3A_590] {strides = array<i32>} : memref<96xf32, #tpu.memory_space<vmem>>, vector<16xf32>,
        %get3A_592 = vector.shape_cast %get3A_591 : vector<16xf32> to vector<16xf32>
        %slice3A_593 = vector.extract_strided_slice %get3A_592 {offsets = [0], sizes = [1], strides = [1]} : vector<16xf32> to vector<1xf32>
        %squeeze3A_594 = vector.extract %slice3A_593[0] : f32 from vector<1xf32>
        %get3A_595 = arith.index_cast %add3A_456 : i32 to index
        %get3A_596 = tpu.vector_load %arg25[%get3A_595] {strides = array<i32>} : memref<96xf32, #tpu.memory_space<vmem>>, vector<16xf32>,
        %get3A_597 = vector.shape_cast %get3A_596 : vector<16xf32> to vector<16xf32>
        %slice3A_598 = vector.extract_strided_slice %get3A_597 {offsets = [0], sizes = [1], strides = [1]} : vector<16xf32> to vector<1xf32>
        %squeeze3A_599 = vector.extract %slice3A_598[0] : f32 from vector<1xf32>
        %add3A_600 = arith.addf %squeeze3A_594, %squeeze3A_599 : f32
        %mul3A_601 = arith.constant 5.000000e-01 : f32
        %mul3A_602 = arith.mulf %mul3A_601, %add3A_600 : f32
        %mul3A_603 = arith.mulf %squeeze3A_569, %mul3A_602 : f32
        %mul3A_604 = arith.constant 1.000000e+00 : f32
        %mul3A_605 = arith.mulf %mul3A_603, %mul3A_604 : f32
        %get3A_606 = arith.index_cast %squeeze3A_574 : i32 to index
        %get3A_607 = tpu.vector_load %arg17[%get3A_606] {strides = array<i32>} : memref<10240xf32, #tpu.memory_space<vmem>>, vector<16xf32>,
        %get3A_608 = vector.shape_cast %get3A_607 : vector<16xf32> to vector<16xf32>
        %mul3A_609 = arith.mulf %mul3A_605, %squeeze3A_589 : f32
        %jit3A_610 = arith.constant 0.000000e+00 : f32
        %broadcast_in_dim3A_611 = vector.broadcast %mul3A_609 : f32 to vector<16xf32>
        %broadcast_in_dim3A_612 = vector.broadcast %jit3A_610 : f32 to vector<16xf32>
        %select_n3A_613 = arith.select %eq3A_4, %broadcast_in_dim3A_611, %broadcast_in_dim3A_612 : vector<16xi1>, vector<16xf32>
        %add3A_614 = arith.addf %get3A_608, %select_n3A_613 : vector<16xf32>
        %swap3A_615 = arith.index_cast %squeeze3A_574 : i32 to index
        %swap3A_616 = tpu.vector_load %arg17[%swap3A_615] {strides = array<i32>} : memref<10240xf32, #tpu.memory_space<vmem>>, vector<16xf32>,
        %swap3A_617 = vector.shape_cast %swap3A_616 : vector<16xf32> to vector<16xf32>
        %swap3A_618 = vector.shape_cast %add3A_614 : vector<16xf32> to vector<16xf32>
        tpu.vector_store %arg17[%swap3A_615], %swap3A_618 {strides = array<i32>} : memref<10240xf32, #tpu.memory_space<vmem>>, vector<16xf32>,
        %get3A_619 = arith.index_cast %squeeze3A_579 : i32 to index
        %get3A_620 = tpu.vector_load %arg17[%get3A_619] {strides = array<i32>} : memref<10240xf32, #tpu.memory_space<vmem>>, vector<16xf32>,
        %get3A_621 = vector.shape_cast %get3A_620 : vector<16xf32> to vector<16xf32>
        %mul3A_622 = arith.mulf %mul3A_605, %squeeze3A_584 : f32
        %jit3A_623 = arith.constant 0.000000e+00 : f32
        %broadcast_in_dim3A_624 = vector.broadcast %mul3A_622 : f32 to vector<16xf32>
        %broadcast_in_dim3A_625 = vector.broadcast %jit3A_623 : f32 to vector<16xf32>
        %select_n3A_626 = arith.select %eq3A_4, %broadcast_in_dim3A_624, %broadcast_in_dim3A_625 : vector<16xi1>, vector<16xf32>
        %add3A_627 = arith.addf %get3A_621, %select_n3A_626 : vector<16xf32>
        %swap3A_628 = arith.index_cast %squeeze3A_579 : i32 to index
        %swap3A_629 = tpu.vector_load %arg17[%swap3A_628] {strides = array<i32>} : memref<10240xf32, #tpu.memory_space<vmem>>, vector<16xf32>,
        %swap3A_630 = vector.shape_cast %swap3A_629 : vector<16xf32> to vector<16xf32>
        %swap3A_631 = vector.shape_cast %add3A_627 : vector<16xf32> to vector<16xf32>
        tpu.vector_store %arg17[%swap3A_628], %swap3A_631 {strides = array<i32>} : memref<10240xf32, #tpu.memory_space<vmem>>, vector<16xf32>,
        %mul3A_632 = arith.mulf %squeeze3A_584, %squeeze3A_589 : f32
        %neg3A_633 = arith.constant 0.000000e+00 : f32
        %neg3A_634 = arith.subf %neg3A_633, %mul3A_632 : f32
        %mul3A_635 = arith.mulf %neg3A_634, %mul3A_602 : f32
        %mul3A_636 = arith.constant 1.000000e+00 : f32
        %mul3A_637 = arith.mulf %mul3A_635, %mul3A_636 : f32
        %broadcast_in_dim3A_638 = vector.broadcast %mul3A_637 : f32 to vector<16xf32>
        %get3A_639 = arith.index_cast %add3A_456 : i32 to index
        %get3A_640 = arith.constant 0 : index
        %get3A_641 = tpu.vector_load %arg27[%get3A_639, %get3A_640] {strides = array<i32>} : memref<80x128xf32, #tpu.memory_space<vmem>>, vector<1x16xf32>,
        %get3A_642 = vector.shape_cast %get3A_641 : vector<1x16xf32> to vector<16xf32>
        %mul3A_643 = arith.mulf %get3A_642, %broadcast_in_dim3A_638 : vector<16xf32>
        %swap3A_644 = arith.index_cast %add3A_456 : i32 to index
        %swap3A_645 = arith.constant 0 : index
        %swap3A_646 = tpu.vector_load %arg27[%swap3A_644, %swap3A_645] {strides = array<i32>} : memref<80x128xf32, #tpu.memory_space<vmem>>, vector<1x16xf32>,
        %swap3A_647 = vector.shape_cast %swap3A_646 : vector<1x16xf32> to vector<16xf32>
        %swap3A_648 = vector.shape_cast %mul3A_643 : vector<16xf32> to vector<1x16xf32>
        tpu.vector_store %arg27[%swap3A_644, %swap3A_645], %swap3A_648 {strides = array<i32>} : memref<80x128xf32, #tpu.memory_space<vmem>>, vector<1x16xf32>,
        %get3A_649 = arith.index_cast %add3A_456 : i32 to index
        %get3A_650 = arith.constant 0 : index
        %get3A_651 = tpu.vector_load %arg26[%get3A_649, %get3A_650] {strides = array<i32>} : memref<80x128xf32, #tpu.memory_space<vmem>>, vector<1x16xf32>,
        %get3A_652 = vector.shape_cast %get3A_651 : vector<1x16xf32> to vector<16xf32>
        %mul3A_653 = arith.mulf %get3A_652, %broadcast_in_dim3A_638 : vector<16xf32>
        %swap3A_654 = arith.index_cast %add3A_456 : i32 to index
        %swap3A_655 = arith.constant 0 : index
        %swap3A_656 = tpu.vector_load %arg26[%swap3A_654, %swap3A_655] {strides = array<i32>} : memref<80x128xf32, #tpu.memory_space<vmem>>, vector<1x16xf32>,
        %swap3A_657 = vector.shape_cast %swap3A_656 : vector<1x16xf32> to vector<16xf32>
        %swap3A_658 = vector.shape_cast %mul3A_653 : vector<16xf32> to vector<1x16xf32>
        tpu.vector_store %arg26[%swap3A_654, %swap3A_655], %swap3A_658 {strides = array<i32>} : memref<80x128xf32, #tpu.memory_space<vmem>>, vector<1x16xf32>,
        %get3A_659 = arith.index_cast %add3A_456 : i32 to index
        %get3A_660 = arith.constant 16 : index
        %get3A_661 = tpu.vector_load %arg27[%get3A_659, %get3A_660] {strides = array<i32>} : memref<80x128xf32, #tpu.memory_space<vmem>>, vector<1x16xf32>,
        %get3A_662 = vector.shape_cast %get3A_661 : vector<1x16xf32> to vector<16xf32>
        %mul3A_663 = arith.mulf %get3A_662, %broadcast_in_dim3A_638 : vector<16xf32>
        %swap3A_664 = arith.index_cast %add3A_456 : i32 to index
        %swap3A_665 = arith.constant 16 : index
        %swap3A_666 = tpu.vector_load %arg27[%swap3A_664, %swap3A_665] {strides = array<i32>} : memref<80x128xf32, #tpu.memory_space<vmem>>, vector<1x16xf32>,
        %swap3A_667 = vector.shape_cast %swap3A_666 : vector<1x16xf32> to vector<16xf32>
        %swap3A_668 = vector.shape_cast %mul3A_663 : vector<16xf32> to vector<1x16xf32>
        tpu.vector_store %arg27[%swap3A_664, %swap3A_665], %swap3A_668 {strides = array<i32>} : memref<80x128xf32, #tpu.memory_space<vmem>>, vector<1x16xf32>,
        %get3A_669 = arith.index_cast %add3A_456 : i32 to index
        %get3A_670 = arith.constant 16 : index
        %get3A_671 = tpu.vector_load %arg26[%get3A_669, %get3A_670] {strides = array<i32>} : memref<80x128xf32, #tpu.memory_space<vmem>>, vector<1x16xf32>,
        %get3A_672 = vector.shape_cast %get3A_671 : vector<1x16xf32> to vector<16xf32>
        %mul3A_673 = arith.mulf %get3A_672, %broadcast_in_dim3A_638 : vector<16xf32>
        %swap3A_674 = arith.index_cast %add3A_456 : i32 to index
        %swap3A_675 = arith.constant 16 : index
        %swap3A_676 = tpu.vector_load %arg26[%swap3A_674, %swap3A_675] {strides = array<i32>} : memref<80x128xf32, #tpu.memory_space<vmem>>, vector<1x16xf32>,
        %swap3A_677 = vector.shape_cast %swap3A_676 : vector<1x16xf32> to vector<16xf32>
        %swap3A_678 = vector.shape_cast %mul3A_673 : vector<16xf32> to vector<1x16xf32>
        tpu.vector_store %arg26[%swap3A_674, %swap3A_675], %swap3A_678 {strides = array<i32>} : memref<80x128xf32, #tpu.memory_space<vmem>>, vector<1x16xf32>,
        %get3A_679 = arith.index_cast %add3A_456 : i32 to index
        %get3A_680 = arith.constant 32 : index
        %get3A_681 = tpu.vector_load %arg27[%get3A_679, %get3A_680] {strides = array<i32>} : memref<80x128xf32, #tpu.memory_space<vmem>>, vector<1x16xf32>,
        %get3A_682 = vector.shape_cast %get3A_681 : vector<1x16xf32> to vector<16xf32>
        %mul3A_683 = arith.mulf %get3A_682, %broadcast_in_dim3A_638 : vector<16xf32>
        %swap3A_684 = arith.index_cast %add3A_456 : i32 to index
        %swap3A_685 = arith.constant 32 : index
        %swap3A_686 = tpu.vector_load %arg27[%swap3A_684, %swap3A_685] {strides = array<i32>} : memref<80x128xf32, #tpu.memory_space<vmem>>, vector<1x16xf32>,
        %swap3A_687 = vector.shape_cast %swap3A_686 : vector<1x16xf32> to vector<16xf32>
        %swap3A_688 = vector.shape_cast %mul3A_683 : vector<16xf32> to vector<1x16xf32>
        tpu.vector_store %arg27[%swap3A_684, %swap3A_685], %swap3A_688 {strides = array<i32>} : memref<80x128xf32, #tpu.memory_space<vmem>>, vector<1x16xf32>,
        %get3A_689 = arith.index_cast %add3A_456 : i32 to index
        %get3A_690 = arith.constant 32 : index
        %get3A_691 = tpu.vector_load %arg26[%get3A_689, %get3A_690] {strides = array<i32>} : memref<80x128xf32, #tpu.memory_space<vmem>>, vector<1x16xf32>,
        %get3A_692 = vector.shape_cast %get3A_691 : vector<1x16xf32> to vector<16xf32>
        %mul3A_693 = arith.mulf %get3A_692, %broadcast_in_dim3A_638 : vector<16xf32>
        %swap3A_694 = arith.index_cast %add3A_456 : i32 to index
        %swap3A_695 = arith.constant 32 : index
        %swap3A_696 = tpu.vector_load %arg26[%swap3A_694, %swap3A_695] {strides = array<i32>} : memref<80x128xf32, #tpu.memory_space<vmem>>, vector<1x16xf32>,
        %swap3A_697 = vector.shape_cast %swap3A_696 : vector<1x16xf32> to vector<16xf32>
        %swap3A_698 = vector.shape_cast %mul3A_693 : vector<16xf32> to vector<1x16xf32>
        tpu.vector_store %arg26[%swap3A_694, %swap3A_695], %swap3A_698 {strides = array<i32>} : memref<80x128xf32, #tpu.memory_space<vmem>>, vector<1x16xf32>,
        %get3A_699 = arith.index_cast %add3A_456 : i32 to index
        %get3A_700 = arith.constant 48 : index
        %get3A_701 = tpu.vector_load %arg27[%get3A_699, %get3A_700] {strides = array<i32>} : memref<80x128xf32, #tpu.memory_space<vmem>>, vector<1x16xf32>,
        %get3A_702 = vector.shape_cast %get3A_701 : vector<1x16xf32> to vector<16xf32>
        %mul3A_703 = arith.mulf %get3A_702, %broadcast_in_dim3A_638 : vector<16xf32>
        %swap3A_704 = arith.index_cast %add3A_456 : i32 to index
        %swap3A_705 = arith.constant 48 : index
        %swap3A_706 = tpu.vector_load %arg27[%swap3A_704, %swap3A_705] {strides = array<i32>} : memref<80x128xf32, #tpu.memory_space<vmem>>, vector<1x16xf32>,
        %swap3A_707 = vector.shape_cast %swap3A_706 : vector<1x16xf32> to vector<16xf32>
        %swap3A_708 = vector.shape_cast %mul3A_703 : vector<16xf32> to vector<1x16xf32>
        tpu.vector_store %arg27[%swap3A_704, %swap3A_705], %swap3A_708 {strides = array<i32>} : memref<80x128xf32, #tpu.memory_space<vmem>>, vector<1x16xf32>,
        %get3A_709 = arith.index_cast %add3A_456 : i32 to index
        %get3A_710 = arith.constant 48 : index
        %get3A_711 = tpu.vector_load %arg26[%get3A_709, %get3A_710] {strides = array<i32>} : memref<80x128xf32, #tpu.memory_space<vmem>>, vector<1x16xf32>,
        %get3A_712 = vector.shape_cast %get3A_711 : vector<1x16xf32> to vector<16xf32>
        %mul3A_713 = arith.mulf %get3A_712, %broadcast_in_dim3A_638 : vector<16xf32>
        %swap3A_714 = arith.index_cast %add3A_456 : i32 to index
        %swap3A_715 = arith.constant 48 : index
        %swap3A_716 = tpu.vector_load %arg26[%swap3A_714, %swap3A_715] {strides = array<i32>} : memref<80x128xf32, #tpu.memory_space<vmem>>, vector<1x16xf32>,
        %swap3A_717 = vector.shape_cast %swap3A_716 : vector<1x16xf32> to vector<16xf32>
        %swap3A_718 = vector.shape_cast %mul3A_713 : vector<16xf32> to vector<1x16xf32>
        tpu.vector_store %arg26[%swap3A_714, %swap3A_715], %swap3A_718 {strides = array<i32>} : memref<80x128xf32, #tpu.memory_space<vmem>>, vector<1x16xf32>,
        %get3A_719 = arith.index_cast %add3A_456 : i32 to index
        %get3A_720 = arith.constant 64 : index
        %get3A_721 = tpu.vector_load %arg27[%get3A_719, %get3A_720] {strides = array<i32>} : memref<80x128xf32, #tpu.memory_space<vmem>>, vector<1x16xf32>,
        %get3A_722 = vector.shape_cast %get3A_721 : vector<1x16xf32> to vector<16xf32>
        %mul3A_723 = arith.mulf %get3A_722, %broadcast_in_dim3A_638 : vector<16xf32>
        %swap3A_724 = arith.index_cast %add3A_456 : i32 to index
        %swap3A_725 = arith.constant 64 : index
        %swap3A_726 = tpu.vector_load %arg27[%swap3A_724, %swap3A_725] {strides = array<i32>} : memref<80x128xf32, #tpu.memory_space<vmem>>, vector<1x16xf32>,
        %swap3A_727 = vector.shape_cast %swap3A_726 : vector<1x16xf32> to vector<16xf32>
        %swap3A_728 = vector.shape_cast %mul3A_723 : vector<16xf32> to vector<1x16xf32>
        tpu.vector_store %arg27[%swap3A_724, %swap3A_725], %swap3A_728 {strides = array<i32>} : memref<80x128xf32, #tpu.memory_space<vmem>>, vector<1x16xf32>,
        %get3A_729 = arith.index_cast %add3A_456 : i32 to index
        %get3A_730 = arith.constant 64 : index
        %get3A_731 = tpu.vector_load %arg26[%get3A_729, %get3A_730] {strides = array<i32>} : memref<80x128xf32, #tpu.memory_space<vmem>>, vector<1x16xf32>,
        %get3A_732 = vector.shape_cast %get3A_731 : vector<1x16xf32> to vector<16xf32>
        %mul3A_733 = arith.mulf %get3A_732, %broadcast_in_dim3A_638 : vector<16xf32>
        %swap3A_734 = arith.index_cast %add3A_456 : i32 to index
        %swap3A_735 = arith.constant 64 : index
        %swap3A_736 = tpu.vector_load %arg26[%swap3A_734, %swap3A_735] {strides = array<i32>} : memref<80x128xf32, #tpu.memory_space<vmem>>, vector<1x16xf32>,
        %swap3A_737 = vector.shape_cast %swap3A_736 : vector<1x16xf32> to vector<16xf32>
        %swap3A_738 = vector.shape_cast %mul3A_733 : vector<16xf32> to vector<1x16xf32>
        tpu.vector_store %arg26[%swap3A_734, %swap3A_735], %swap3A_738 {strides = array<i32>} : memref<80x128xf32, #tpu.memory_space<vmem>>, vector<1x16xf32>,
        %get3A_739 = arith.index_cast %add3A_456 : i32 to index
        %get3A_740 = arith.constant 80 : index
        %get3A_741 = tpu.vector_load %arg27[%get3A_739, %get3A_740] {strides = array<i32>} : memref<80x128xf32, #tpu.memory_space<vmem>>, vector<1x16xf32>,
        %get3A_742 = vector.shape_cast %get3A_741 : vector<1x16xf32> to vector<16xf32>
        %mul3A_743 = arith.mulf %get3A_742, %broadcast_in_dim3A_638 : vector<16xf32>
        %swap3A_744 = arith.index_cast %add3A_456 : i32 to index
        %swap3A_745 = arith.constant 80 : index
        %swap3A_746 = tpu.vector_load %arg27[%swap3A_744, %swap3A_745] {strides = array<i32>} : memref<80x128xf32, #tpu.memory_space<vmem>>, vector<1x16xf32>,
        %swap3A_747 = vector.shape_cast %swap3A_746 : vector<1x16xf32> to vector<16xf32>
        %swap3A_748 = vector.shape_cast %mul3A_743 : vector<16xf32> to vector<1x16xf32>
        tpu.vector_store %arg27[%swap3A_744, %swap3A_745], %swap3A_748 {strides = array<i32>} : memref<80x128xf32, #tpu.memory_space<vmem>>, vector<1x16xf32>,
        %get3A_749 = arith.index_cast %add3A_456 : i32 to index
        %get3A_750 = arith.constant 80 : index
        %get3A_751 = tpu.vector_load %arg26[%get3A_749, %get3A_750] {strides = array<i32>} : memref<80x128xf32, #tpu.memory_space<vmem>>, vector<1x16xf32>,
        %get3A_752 = vector.shape_cast %get3A_751 : vector<1x16xf32> to vector<16xf32>
        %mul3A_753 = arith.mulf %get3A_752, %broadcast_in_dim3A_638 : vector<16xf32>
        %swap3A_754 = arith.index_cast %add3A_456 : i32 to index
        %swap3A_755 = arith.constant 80 : index
        %swap3A_756 = tpu.vector_load %arg26[%swap3A_754, %swap3A_755] {strides = array<i32>} : memref<80x128xf32, #tpu.memory_space<vmem>>, vector<1x16xf32>,
        %swap3A_757 = vector.shape_cast %swap3A_756 : vector<1x16xf32> to vector<16xf32>
        %swap3A_758 = vector.shape_cast %mul3A_753 : vector<16xf32> to vector<1x16xf32>
        tpu.vector_store %arg26[%swap3A_754, %swap3A_755], %swap3A_758 {strides = array<i32>} : memref<80x128xf32, #tpu.memory_space<vmem>>, vector<1x16xf32>,
        %get3A_759 = arith.index_cast %add3A_456 : i32 to index
        %get3A_760 = arith.constant 96 : index
        %get3A_761 = tpu.vector_load %arg27[%get3A_759, %get3A_760] {strides = array<i32>} : memref<80x128xf32, #tpu.memory_space<vmem>>, vector<1x16xf32>,
        %get3A_762 = vector.shape_cast %get3A_761 : vector<1x16xf32> to vector<16xf32>
        %mul3A_763 = arith.mulf %get3A_762, %broadcast_in_dim3A_638 : vector<16xf32>
        %swap3A_764 = arith.index_cast %add3A_456 : i32 to index
        %swap3A_765 = arith.constant 96 : index
        %swap3A_766 = tpu.vector_load %arg27[%swap3A_764, %swap3A_765] {strides = array<i32>} : memref<80x128xf32, #tpu.memory_space<vmem>>, vector<1x16xf32>,
        %swap3A_767 = vector.shape_cast %swap3A_766 : vector<1x16xf32> to vector<16xf32>
        %swap3A_768 = vector.shape_cast %mul3A_763 : vector<16xf32> to vector<1x16xf32>
        tpu.vector_store %arg27[%swap3A_764, %swap3A_765], %swap3A_768 {strides = array<i32>} : memref<80x128xf32, #tpu.memory_space<vmem>>, vector<1x16xf32>,
        %get3A_769 = arith.index_cast %add3A_456 : i32 to index
        %get3A_770 = arith.constant 96 : index
        %get3A_771 = tpu.vector_load %arg26[%get3A_769, %get3A_770] {strides = array<i32>} : memref<80x128xf32, #tpu.memory_space<vmem>>, vector<1x16xf32>,
        %get3A_772 = vector.shape_cast %get3A_771 : vector<1x16xf32> to vector<16xf32>
        %mul3A_773 = arith.mulf %get3A_772, %broadcast_in_dim3A_638 : vector<16xf32>
        %swap3A_774 = arith.index_cast %add3A_456 : i32 to index
        %swap3A_775 = arith.constant 96 : index
        %swap3A_776 = tpu.vector_load %arg26[%swap3A_774, %swap3A_775] {strides = array<i32>} : memref<80x128xf32, #tpu.memory_space<vmem>>, vector<1x16xf32>,
        %swap3A_777 = vector.shape_cast %swap3A_776 : vector<1x16xf32> to vector<16xf32>
        %swap3A_778 = vector.shape_cast %mul3A_773 : vector<16xf32> to vector<1x16xf32>
        tpu.vector_store %arg26[%swap3A_774, %swap3A_775], %swap3A_778 {strides = array<i32>} : memref<80x128xf32, #tpu.memory_space<vmem>>, vector<1x16xf32>,
        %get3A_779 = arith.index_cast %add3A_456 : i32 to index
        %get3A_780 = arith.constant 112 : index
        %get3A_781 = tpu.vector_load %arg27[%get3A_779, %get3A_780] {strides = array<i32>} : memref<80x128xf32, #tpu.memory_space<vmem>>, vector<1x16xf32>,
        %get3A_782 = vector.shape_cast %get3A_781 : vector<1x16xf32> to vector<16xf32>
        %mul3A_783 = arith.mulf %get3A_782, %broadcast_in_dim3A_638 : vector<16xf32>
        %swap3A_784 = arith.index_cast %add3A_456 : i32 to index
        %swap3A_785 = arith.constant 112 : index
        %swap3A_786 = tpu.vector_load %arg27[%swap3A_784, %swap3A_785] {strides = array<i32>} : memref<80x128xf32, #tpu.memory_space<vmem>>, vector<1x16xf32>,
        %swap3A_787 = vector.shape_cast %swap3A_786 : vector<1x16xf32> to vector<16xf32>
        %swap3A_788 = vector.shape_cast %mul3A_783 : vector<16xf32> to vector<1x16xf32>
        tpu.vector_store %arg27[%swap3A_784, %swap3A_785], %swap3A_788 {strides = array<i32>} : memref<80x128xf32, #tpu.memory_space<vmem>>, vector<1x16xf32>,
        %get3A_789 = arith.index_cast %add3A_456 : i32 to index
        %get3A_790 = arith.constant 112 : index
        %get3A_791 = tpu.vector_load %arg26[%get3A_789, %get3A_790] {strides = array<i32>} : memref<80x128xf32, #tpu.memory_space<vmem>>, vector<1x16xf32>,
        %get3A_792 = vector.shape_cast %get3A_791 : vector<1x16xf32> to vector<16xf32>
        %mul3A_793 = arith.mulf %get3A_792, %broadcast_in_dim3A_638 : vector<16xf32>
        %swap3A_794 = arith.index_cast %add3A_456 : i32 to index
        %swap3A_795 = arith.constant 112 : index
        %swap3A_796 = tpu.vector_load %arg26[%swap3A_794, %swap3A_795] {strides = array<i32>} : memref<80x128xf32, #tpu.memory_space<vmem>>, vector<1x16xf32>,
        %swap3A_797 = vector.shape_cast %swap3A_796 : vector<1x16xf32> to vector<16xf32>
        %swap3A_798 = vector.shape_cast %mul3A_793 : vector<16xf32> to vector<1x16xf32>
        tpu.vector_store %arg26[%swap3A_794, %swap3A_795], %swap3A_798 {strides = array<i32>} : memref<80x128xf32, #tpu.memory_space<vmem>>, vector<1x16xf32>,
        %scan3A_799 = arith.constant 0 : i32
        scf.yield %scan3A_799 : i32
      }
      %scan3A_112 = arith.constant 40 : i32
      "tpu.region"() ({
        %run_scoped3A = tpu.sem_alloc : memref<!tpu.dma_semaphore, #tpu.memory_space<semaphore_mem>>
        %dma_start3A_114 = arith.constant 0 : i32
        %dma_start3A_115 = arith.constant 0 : i32
        %dma_start3A_116 = tpu.memref_slice %arg32[%dma_start3A_114, %dma_start3A_115] : memref<10240x128xf32, #tpu.memory_space<vmem_shared>> -> memref<10240x128xf32, #tpu.memory_space<vmem_shared>>
        tpu.enqueue_indirect_dma source(%arg27 : memref<80x128xf32, #tpu.memory_space<vmem>>) target(%dma_start3A_116 : memref<10240x128xf32, #tpu.memory_space<vmem_shared>>) offsets(%arg18 : memref<80xi32, #tpu.memory_space<vmem>>) semaphore(%run_scoped3A : memref<!tpu.dma_semaphore, #tpu.memory_space<semaphore_mem>>) {add = true}
        %dma_wait3A_117 = arith.constant 0 : i32
        %dma_wait3A_118 = arith.constant 0 : i32
        %dma_wait3A_119 = tpu.memref_slice %arg32[%dma_wait3A_117, %dma_wait3A_118] : memref<10240x128xf32, #tpu.memory_space<vmem_shared>> -> memref<10240x128xf32, #tpu.memory_space<vmem_shared>>
        tpu.wait_indirect_dma semaphore(%run_scoped3A : memref<!tpu.dma_semaphore, #tpu.memory_space<semaphore_mem>>) src(%arg27 : memref<80x128xf32, #tpu.memory_space<vmem>>) dst(%dma_wait3A_119 : memref<10240x128xf32, #tpu.memory_space<vmem_shared>>)
        tpu.yield
      }) : () -> ()
      "tpu.region"() ({
        %run_scoped3A = tpu.sem_alloc : memref<!tpu.dma_semaphore, #tpu.memory_space<semaphore_mem>>
        %dma_start3A_114 = arith.constant 0 : i32
        %dma_start3A_115 = arith.constant 0 : i32
        %dma_start3A_116 = tpu.memref_slice %arg32[%dma_start3A_114, %dma_start3A_115] : memref<10240x128xf32, #tpu.memory_space<vmem_shared>> -> memref<10240x128xf32, #tpu.memory_space<vmem_shared>>
        tpu.enqueue_indirect_dma source(%arg26 : memref<80x128xf32, #tpu.memory_space<vmem>>) target(%dma_start3A_116 : memref<10240x128xf32, #tpu.memory_space<vmem_shared>>) offsets(%arg19 : memref<80xi32, #tpu.memory_space<vmem>>) semaphore(%run_scoped3A : memref<!tpu.dma_semaphore, #tpu.memory_space<semaphore_mem>>) {add = true}
        %dma_wait3A_117 = arith.constant 0 : i32
        %dma_wait3A_118 = arith.constant 0 : i32
        %dma_wait3A_119 = tpu.memref_slice %arg32[%dma_wait3A_117, %dma_wait3A_118] : memref<10240x128xf32, #tpu.memory_space<vmem_shared>> -> memref<10240x128xf32, #tpu.memory_space<vmem_shared>>
        tpu.wait_indirect_dma semaphore(%run_scoped3A : memref<!tpu.dma_semaphore, #tpu.memory_space<semaphore_mem>>) src(%arg26 : memref<80x128xf32, #tpu.memory_space<vmem>>) dst(%dma_wait3A_119 : memref<10240x128xf32, #tpu.memory_space<vmem_shared>>)
        tpu.yield
      }) : () -> ()
      %scan3A_113 = arith.constant 0 : i32
      scf.yield %scan3A_113 : i32
    }
    %scan3A_45 = arith.constant 125 : i32
    %scan3A_46 = arith.constant 0 : i32
    %scan3A_47 = arith.constant 0 : i32
    %scan3A_48 = arith.constant 125 : i32
    %scan3A_49 = arith.addi %scan3A_47, %scan3A_48 : i32
    %scan3A_50 = arith.constant 1 : i32
    %scan3A_51 = scf.for %scan3A_58 = %scan3A_47 to %scan3A_49 step %scan3A_50 iter_args(%scan3A_59 = %scan3A_46) -> (i32)  : i32 {
      %mul3A_60 = arith.constant 10000 : i32
      %mul3A_61 = arith.muli %add3A, %mul3A_60 : i32
      %mul3A_62 = arith.constant 80 : i32
      %mul3A_63 = arith.muli %scan3A_58, %mul3A_62 : i32
      %add3A_64 = arith.addi %mul3A_61, %mul3A_63 : i32
      %dma_start3A = tpu.memref_slice %arg7[%add3A_64] : memref<320016xi32, #tpu.memory_space<hbm>> -> memref<80xi32, #tpu.memory_space<hbm>>
      %dma_start3A_65 = tpu.memref_slice %arg7[%add3A_64] : memref<320016xi32, #tpu.memory_space<hbm>> -> memref<80xi32, #tpu.memory_space<hbm>>
      tpu.enqueue_dma source(%dma_start3A_65 : memref<80xi32, #tpu.memory_space<hbm>>) target(%arg18 : memref<80xi32, #tpu.memory_space<vmem>>) target_semaphore(%arg33 : memref<!tpu.dma_semaphore, #tpu.memory_space<semaphore_mem>>)
      %dma_start3A_66 = tpu.memref_slice %arg8[%add3A_64] : memref<320016xi32, #tpu.memory_space<hbm>> -> memref<80xi32, #tpu.memory_space<hbm>>
      %dma_start3A_67 = tpu.memref_slice %arg8[%add3A_64] : memref<320016xi32, #tpu.memory_space<hbm>> -> memref<80xi32, #tpu.memory_space<hbm>>
      tpu.enqueue_dma source(%dma_start3A_67 : memref<80xi32, #tpu.memory_space<hbm>>) target(%arg19 : memref<80xi32, #tpu.memory_space<vmem>>) target_semaphore(%arg33 : memref<!tpu.dma_semaphore, #tpu.memory_space<semaphore_mem>>)
      %dma_start3A_68 = tpu.memref_slice %arg7[%add3A_64] : memref<320016xi32, #tpu.memory_space<hbm>> -> memref<96xi32, #tpu.memory_space<hbm>>
      %dma_start3A_69 = tpu.memref_slice %arg7[%add3A_64] : memref<320016xi32, #tpu.memory_space<hbm>> -> memref<96xi32, #tpu.memory_space<hbm>>
      tpu.enqueue_dma source(%dma_start3A_69 : memref<96xi32, #tpu.memory_space<hbm>>) target(%arg20 : memref<96xi32, #tpu.memory_space<vmem>>) target_semaphore(%arg33 : memref<!tpu.dma_semaphore, #tpu.memory_space<semaphore_mem>>)
      %dma_start3A_70 = tpu.memref_slice %arg8[%add3A_64] : memref<320016xi32, #tpu.memory_space<hbm>> -> memref<96xi32, #tpu.memory_space<hbm>>
      %dma_start3A_71 = tpu.memref_slice %arg8[%add3A_64] : memref<320016xi32, #tpu.memory_space<hbm>> -> memref<96xi32, #tpu.memory_space<hbm>>
      tpu.enqueue_dma source(%dma_start3A_71 : memref<96xi32, #tpu.memory_space<hbm>>) target(%arg21 : memref<96xi32, #tpu.memory_space<vmem>>) target_semaphore(%arg33 : memref<!tpu.dma_semaphore, #tpu.memory_space<semaphore_mem>>)
      %dma_wait3A = tpu.memref_slice %arg7[%add3A_64] : memref<320016xi32, #tpu.memory_space<hbm>> -> memref<80xi32, #tpu.memory_space<hbm>>
      %dma_wait3A_72 = tpu.memref_slice %arg7[%add3A_64] : memref<320016xi32, #tpu.memory_space<hbm>> -> memref<80xi32, #tpu.memory_space<hbm>>
      tpu.wait_dma2 semaphore(%arg33 : memref<!tpu.dma_semaphore, #tpu.memory_space<semaphore_mem>>) src(%dma_wait3A_72 : memref<80xi32, #tpu.memory_space<hbm>>) dst(%arg18 : memref<80xi32, #tpu.memory_space<vmem>>)
      %dma_wait3A_73 = tpu.memref_slice %arg8[%add3A_64] : memref<320016xi32, #tpu.memory_space<hbm>> -> memref<80xi32, #tpu.memory_space<hbm>>
      %dma_wait3A_74 = tpu.memref_slice %arg8[%add3A_64] : memref<320016xi32, #tpu.memory_space<hbm>> -> memref<80xi32, #tpu.memory_space<hbm>>
      tpu.wait_dma2 semaphore(%arg33 : memref<!tpu.dma_semaphore, #tpu.memory_space<semaphore_mem>>) src(%dma_wait3A_74 : memref<80xi32, #tpu.memory_space<hbm>>) dst(%arg19 : memref<80xi32, #tpu.memory_space<vmem>>)
      %dma_wait3A_75 = tpu.memref_slice %arg7[%add3A_64] : memref<320016xi32, #tpu.memory_space<hbm>> -> memref<96xi32, #tpu.memory_space<hbm>>
      %dma_wait3A_76 = tpu.memref_slice %arg7[%add3A_64] : memref<320016xi32, #tpu.memory_space<hbm>> -> memref<96xi32, #tpu.memory_space<hbm>>
      tpu.wait_dma2 semaphore(%arg33 : memref<!tpu.dma_semaphore, #tpu.memory_space<semaphore_mem>>) src(%dma_wait3A_76 : memref<96xi32, #tpu.memory_space<hbm>>) dst(%arg20 : memref<96xi32, #tpu.memory_space<vmem>>)
      %dma_wait3A_77 = tpu.memref_slice %arg8[%add3A_64] : memref<320016xi32, #tpu.memory_space<hbm>> -> memref<96xi32, #tpu.memory_space<hbm>>
      %dma_wait3A_78 = tpu.memref_slice %arg8[%add3A_64] : memref<320016xi32, #tpu.memory_space<hbm>> -> memref<96xi32, #tpu.memory_space<hbm>>
      tpu.wait_dma2 semaphore(%arg33 : memref<!tpu.dma_semaphore, #tpu.memory_space<semaphore_mem>>) src(%dma_wait3A_78 : memref<96xi32, #tpu.memory_space<hbm>>) dst(%arg21 : memref<96xi32, #tpu.memory_space<vmem>>)
      %dma_start3A_79 = arith.constant 0 : i32
      %dma_start3A_80 = arith.constant 0 : i32
      %dma_start3A_81 = tpu.memref_slice %arg2[%dma_start3A_79, %dma_start3A_80] : memref<10000x128xf32, #tpu.memory_space<hbm>> -> memref<10000x128xf32, #tpu.memory_space<hbm>>
      tpu.enqueue_indirect_dma source(%dma_start3A_81 : memref<10000x128xf32, #tpu.memory_space<hbm>>) target(%arg26 : memref<80x128xf32, #tpu.memory_space<vmem>>) offsets(%arg18 : memref<80xi32, #tpu.memory_space<vmem>>) semaphore(%arg33 : memref<!tpu.dma_semaphore, #tpu.memory_space<semaphore_mem>>)
      %dma_start3A_82 = arith.constant 0 : i32
      %dma_start3A_83 = arith.constant 0 : i32
      %dma_start3A_84 = tpu.memref_slice %arg2[%dma_start3A_82, %dma_start3A_83] : memref<10000x128xf32, #tpu.memory_space<hbm>> -> memref<10000x128xf32, #tpu.memory_space<hbm>>
      tpu.enqueue_indirect_dma source(%dma_start3A_84 : memref<10000x128xf32, #tpu.memory_space<hbm>>) target(%arg27 : memref<80x128xf32, #tpu.memory_space<vmem>>) offsets(%arg19 : memref<80xi32, #tpu.memory_space<vmem>>) semaphore(%arg33 : memref<!tpu.dma_semaphore, #tpu.memory_space<semaphore_mem>>)
      %dma_wait3A_85 = arith.constant 0 : i32
      %dma_wait3A_86 = arith.constant 0 : i32
      %dma_wait3A_87 = tpu.memref_slice %arg2[%dma_wait3A_85, %dma_wait3A_86] : memref<10000x128xf32, #tpu.memory_space<hbm>> -> memref<10000x128xf32, #tpu.memory_space<hbm>>
      tpu.wait_indirect_dma semaphore(%arg33 : memref<!tpu.dma_semaphore, #tpu.memory_space<semaphore_mem>>) src(%dma_wait3A_87 : memref<10000x128xf32, #tpu.memory_space<hbm>>) dst(%arg26 : memref<80x128xf32, #tpu.memory_space<vmem>>)
      %dma_wait3A_88 = arith.constant 0 : i32
      %dma_wait3A_89 = arith.constant 0 : i32
      %dma_wait3A_90 = tpu.memref_slice %arg2[%dma_wait3A_88, %dma_wait3A_89] : memref<10000x128xf32, #tpu.memory_space<hbm>> -> memref<10000x128xf32, #tpu.memory_space<hbm>>
      tpu.wait_indirect_dma semaphore(%arg33 : memref<!tpu.dma_semaphore, #tpu.memory_space<semaphore_mem>>) src(%dma_wait3A_90 : memref<10000x128xf32, #tpu.memory_space<hbm>>) dst(%arg27 : memref<80x128xf32, #tpu.memory_space<vmem>>)
      %scan3A_91 = arith.constant 0 : i32
      %scan3A_92 = arith.constant 0 : i32
      %scan3A_93 = arith.constant 40 : i32
      %scan3A_94 = arith.addi %scan3A_92, %scan3A_93 : i32
      %scan3A_95 = arith.constant 1 : i32
      %scan3A_96 = scf.for %scan3A_99 = %scan3A_92 to %scan3A_94 step %scan3A_95 iter_args(%scan3A_100 = %scan3A_91) -> (i32)  : i32 {
        %mul3A_101 = arith.constant 2 : i32
        %mul3A_102 = arith.muli %scan3A_99, %mul3A_101 : i32
        %get3A_103 = arith.index_cast %mul3A_102 : i32 to index
        %get3A_104 = arith.constant 0 : index
        %get3A_105 = tpu.vector_load %arg26[%get3A_103, %get3A_104] {strides = array<i32>} : memref<80x128xf32, #tpu.memory_space<vmem>>, vector<1x16xf32>,
        %get3A_106 = vector.shape_cast %get3A_105 : vector<1x16xf32> to vector<16xf32>
        %get3A_107 = arith.index_cast %mul3A_102 : i32 to index
        %get3A_108 = arith.constant 0 : index
        %get3A_109 = tpu.vector_load %arg27[%get3A_107, %get3A_108] {strides = array<i32>} : memref<80x128xf32, #tpu.memory_space<vmem>>, vector<1x16xf32>,
        %get3A_110 = vector.shape_cast %get3A_109 : vector<1x16xf32> to vector<16xf32>
        %mul3A_111 = arith.mulf %get3A_106, %get3A_110 : vector<16xf32>
        %get3A_112 = arith.index_cast %mul3A_102 : i32 to index
        %get3A_113 = arith.constant 16 : index
        %get3A_114 = tpu.vector_load %arg26[%get3A_112, %get3A_113] {strides = array<i32>} : memref<80x128xf32, #tpu.memory_space<vmem>>, vector<1x16xf32>,
        %get3A_115 = vector.shape_cast %get3A_114 : vector<1x16xf32> to vector<16xf32>
        %get3A_116 = arith.index_cast %mul3A_102 : i32 to index
        %get3A_117 = arith.constant 16 : index
        %get3A_118 = tpu.vector_load %arg27[%get3A_116, %get3A_117] {strides = array<i32>} : memref<80x128xf32, #tpu.memory_space<vmem>>, vector<1x16xf32>,
        %get3A_119 = vector.shape_cast %get3A_118 : vector<1x16xf32> to vector<16xf32>
        %mul3A_120 = arith.mulf %get3A_115, %get3A_119 : vector<16xf32>
        %add3A_121 = arith.addf %mul3A_111, %mul3A_120 : vector<16xf32>
        %get3A_122 = arith.index_cast %mul3A_102 : i32 to index
        %get3A_123 = arith.constant 32 : index
        %get3A_124 = tpu.vector_load %arg26[%get3A_122, %get3A_123] {strides = array<i32>} : memref<80x128xf32, #tpu.memory_space<vmem>>, vector<1x16xf32>,
        %get3A_125 = vector.shape_cast %get3A_124 : vector<1x16xf32> to vector<16xf32>
        %get3A_126 = arith.index_cast %mul3A_102 : i32 to index
        %get3A_127 = arith.constant 32 : index
        %get3A_128 = tpu.vector_load %arg27[%get3A_126, %get3A_127] {strides = array<i32>} : memref<80x128xf32, #tpu.memory_space<vmem>>, vector<1x16xf32>,
        %get3A_129 = vector.shape_cast %get3A_128 : vector<1x16xf32> to vector<16xf32>
        %mul3A_130 = arith.mulf %get3A_125, %get3A_129 : vector<16xf32>
        %add3A_131 = arith.addf %add3A_121, %mul3A_130 : vector<16xf32>
        %get3A_132 = arith.index_cast %mul3A_102 : i32 to index
        %get3A_133 = arith.constant 48 : index
        %get3A_134 = tpu.vector_load %arg26[%get3A_132, %get3A_133] {strides = array<i32>} : memref<80x128xf32, #tpu.memory_space<vmem>>, vector<1x16xf32>,
        %get3A_135 = vector.shape_cast %get3A_134 : vector<1x16xf32> to vector<16xf32>
        %get3A_136 = arith.index_cast %mul3A_102 : i32 to index
        %get3A_137 = arith.constant 48 : index
        %get3A_138 = tpu.vector_load %arg27[%get3A_136, %get3A_137] {strides = array<i32>} : memref<80x128xf32, #tpu.memory_space<vmem>>, vector<1x16xf32>,
        %get3A_139 = vector.shape_cast %get3A_138 : vector<1x16xf32> to vector<16xf32>
        %mul3A_140 = arith.mulf %get3A_135, %get3A_139 : vector<16xf32>
        %add3A_141 = arith.addf %add3A_131, %mul3A_140 : vector<16xf32>
        %get3A_142 = arith.index_cast %mul3A_102 : i32 to index
        %get3A_143 = arith.constant 64 : index
        %get3A_144 = tpu.vector_load %arg26[%get3A_142, %get3A_143] {strides = array<i32>} : memref<80x128xf32, #tpu.memory_space<vmem>>, vector<1x16xf32>,
        %get3A_145 = vector.shape_cast %get3A_144 : vector<1x16xf32> to vector<16xf32>
        %get3A_146 = arith.index_cast %mul3A_102 : i32 to index
        %get3A_147 = arith.constant 64 : index
        %get3A_148 = tpu.vector_load %arg27[%get3A_146, %get3A_147] {strides = array<i32>} : memref<80x128xf32, #tpu.memory_space<vmem>>, vector<1x16xf32>,
        %get3A_149 = vector.shape_cast %get3A_148 : vector<1x16xf32> to vector<16xf32>
        %mul3A_150 = arith.mulf %get3A_145, %get3A_149 : vector<16xf32>
        %add3A_151 = arith.addf %add3A_141, %mul3A_150 : vector<16xf32>
        %get3A_152 = arith.index_cast %mul3A_102 : i32 to index
        %get3A_153 = arith.constant 80 : index
        %get3A_154 = tpu.vector_load %arg26[%get3A_152, %get3A_153] {strides = array<i32>} : memref<80x128xf32, #tpu.memory_space<vmem>>, vector<1x16xf32>,
        %get3A_155 = vector.shape_cast %get3A_154 : vector<1x16xf32> to vector<16xf32>
        %get3A_156 = arith.index_cast %mul3A_102 : i32 to index
        %get3A_157 = arith.constant 80 : index
        %get3A_158 = tpu.vector_load %arg27[%get3A_156, %get3A_157] {strides = array<i32>} : memref<80x128xf32, #tpu.memory_space<vmem>>, vector<1x16xf32>,
        %get3A_159 = vector.shape_cast %get3A_158 : vector<1x16xf32> to vector<16xf32>
        %mul3A_160 = arith.mulf %get3A_155, %get3A_159 : vector<16xf32>
        %add3A_161 = arith.addf %add3A_151, %mul3A_160 : vector<16xf32>
        %get3A_162 = arith.index_cast %mul3A_102 : i32 to index
        %get3A_163 = arith.constant 96 : index
        %get3A_164 = tpu.vector_load %arg26[%get3A_162, %get3A_163] {strides = array<i32>} : memref<80x128xf32, #tpu.memory_space<vmem>>, vector<1x16xf32>,
        %get3A_165 = vector.shape_cast %get3A_164 : vector<1x16xf32> to vector<16xf32>
        %get3A_166 = arith.index_cast %mul3A_102 : i32 to index
        %get3A_167 = arith.constant 96 : index
        %get3A_168 = tpu.vector_load %arg27[%get3A_166, %get3A_167] {strides = array<i32>} : memref<80x128xf32, #tpu.memory_space<vmem>>, vector<1x16xf32>,
        %get3A_169 = vector.shape_cast %get3A_168 : vector<1x16xf32> to vector<16xf32>
        %mul3A_170 = arith.mulf %get3A_165, %get3A_169 : vector<16xf32>
        %add3A_171 = arith.addf %add3A_161, %mul3A_170 : vector<16xf32>
        %get3A_172 = arith.index_cast %mul3A_102 : i32 to index
        %get3A_173 = arith.constant 112 : index
        %get3A_174 = tpu.vector_load %arg26[%get3A_172, %get3A_173] {strides = array<i32>} : memref<80x128xf32, #tpu.memory_space<vmem>>, vector<1x16xf32>,
        %get3A_175 = vector.shape_cast %get3A_174 : vector<1x16xf32> to vector<16xf32>
        %get3A_176 = arith.index_cast %mul3A_102 : i32 to index
        %get3A_177 = arith.constant 112 : index
        %get3A_178 = tpu.vector_load %arg27[%get3A_176, %get3A_177] {strides = array<i32>} : memref<80x128xf32, #tpu.memory_space<vmem>>, vector<1x16xf32>,
        %get3A_179 = vector.shape_cast %get3A_178 : vector<1x16xf32> to vector<16xf32>
        %mul3A_180 = arith.mulf %get3A_175, %get3A_179 : vector<16xf32>
        %add3A_181 = arith.addf %add3A_171, %mul3A_180 : vector<16xf32>
        %swap3A = arith.constant 0 : index
        %swap3A_182 = tpu.vector_load %arg28[%swap3A] {strides = array<i32>} : memref<64xf32, #tpu.memory_space<vmem>>, vector<16xf32>,
        %swap3A_183 = vector.shape_cast %swap3A_182 : vector<16xf32> to vector<16xf32>
        %swap3A_184 = vector.shape_cast %add3A_181 : vector<16xf32> to vector<16xf32>
        tpu.vector_store %arg28[%swap3A], %swap3A_184 {strides = array<i32>} : memref<64xf32, #tpu.memory_space<vmem>>, vector<16xf32>,
        %get3A_185 = arith.constant 8 : index
        %get3A_186 = tpu.vector_load %arg28[%get3A_185] {strides = array<i32>} : memref<64xf32, #tpu.memory_space<vmem>>, vector<16xf32>,
        %get3A_187 = vector.shape_cast %get3A_186 : vector<16xf32> to vector<16xf32>
        %add3A_188 = arith.addf %add3A_181, %get3A_187 : vector<16xf32>
        %swap3A_189 = arith.constant 0 : index
        %swap3A_190 = tpu.vector_load %arg28[%swap3A_189] {strides = array<i32>} : memref<64xf32, #tpu.memory_space<vmem>>, vector<16xf32>,
        %swap3A_191 = vector.shape_cast %swap3A_190 : vector<16xf32> to vector<16xf32>
        %swap3A_192 = vector.shape_cast %add3A_188 : vector<16xf32> to vector<16xf32>
        tpu.vector_store %arg28[%swap3A_189], %swap3A_192 {strides = array<i32>} : memref<64xf32, #tpu.memory_space<vmem>>, vector<16xf32>,
        %get3A_193 = arith.constant 4 : index
        %get3A_194 = tpu.vector_load %arg28[%get3A_193] {strides = array<i32>} : memref<64xf32, #tpu.memory_space<vmem>>, vector<16xf32>,
        %get3A_195 = vector.shape_cast %get3A_194 : vector<16xf32> to vector<16xf32>
        %add3A_196 = arith.addf %add3A_188, %get3A_195 : vector<16xf32>
        %swap3A_197 = arith.constant 0 : index
        %swap3A_198 = tpu.vector_load %arg28[%swap3A_197] {strides = array<i32>} : memref<64xf32, #tpu.memory_space<vmem>>, vector<16xf32>,
        %swap3A_199 = vector.shape_cast %swap3A_198 : vector<16xf32> to vector<16xf32>
        %swap3A_200 = vector.shape_cast %add3A_196 : vector<16xf32> to vector<16xf32>
        tpu.vector_store %arg28[%swap3A_197], %swap3A_200 {strides = array<i32>} : memref<64xf32, #tpu.memory_space<vmem>>, vector<16xf32>,
        %get3A_201 = arith.constant 2 : index
        %get3A_202 = tpu.vector_load %arg28[%get3A_201] {strides = array<i32>} : memref<64xf32, #tpu.memory_space<vmem>>, vector<16xf32>,
        %get3A_203 = vector.shape_cast %get3A_202 : vector<16xf32> to vector<16xf32>
        %add3A_204 = arith.addf %add3A_196, %get3A_203 : vector<16xf32>
        %swap3A_205 = arith.constant 0 : index
        %swap3A_206 = tpu.vector_load %arg28[%swap3A_205] {strides = array<i32>} : memref<64xf32, #tpu.memory_space<vmem>>, vector<16xf32>,
        %swap3A_207 = vector.shape_cast %swap3A_206 : vector<16xf32> to vector<16xf32>
        %swap3A_208 = vector.shape_cast %add3A_204 : vector<16xf32> to vector<16xf32>
        tpu.vector_store %arg28[%swap3A_205], %swap3A_208 {strides = array<i32>} : memref<64xf32, #tpu.memory_space<vmem>>, vector<16xf32>,
        %get3A_209 = arith.constant 1 : index
        %get3A_210 = tpu.vector_load %arg28[%get3A_209] {strides = array<i32>} : memref<64xf32, #tpu.memory_space<vmem>>, vector<16xf32>,
        %get3A_211 = vector.shape_cast %get3A_210 : vector<16xf32> to vector<16xf32>
        %add3A_212 = arith.addf %add3A_204, %get3A_211 : vector<16xf32>
        %slice3A = vector.extract_strided_slice %add3A_212 {offsets = [0], sizes = [1], strides = [1]} : vector<16xf32> to vector<1xf32>
        %squeeze3A = vector.extract %slice3A[0] : f32 from vector<1xf32>
        %mul3A_213 = arith.constant 2.000000e+00 : f32
        %mul3A_214 = arith.mulf %mul3A_213, %squeeze3A : f32
        %broadcast_in_dim3A = arith.constant 0.000000e+00 : f32
        %broadcast_in_dim3A_215 = vector.broadcast %broadcast_in_dim3A : f32 to vector<16xf32>
        %mul3A_216 = vector.broadcast %mul3A_214 : f32 to vector<16xf32>
        %mul3A_217 = arith.mulf %mul3A_216, %get3A_6 : vector<16xf32>
        %add3A_218 = arith.addf %mul3A_217, %get3A_18 : vector<16xf32>
        %min3A = arith.constant 6.000000e+01 : f32
        %min3A_219 = vector.broadcast %min3A : f32 to vector<16xf32>
        %min3A_220 = arith.minimumf %add3A_218, %min3A_219 : vector<16xf32>
        %exp3A = math.exp %min3A_220 : vector<16xf32>
        %sub3A = arith.constant 1.000000e+00 : f32
        %sub3A_221 = vector.broadcast %sub3A : f32 to vector<16xf32>
        %sub3A_222 = arith.subf %exp3A, %sub3A_221 : vector<16xf32>
        %add3A_223 = arith.constant 1.000000e+00 : f32
        %add3A_224 = vector.broadcast %add3A_223 : f32 to vector<16xf32>
        %add3A_225 = arith.addf %exp3A, %add3A_224 : vector<16xf32>
        %div3A = arith.divf %sub3A_222, %add3A_225 : vector<16xf32>
        %mul3A_226 = arith.mulf %div3A, %get3A_30 : vector<16xf32>
        %add3A_227 = arith.addf %broadcast_in_dim3A_215, %mul3A_226 : vector<16xf32>
        %mul3A_228 = vector.broadcast %mul3A_214 : f32 to vector<16xf32>
        %mul3A_229 = arith.mulf %mul3A_228, %get3A_9 : vector<16xf32>
        %add3A_230 = arith.addf %mul3A_229, %get3A_21 : vector<16xf32>
        %min3A_231 = arith.constant 6.000000e+01 : f32
        %min3A_232 = vector.broadcast %min3A_231 : f32 to vector<16xf32>
        %min3A_233 = arith.minimumf %add3A_230, %min3A_232 : vector<16xf32>
        %exp3A_234 = math.exp %min3A_233 : vector<16xf32>
        %sub3A_235 = arith.constant 1.000000e+00 : f32
        %sub3A_236 = vector.broadcast %sub3A_235 : f32 to vector<16xf32>
        %sub3A_237 = arith.subf %exp3A_234, %sub3A_236 : vector<16xf32>
        %add3A_238 = arith.constant 1.000000e+00 : f32
        %add3A_239 = vector.broadcast %add3A_238 : f32 to vector<16xf32>
        %add3A_240 = arith.addf %exp3A_234, %add3A_239 : vector<16xf32>
        %div3A_241 = arith.divf %sub3A_237, %add3A_240 : vector<16xf32>
        %mul3A_242 = arith.mulf %div3A_241, %get3A_33 : vector<16xf32>
        %add3A_243 = arith.addf %add3A_227, %mul3A_242 : vector<16xf32>
        %mul3A_244 = vector.broadcast %mul3A_214 : f32 to vector<16xf32>
        %mul3A_245 = arith.mulf %mul3A_244, %get3A_12 : vector<16xf32>
        %add3A_246 = arith.addf %mul3A_245, %get3A_24 : vector<16xf32>
        %min3A_247 = arith.constant 6.000000e+01 : f32
        %min3A_248 = vector.broadcast %min3A_247 : f32 to vector<16xf32>
        %min3A_249 = arith.minimumf %add3A_246, %min3A_248 : vector<16xf32>
        %exp3A_250 = math.exp %min3A_249 : vector<16xf32>
        %sub3A_251 = arith.constant 1.000000e+00 : f32
        %sub3A_252 = vector.broadcast %sub3A_251 : f32 to vector<16xf32>
        %sub3A_253 = arith.subf %exp3A_250, %sub3A_252 : vector<16xf32>
        %add3A_254 = arith.constant 1.000000e+00 : f32
        %add3A_255 = vector.broadcast %add3A_254 : f32 to vector<16xf32>
        %add3A_256 = arith.addf %exp3A_250, %add3A_255 : vector<16xf32>
        %div3A_257 = arith.divf %sub3A_253, %add3A_256 : vector<16xf32>
        %mul3A_258 = arith.mulf %div3A_257, %get3A_36 : vector<16xf32>
        %add3A_259 = arith.addf %add3A_243, %mul3A_258 : vector<16xf32>
        %mul3A_260 = vector.broadcast %mul3A_214 : f32 to vector<16xf32>
        %mul3A_261 = arith.mulf %mul3A_260, %get3A_15 : vector<16xf32>
        %add3A_262 = arith.addf %mul3A_261, %get3A_27 : vector<16xf32>
        %min3A_263 = arith.constant 6.000000e+01 : f32
        %min3A_264 = vector.broadcast %min3A_263 : f32 to vector<16xf32>
        %min3A_265 = arith.minimumf %add3A_262, %min3A_264 : vector<16xf32>
        %exp3A_266 = math.exp %min3A_265 : vector<16xf32>
        %sub3A_267 = arith.constant 1.000000e+00 : f32
        %sub3A_268 = vector.broadcast %sub3A_267 : f32 to vector<16xf32>
        %sub3A_269 = arith.subf %exp3A_266, %sub3A_268 : vector<16xf32>
        %add3A_270 = arith.constant 1.000000e+00 : f32
        %add3A_271 = vector.broadcast %add3A_270 : f32 to vector<16xf32>
        %add3A_272 = arith.addf %exp3A_266, %add3A_271 : vector<16xf32>
        %div3A_273 = arith.divf %sub3A_269, %add3A_272 : vector<16xf32>
        %mul3A_274 = arith.mulf %div3A_273, %get3A_39 : vector<16xf32>
        %add3A_275 = arith.addf %add3A_259, %mul3A_274 : vector<16xf32>
        %swap3A_276 = arith.constant 0 : index
        %swap3A_277 = tpu.vector_load %arg28[%swap3A_276] {strides = array<i32>} : memref<64xf32, #tpu.memory_space<vmem>>, vector<16xf32>,
        %swap3A_278 = vector.shape_cast %swap3A_277 : vector<16xf32> to vector<16xf32>
        %swap3A_279 = vector.shape_cast %add3A_275 : vector<16xf32> to vector<16xf32>
        tpu.vector_store %arg28[%swap3A_276], %swap3A_279 {strides = array<i32>} : memref<64xf32, #tpu.memory_space<vmem>>, vector<16xf32>,
        %get3A_280 = arith.constant 8 : index
        %get3A_281 = tpu.vector_load %arg28[%get3A_280] {strides = array<i32>} : memref<64xf32, #tpu.memory_space<vmem>>, vector<16xf32>,
        %get3A_282 = vector.shape_cast %get3A_281 : vector<16xf32> to vector<16xf32>
        %add3A_283 = arith.addf %add3A_275, %get3A_282 : vector<16xf32>
        %swap3A_284 = arith.constant 0 : index
        %swap3A_285 = tpu.vector_load %arg28[%swap3A_284] {strides = array<i32>} : memref<64xf32, #tpu.memory_space<vmem>>, vector<16xf32>,
        %swap3A_286 = vector.shape_cast %swap3A_285 : vector<16xf32> to vector<16xf32>
        %swap3A_287 = vector.shape_cast %add3A_283 : vector<16xf32> to vector<16xf32>
        tpu.vector_store %arg28[%swap3A_284], %swap3A_287 {strides = array<i32>} : memref<64xf32, #tpu.memory_space<vmem>>, vector<16xf32>,
        %get3A_288 = arith.constant 4 : index
        %get3A_289 = tpu.vector_load %arg28[%get3A_288] {strides = array<i32>} : memref<64xf32, #tpu.memory_space<vmem>>, vector<16xf32>,
        %get3A_290 = vector.shape_cast %get3A_289 : vector<16xf32> to vector<16xf32>
        %add3A_291 = arith.addf %add3A_283, %get3A_290 : vector<16xf32>
        %swap3A_292 = arith.constant 0 : index
        %swap3A_293 = tpu.vector_load %arg28[%swap3A_292] {strides = array<i32>} : memref<64xf32, #tpu.memory_space<vmem>>, vector<16xf32>,
        %swap3A_294 = vector.shape_cast %swap3A_293 : vector<16xf32> to vector<16xf32>
        %swap3A_295 = vector.shape_cast %add3A_291 : vector<16xf32> to vector<16xf32>
        tpu.vector_store %arg28[%swap3A_292], %swap3A_295 {strides = array<i32>} : memref<64xf32, #tpu.memory_space<vmem>>, vector<16xf32>,
        %get3A_296 = arith.constant 2 : index
        %get3A_297 = tpu.vector_load %arg28[%get3A_296] {strides = array<i32>} : memref<64xf32, #tpu.memory_space<vmem>>, vector<16xf32>,
        %get3A_298 = vector.shape_cast %get3A_297 : vector<16xf32> to vector<16xf32>
        %add3A_299 = arith.addf %add3A_291, %get3A_298 : vector<16xf32>
        %swap3A_300 = arith.constant 0 : index
        %swap3A_301 = tpu.vector_load %arg28[%swap3A_300] {strides = array<i32>} : memref<64xf32, #tpu.memory_space<vmem>>, vector<16xf32>,
        %swap3A_302 = vector.shape_cast %swap3A_301 : vector<16xf32> to vector<16xf32>
        %swap3A_303 = vector.shape_cast %add3A_299 : vector<16xf32> to vector<16xf32>
        tpu.vector_store %arg28[%swap3A_300], %swap3A_303 {strides = array<i32>} : memref<64xf32, #tpu.memory_space<vmem>>, vector<16xf32>,
        %get3A_304 = arith.constant 1 : index
        %get3A_305 = tpu.vector_load %arg28[%get3A_304] {strides = array<i32>} : memref<64xf32, #tpu.memory_space<vmem>>, vector<16xf32>,
        %get3A_306 = vector.shape_cast %get3A_305 : vector<16xf32> to vector<16xf32>
        %add3A_307 = arith.addf %add3A_299, %get3A_306 : vector<16xf32>
        %slice3A_308 = vector.extract_strided_slice %add3A_307 {offsets = [0], sizes = [1], strides = [1]} : vector<16xf32> to vector<1xf32>
        %squeeze3A_309 = vector.extract %slice3A_308[0] : f32 from vector<1xf32>
        %mul3A_310 = arith.constant 1.000000e-01 : f32
        %mul3A_311 = arith.mulf %mul3A_310, %squeeze3A_309 : f32
        %broadcast_in_dim3A_312 = vector.broadcast %mul3A_311 : f32 to vector<16xf32>
        %get3A_313 = arith.index_cast %mul3A_102 : i32 to index
        %get3A_314 = arith.constant 0 : index
        %get3A_315 = tpu.vector_load %arg27[%get3A_313, %get3A_314] {strides = array<i32>} : memref<80x128xf32, #tpu.memory_space<vmem>>, vector<1x16xf32>,
        %get3A_316 = vector.shape_cast %get3A_315 : vector<1x16xf32> to vector<16xf32>
        %mul3A_317 = arith.mulf %get3A_316, %broadcast_in_dim3A_312 : vector<16xf32>
        %swap3A_318 = arith.index_cast %mul3A_102 : i32 to index
        %swap3A_319 = arith.constant 0 : index
        %swap3A_320 = tpu.vector_load %arg27[%swap3A_318, %swap3A_319] {strides = array<i32>} : memref<80x128xf32, #tpu.memory_space<vmem>>, vector<1x16xf32>,
        %swap3A_321 = vector.shape_cast %swap3A_320 : vector<1x16xf32> to vector<16xf32>
        %swap3A_322 = vector.shape_cast %mul3A_317 : vector<16xf32> to vector<1x16xf32>
        tpu.vector_store %arg27[%swap3A_318, %swap3A_319], %swap3A_322 {strides = array<i32>} : memref<80x128xf32, #tpu.memory_space<vmem>>, vector<1x16xf32>,
        %get3A_323 = arith.index_cast %mul3A_102 : i32 to index
        %get3A_324 = arith.constant 0 : index
        %get3A_325 = tpu.vector_load %arg26[%get3A_323, %get3A_324] {strides = array<i32>} : memref<80x128xf32, #tpu.memory_space<vmem>>, vector<1x16xf32>,
        %get3A_326 = vector.shape_cast %get3A_325 : vector<1x16xf32> to vector<16xf32>
        %mul3A_327 = arith.mulf %get3A_326, %broadcast_in_dim3A_312 : vector<16xf32>
        %swap3A_328 = arith.index_cast %mul3A_102 : i32 to index
        %swap3A_329 = arith.constant 0 : index
        %swap3A_330 = tpu.vector_load %arg26[%swap3A_328, %swap3A_329] {strides = array<i32>} : memref<80x128xf32, #tpu.memory_space<vmem>>, vector<1x16xf32>,
        %swap3A_331 = vector.shape_cast %swap3A_330 : vector<1x16xf32> to vector<16xf32>
        %swap3A_332 = vector.shape_cast %mul3A_327 : vector<16xf32> to vector<1x16xf32>
        tpu.vector_store %arg26[%swap3A_328, %swap3A_329], %swap3A_332 {strides = array<i32>} : memref<80x128xf32, #tpu.memory_space<vmem>>, vector<1x16xf32>,
        %get3A_333 = arith.index_cast %mul3A_102 : i32 to index
        %get3A_334 = arith.constant 16 : index
        %get3A_335 = tpu.vector_load %arg27[%get3A_333, %get3A_334] {strides = array<i32>} : memref<80x128xf32, #tpu.memory_space<vmem>>, vector<1x16xf32>,
        %get3A_336 = vector.shape_cast %get3A_335 : vector<1x16xf32> to vector<16xf32>
        %mul3A_337 = arith.mulf %get3A_336, %broadcast_in_dim3A_312 : vector<16xf32>
        %swap3A_338 = arith.index_cast %mul3A_102 : i32 to index
        %swap3A_339 = arith.constant 16 : index
        %swap3A_340 = tpu.vector_load %arg27[%swap3A_338, %swap3A_339] {strides = array<i32>} : memref<80x128xf32, #tpu.memory_space<vmem>>, vector<1x16xf32>,
        %swap3A_341 = vector.shape_cast %swap3A_340 : vector<1x16xf32> to vector<16xf32>
        %swap3A_342 = vector.shape_cast %mul3A_337 : vector<16xf32> to vector<1x16xf32>
        tpu.vector_store %arg27[%swap3A_338, %swap3A_339], %swap3A_342 {strides = array<i32>} : memref<80x128xf32, #tpu.memory_space<vmem>>, vector<1x16xf32>,
        %get3A_343 = arith.index_cast %mul3A_102 : i32 to index
        %get3A_344 = arith.constant 16 : index
        %get3A_345 = tpu.vector_load %arg26[%get3A_343, %get3A_344] {strides = array<i32>} : memref<80x128xf32, #tpu.memory_space<vmem>>, vector<1x16xf32>,
        %get3A_346 = vector.shape_cast %get3A_345 : vector<1x16xf32> to vector<16xf32>
        %mul3A_347 = arith.mulf %get3A_346, %broadcast_in_dim3A_312 : vector<16xf32>
        %swap3A_348 = arith.index_cast %mul3A_102 : i32 to index
        %swap3A_349 = arith.constant 16 : index
        %swap3A_350 = tpu.vector_load %arg26[%swap3A_348, %swap3A_349] {strides = array<i32>} : memref<80x128xf32, #tpu.memory_space<vmem>>, vector<1x16xf32>,
        %swap3A_351 = vector.shape_cast %swap3A_350 : vector<1x16xf32> to vector<16xf32>
        %swap3A_352 = vector.shape_cast %mul3A_347 : vector<16xf32> to vector<1x16xf32>
        tpu.vector_store %arg26[%swap3A_348, %swap3A_349], %swap3A_352 {strides = array<i32>} : memref<80x128xf32, #tpu.memory_space<vmem>>, vector<1x16xf32>,
        %get3A_353 = arith.index_cast %mul3A_102 : i32 to index
        %get3A_354 = arith.constant 32 : index
        %get3A_355 = tpu.vector_load %arg27[%get3A_353, %get3A_354] {strides = array<i32>} : memref<80x128xf32, #tpu.memory_space<vmem>>, vector<1x16xf32>,
        %get3A_356 = vector.shape_cast %get3A_355 : vector<1x16xf32> to vector<16xf32>
        %mul3A_357 = arith.mulf %get3A_356, %broadcast_in_dim3A_312 : vector<16xf32>
        %swap3A_358 = arith.index_cast %mul3A_102 : i32 to index
        %swap3A_359 = arith.constant 32 : index
        %swap3A_360 = tpu.vector_load %arg27[%swap3A_358, %swap3A_359] {strides = array<i32>} : memref<80x128xf32, #tpu.memory_space<vmem>>, vector<1x16xf32>,
        %swap3A_361 = vector.shape_cast %swap3A_360 : vector<1x16xf32> to vector<16xf32>
        %swap3A_362 = vector.shape_cast %mul3A_357 : vector<16xf32> to vector<1x16xf32>
        tpu.vector_store %arg27[%swap3A_358, %swap3A_359], %swap3A_362 {strides = array<i32>} : memref<80x128xf32, #tpu.memory_space<vmem>>, vector<1x16xf32>,
        %get3A_363 = arith.index_cast %mul3A_102 : i32 to index
        %get3A_364 = arith.constant 32 : index
        %get3A_365 = tpu.vector_load %arg26[%get3A_363, %get3A_364] {strides = array<i32>} : memref<80x128xf32, #tpu.memory_space<vmem>>, vector<1x16xf32>,
        %get3A_366 = vector.shape_cast %get3A_365 : vector<1x16xf32> to vector<16xf32>
        %mul3A_367 = arith.mulf %get3A_366, %broadcast_in_dim3A_312 : vector<16xf32>
        %swap3A_368 = arith.index_cast %mul3A_102 : i32 to index
        %swap3A_369 = arith.constant 32 : index
        %swap3A_370 = tpu.vector_load %arg26[%swap3A_368, %swap3A_369] {strides = array<i32>} : memref<80x128xf32, #tpu.memory_space<vmem>>, vector<1x16xf32>,
        %swap3A_371 = vector.shape_cast %swap3A_370 : vector<1x16xf32> to vector<16xf32>
        %swap3A_372 = vector.shape_cast %mul3A_367 : vector<16xf32> to vector<1x16xf32>
        tpu.vector_store %arg26[%swap3A_368, %swap3A_369], %swap3A_372 {strides = array<i32>} : memref<80x128xf32, #tpu.memory_space<vmem>>, vector<1x16xf32>,
        %get3A_373 = arith.index_cast %mul3A_102 : i32 to index
        %get3A_374 = arith.constant 48 : index
        %get3A_375 = tpu.vector_load %arg27[%get3A_373, %get3A_374] {strides = array<i32>} : memref<80x128xf32, #tpu.memory_space<vmem>>, vector<1x16xf32>,
        %get3A_376 = vector.shape_cast %get3A_375 : vector<1x16xf32> to vector<16xf32>
        %mul3A_377 = arith.mulf %get3A_376, %broadcast_in_dim3A_312 : vector<16xf32>
        %swap3A_378 = arith.index_cast %mul3A_102 : i32 to index
        %swap3A_379 = arith.constant 48 : index
        %swap3A_380 = tpu.vector_load %arg27[%swap3A_378, %swap3A_379] {strides = array<i32>} : memref<80x128xf32, #tpu.memory_space<vmem>>, vector<1x16xf32>,
        %swap3A_381 = vector.shape_cast %swap3A_380 : vector<1x16xf32> to vector<16xf32>
        %swap3A_382 = vector.shape_cast %mul3A_377 : vector<16xf32> to vector<1x16xf32>
        tpu.vector_store %arg27[%swap3A_378, %swap3A_379], %swap3A_382 {strides = array<i32>} : memref<80x128xf32, #tpu.memory_space<vmem>>, vector<1x16xf32>,
        %get3A_383 = arith.index_cast %mul3A_102 : i32 to index
        %get3A_384 = arith.constant 48 : index
        %get3A_385 = tpu.vector_load %arg26[%get3A_383, %get3A_384] {strides = array<i32>} : memref<80x128xf32, #tpu.memory_space<vmem>>, vector<1x16xf32>,
        %get3A_386 = vector.shape_cast %get3A_385 : vector<1x16xf32> to vector<16xf32>
        %mul3A_387 = arith.mulf %get3A_386, %broadcast_in_dim3A_312 : vector<16xf32>
        %swap3A_388 = arith.index_cast %mul3A_102 : i32 to index
        %swap3A_389 = arith.constant 48 : index
        %swap3A_390 = tpu.vector_load %arg26[%swap3A_388, %swap3A_389] {strides = array<i32>} : memref<80x128xf32, #tpu.memory_space<vmem>>, vector<1x16xf32>,
        %swap3A_391 = vector.shape_cast %swap3A_390 : vector<1x16xf32> to vector<16xf32>
        %swap3A_392 = vector.shape_cast %mul3A_387 : vector<16xf32> to vector<1x16xf32>
        tpu.vector_store %arg26[%swap3A_388, %swap3A_389], %swap3A_392 {strides = array<i32>} : memref<80x128xf32, #tpu.memory_space<vmem>>, vector<1x16xf32>,
        %get3A_393 = arith.index_cast %mul3A_102 : i32 to index
        %get3A_394 = arith.constant 64 : index
        %get3A_395 = tpu.vector_load %arg27[%get3A_393, %get3A_394] {strides = array<i32>} : memref<80x128xf32, #tpu.memory_space<vmem>>, vector<1x16xf32>,
        %get3A_396 = vector.shape_cast %get3A_395 : vector<1x16xf32> to vector<16xf32>
        %mul3A_397 = arith.mulf %get3A_396, %broadcast_in_dim3A_312 : vector<16xf32>
        %swap3A_398 = arith.index_cast %mul3A_102 : i32 to index
        %swap3A_399 = arith.constant 64 : index
        %swap3A_400 = tpu.vector_load %arg27[%swap3A_398, %swap3A_399] {strides = array<i32>} : memref<80x128xf32, #tpu.memory_space<vmem>>, vector<1x16xf32>,
        %swap3A_401 = vector.shape_cast %swap3A_400 : vector<1x16xf32> to vector<16xf32>
        %swap3A_402 = vector.shape_cast %mul3A_397 : vector<16xf32> to vector<1x16xf32>
        tpu.vector_store %arg27[%swap3A_398, %swap3A_399], %swap3A_402 {strides = array<i32>} : memref<80x128xf32, #tpu.memory_space<vmem>>, vector<1x16xf32>,
        %get3A_403 = arith.index_cast %mul3A_102 : i32 to index
        %get3A_404 = arith.constant 64 : index
        %get3A_405 = tpu.vector_load %arg26[%get3A_403, %get3A_404] {strides = array<i32>} : memref<80x128xf32, #tpu.memory_space<vmem>>, vector<1x16xf32>,
        %get3A_406 = vector.shape_cast %get3A_405 : vector<1x16xf32> to vector<16xf32>
        %mul3A_407 = arith.mulf %get3A_406, %broadcast_in_dim3A_312 : vector<16xf32>
        %swap3A_408 = arith.index_cast %mul3A_102 : i32 to index
        %swap3A_409 = arith.constant 64 : index
        %swap3A_410 = tpu.vector_load %arg26[%swap3A_408, %swap3A_409] {strides = array<i32>} : memref<80x128xf32, #tpu.memory_space<vmem>>, vector<1x16xf32>,
        %swap3A_411 = vector.shape_cast %swap3A_410 : vector<1x16xf32> to vector<16xf32>
        %swap3A_412 = vector.shape_cast %mul3A_407 : vector<16xf32> to vector<1x16xf32>
        tpu.vector_store %arg26[%swap3A_408, %swap3A_409], %swap3A_412 {strides = array<i32>} : memref<80x128xf32, #tpu.memory_space<vmem>>, vector<1x16xf32>,
        %get3A_413 = arith.index_cast %mul3A_102 : i32 to index
        %get3A_414 = arith.constant 80 : index
        %get3A_415 = tpu.vector_load %arg27[%get3A_413, %get3A_414] {strides = array<i32>} : memref<80x128xf32, #tpu.memory_space<vmem>>, vector<1x16xf32>,
        %get3A_416 = vector.shape_cast %get3A_415 : vector<1x16xf32> to vector<16xf32>
        %mul3A_417 = arith.mulf %get3A_416, %broadcast_in_dim3A_312 : vector<16xf32>
        %swap3A_418 = arith.index_cast %mul3A_102 : i32 to index
        %swap3A_419 = arith.constant 80 : index
        %swap3A_420 = tpu.vector_load %arg27[%swap3A_418, %swap3A_419] {strides = array<i32>} : memref<80x128xf32, #tpu.memory_space<vmem>>, vector<1x16xf32>,
        %swap3A_421 = vector.shape_cast %swap3A_420 : vector<1x16xf32> to vector<16xf32>
        %swap3A_422 = vector.shape_cast %mul3A_417 : vector<16xf32> to vector<1x16xf32>
        tpu.vector_store %arg27[%swap3A_418, %swap3A_419], %swap3A_422 {strides = array<i32>} : memref<80x128xf32, #tpu.memory_space<vmem>>, vector<1x16xf32>,
        %get3A_423 = arith.index_cast %mul3A_102 : i32 to index
        %get3A_424 = arith.constant 80 : index
        %get3A_425 = tpu.vector_load %arg26[%get3A_423, %get3A_424] {strides = array<i32>} : memref<80x128xf32, #tpu.memory_space<vmem>>, vector<1x16xf32>,
        %get3A_426 = vector.shape_cast %get3A_425 : vector<1x16xf32> to vector<16xf32>
        %mul3A_427 = arith.mulf %get3A_426, %broadcast_in_dim3A_312 : vector<16xf32>
        %swap3A_428 = arith.index_cast %mul3A_102 : i32 to index
        %swap3A_429 = arith.constant 80 : index
        %swap3A_430 = tpu.vector_load %arg26[%swap3A_428, %swap3A_429] {strides = array<i32>} : memref<80x128xf32, #tpu.memory_space<vmem>>, vector<1x16xf32>,
        %swap3A_431 = vector.shape_cast %swap3A_430 : vector<1x16xf32> to vector<16xf32>
        %swap3A_432 = vector.shape_cast %mul3A_427 : vector<16xf32> to vector<1x16xf32>
        tpu.vector_store %arg26[%swap3A_428, %swap3A_429], %swap3A_432 {strides = array<i32>} : memref<80x128xf32, #tpu.memory_space<vmem>>, vector<1x16xf32>,
        %get3A_433 = arith.index_cast %mul3A_102 : i32 to index
        %get3A_434 = arith.constant 96 : index
        %get3A_435 = tpu.vector_load %arg27[%get3A_433, %get3A_434] {strides = array<i32>} : memref<80x128xf32, #tpu.memory_space<vmem>>, vector<1x16xf32>,
        %get3A_436 = vector.shape_cast %get3A_435 : vector<1x16xf32> to vector<16xf32>
        %mul3A_437 = arith.mulf %get3A_436, %broadcast_in_dim3A_312 : vector<16xf32>
        %swap3A_438 = arith.index_cast %mul3A_102 : i32 to index
        %swap3A_439 = arith.constant 96 : index
        %swap3A_440 = tpu.vector_load %arg27[%swap3A_438, %swap3A_439] {strides = array<i32>} : memref<80x128xf32, #tpu.memory_space<vmem>>, vector<1x16xf32>,
        %swap3A_441 = vector.shape_cast %swap3A_440 : vector<1x16xf32> to vector<16xf32>
        %swap3A_442 = vector.shape_cast %mul3A_437 : vector<16xf32> to vector<1x16xf32>
        tpu.vector_store %arg27[%swap3A_438, %swap3A_439], %swap3A_442 {strides = array<i32>} : memref<80x128xf32, #tpu.memory_space<vmem>>, vector<1x16xf32>,
        %get3A_443 = arith.index_cast %mul3A_102 : i32 to index
        %get3A_444 = arith.constant 96 : index
        %get3A_445 = tpu.vector_load %arg26[%get3A_443, %get3A_444] {strides = array<i32>} : memref<80x128xf32, #tpu.memory_space<vmem>>, vector<1x16xf32>,
        %get3A_446 = vector.shape_cast %get3A_445 : vector<1x16xf32> to vector<16xf32>
        %mul3A_447 = arith.mulf %get3A_446, %broadcast_in_dim3A_312 : vector<16xf32>
        %swap3A_448 = arith.index_cast %mul3A_102 : i32 to index
        %swap3A_449 = arith.constant 96 : index
        %swap3A_450 = tpu.vector_load %arg26[%swap3A_448, %swap3A_449] {strides = array<i32>} : memref<80x128xf32, #tpu.memory_space<vmem>>, vector<1x16xf32>,
        %swap3A_451 = vector.shape_cast %swap3A_450 : vector<1x16xf32> to vector<16xf32>
        %swap3A_452 = vector.shape_cast %mul3A_447 : vector<16xf32> to vector<1x16xf32>
        tpu.vector_store %arg26[%swap3A_448, %swap3A_449], %swap3A_452 {strides = array<i32>} : memref<80x128xf32, #tpu.memory_space<vmem>>, vector<1x16xf32>,
        %get3A_453 = arith.index_cast %mul3A_102 : i32 to index
        %get3A_454 = arith.constant 112 : index
        %get3A_455 = tpu.vector_load %arg27[%get3A_453, %get3A_454] {strides = array<i32>} : memref<80x128xf32, #tpu.memory_space<vmem>>, vector<1x16xf32>,
        %get3A_456 = vector.shape_cast %get3A_455 : vector<1x16xf32> to vector<16xf32>
        %mul3A_457 = arith.mulf %get3A_456, %broadcast_in_dim3A_312 : vector<16xf32>
        %swap3A_458 = arith.index_cast %mul3A_102 : i32 to index
        %swap3A_459 = arith.constant 112 : index
        %swap3A_460 = tpu.vector_load %arg27[%swap3A_458, %swap3A_459] {strides = array<i32>} : memref<80x128xf32, #tpu.memory_space<vmem>>, vector<1x16xf32>,
        %swap3A_461 = vector.shape_cast %swap3A_460 : vector<1x16xf32> to vector<16xf32>
        %swap3A_462 = vector.shape_cast %mul3A_457 : vector<16xf32> to vector<1x16xf32>
        tpu.vector_store %arg27[%swap3A_458, %swap3A_459], %swap3A_462 {strides = array<i32>} : memref<80x128xf32, #tpu.memory_space<vmem>>, vector<1x16xf32>,
        %get3A_463 = arith.index_cast %mul3A_102 : i32 to index
        %get3A_464 = arith.constant 112 : index
        %get3A_465 = tpu.vector_load %arg26[%get3A_463, %get3A_464] {strides = array<i32>} : memref<80x128xf32, #tpu.memory_space<vmem>>, vector<1x16xf32>,
        %get3A_466 = vector.shape_cast %get3A_465 : vector<1x16xf32> to vector<16xf32>
        %mul3A_467 = arith.mulf %get3A_466, %broadcast_in_dim3A_312 : vector<16xf32>
        %swap3A_468 = arith.index_cast %mul3A_102 : i32 to index
        %swap3A_469 = arith.constant 112 : index
        %swap3A_470 = tpu.vector_load %arg26[%swap3A_468, %swap3A_469] {strides = array<i32>} : memref<80x128xf32, #tpu.memory_space<vmem>>, vector<1x16xf32>,
        %swap3A_471 = vector.shape_cast %swap3A_470 : vector<1x16xf32> to vector<16xf32>
        %swap3A_472 = vector.shape_cast %mul3A_467 : vector<16xf32> to vector<1x16xf32>
        tpu.vector_store %arg26[%swap3A_468, %swap3A_469], %swap3A_472 {strides = array<i32>} : memref<80x128xf32, #tpu.memory_space<vmem>>, vector<1x16xf32>,
        %mul3A_473 = arith.constant 2 : i32
        %mul3A_474 = arith.muli %scan3A_99, %mul3A_473 : i32
        %add3A_475 = arith.constant 1 : i32
        %add3A_476 = arith.addi %mul3A_474, %add3A_475 : i32
        %get3A_477 = arith.index_cast %add3A_476 : i32 to index
        %get3A_478 = arith.constant 0 : index
        %get3A_479 = tpu.vector_load %arg26[%get3A_477, %get3A_478] {strides = array<i32>} : memref<80x128xf32, #tpu.memory_space<vmem>>, vector<1x16xf32>,
        %get3A_480 = vector.shape_cast %get3A_479 : vector<1x16xf32> to vector<16xf32>
        %get3A_481 = arith.index_cast %add3A_476 : i32 to index
        %get3A_482 = arith.constant 0 : index
        %get3A_483 = tpu.vector_load %arg27[%get3A_481, %get3A_482] {strides = array<i32>} : memref<80x128xf32, #tpu.memory_space<vmem>>, vector<1x16xf32>,
        %get3A_484 = vector.shape_cast %get3A_483 : vector<1x16xf32> to vector<16xf32>
        %mul3A_485 = arith.mulf %get3A_480, %get3A_484 : vector<16xf32>
        %get3A_486 = arith.index_cast %add3A_476 : i32 to index
        %get3A_487 = arith.constant 16 : index
        %get3A_488 = tpu.vector_load %arg26[%get3A_486, %get3A_487] {strides = array<i32>} : memref<80x128xf32, #tpu.memory_space<vmem>>, vector<1x16xf32>,
        %get3A_489 = vector.shape_cast %get3A_488 : vector<1x16xf32> to vector<16xf32>
        %get3A_490 = arith.index_cast %add3A_476 : i32 to index
        %get3A_491 = arith.constant 16 : index
        %get3A_492 = tpu.vector_load %arg27[%get3A_490, %get3A_491] {strides = array<i32>} : memref<80x128xf32, #tpu.memory_space<vmem>>, vector<1x16xf32>,
        %get3A_493 = vector.shape_cast %get3A_492 : vector<1x16xf32> to vector<16xf32>
        %mul3A_494 = arith.mulf %get3A_489, %get3A_493 : vector<16xf32>
        %add3A_495 = arith.addf %mul3A_485, %mul3A_494 : vector<16xf32>
        %get3A_496 = arith.index_cast %add3A_476 : i32 to index
        %get3A_497 = arith.constant 32 : index
        %get3A_498 = tpu.vector_load %arg26[%get3A_496, %get3A_497] {strides = array<i32>} : memref<80x128xf32, #tpu.memory_space<vmem>>, vector<1x16xf32>,
        %get3A_499 = vector.shape_cast %get3A_498 : vector<1x16xf32> to vector<16xf32>
        %get3A_500 = arith.index_cast %add3A_476 : i32 to index
        %get3A_501 = arith.constant 32 : index
        %get3A_502 = tpu.vector_load %arg27[%get3A_500, %get3A_501] {strides = array<i32>} : memref<80x128xf32, #tpu.memory_space<vmem>>, vector<1x16xf32>,
        %get3A_503 = vector.shape_cast %get3A_502 : vector<1x16xf32> to vector<16xf32>
        %mul3A_504 = arith.mulf %get3A_499, %get3A_503 : vector<16xf32>
        %add3A_505 = arith.addf %add3A_495, %mul3A_504 : vector<16xf32>
        %get3A_506 = arith.index_cast %add3A_476 : i32 to index
        %get3A_507 = arith.constant 48 : index
        %get3A_508 = tpu.vector_load %arg26[%get3A_506, %get3A_507] {strides = array<i32>} : memref<80x128xf32, #tpu.memory_space<vmem>>, vector<1x16xf32>,
        %get3A_509 = vector.shape_cast %get3A_508 : vector<1x16xf32> to vector<16xf32>
        %get3A_510 = arith.index_cast %add3A_476 : i32 to index
        %get3A_511 = arith.constant 48 : index
        %get3A_512 = tpu.vector_load %arg27[%get3A_510, %get3A_511] {strides = array<i32>} : memref<80x128xf32, #tpu.memory_space<vmem>>, vector<1x16xf32>,
        %get3A_513 = vector.shape_cast %get3A_512 : vector<1x16xf32> to vector<16xf32>
        %mul3A_514 = arith.mulf %get3A_509, %get3A_513 : vector<16xf32>
        %add3A_515 = arith.addf %add3A_505, %mul3A_514 : vector<16xf32>
        %get3A_516 = arith.index_cast %add3A_476 : i32 to index
        %get3A_517 = arith.constant 64 : index
        %get3A_518 = tpu.vector_load %arg26[%get3A_516, %get3A_517] {strides = array<i32>} : memref<80x128xf32, #tpu.memory_space<vmem>>, vector<1x16xf32>,
        %get3A_519 = vector.shape_cast %get3A_518 : vector<1x16xf32> to vector<16xf32>
        %get3A_520 = arith.index_cast %add3A_476 : i32 to index
        %get3A_521 = arith.constant 64 : index
        %get3A_522 = tpu.vector_load %arg27[%get3A_520, %get3A_521] {strides = array<i32>} : memref<80x128xf32, #tpu.memory_space<vmem>>, vector<1x16xf32>,
        %get3A_523 = vector.shape_cast %get3A_522 : vector<1x16xf32> to vector<16xf32>
        %mul3A_524 = arith.mulf %get3A_519, %get3A_523 : vector<16xf32>
        %add3A_525 = arith.addf %add3A_515, %mul3A_524 : vector<16xf32>
        %get3A_526 = arith.index_cast %add3A_476 : i32 to index
        %get3A_527 = arith.constant 80 : index
        %get3A_528 = tpu.vector_load %arg26[%get3A_526, %get3A_527] {strides = array<i32>} : memref<80x128xf32, #tpu.memory_space<vmem>>, vector<1x16xf32>,
        %get3A_529 = vector.shape_cast %get3A_528 : vector<1x16xf32> to vector<16xf32>
        %get3A_530 = arith.index_cast %add3A_476 : i32 to index
        %get3A_531 = arith.constant 80 : index
        %get3A_532 = tpu.vector_load %arg27[%get3A_530, %get3A_531] {strides = array<i32>} : memref<80x128xf32, #tpu.memory_space<vmem>>, vector<1x16xf32>,
        %get3A_533 = vector.shape_cast %get3A_532 : vector<1x16xf32> to vector<16xf32>
        %mul3A_534 = arith.mulf %get3A_529, %get3A_533 : vector<16xf32>
        %add3A_535 = arith.addf %add3A_525, %mul3A_534 : vector<16xf32>
        %get3A_536 = arith.index_cast %add3A_476 : i32 to index
        %get3A_537 = arith.constant 96 : index
        %get3A_538 = tpu.vector_load %arg26[%get3A_536, %get3A_537] {strides = array<i32>} : memref<80x128xf32, #tpu.memory_space<vmem>>, vector<1x16xf32>,
        %get3A_539 = vector.shape_cast %get3A_538 : vector<1x16xf32> to vector<16xf32>
        %get3A_540 = arith.index_cast %add3A_476 : i32 to index
        %get3A_541 = arith.constant 96 : index
        %get3A_542 = tpu.vector_load %arg27[%get3A_540, %get3A_541] {strides = array<i32>} : memref<80x128xf32, #tpu.memory_space<vmem>>, vector<1x16xf32>,
        %get3A_543 = vector.shape_cast %get3A_542 : vector<1x16xf32> to vector<16xf32>
        %mul3A_544 = arith.mulf %get3A_539, %get3A_543 : vector<16xf32>
        %add3A_545 = arith.addf %add3A_535, %mul3A_544 : vector<16xf32>
        %get3A_546 = arith.index_cast %add3A_476 : i32 to index
        %get3A_547 = arith.constant 112 : index
        %get3A_548 = tpu.vector_load %arg26[%get3A_546, %get3A_547] {strides = array<i32>} : memref<80x128xf32, #tpu.memory_space<vmem>>, vector<1x16xf32>,
        %get3A_549 = vector.shape_cast %get3A_548 : vector<1x16xf32> to vector<16xf32>
        %get3A_550 = arith.index_cast %add3A_476 : i32 to index
        %get3A_551 = arith.constant 112 : index
        %get3A_552 = tpu.vector_load %arg27[%get3A_550, %get3A_551] {strides = array<i32>} : memref<80x128xf32, #tpu.memory_space<vmem>>, vector<1x16xf32>,
        %get3A_553 = vector.shape_cast %get3A_552 : vector<1x16xf32> to vector<16xf32>
        %mul3A_554 = arith.mulf %get3A_549, %get3A_553 : vector<16xf32>
        %add3A_555 = arith.addf %add3A_545, %mul3A_554 : vector<16xf32>
        %swap3A_556 = arith.constant 32 : index
        %swap3A_557 = tpu.vector_load %arg28[%swap3A_556] {strides = array<i32>} : memref<64xf32, #tpu.memory_space<vmem>>, vector<16xf32>,
        %swap3A_558 = vector.shape_cast %swap3A_557 : vector<16xf32> to vector<16xf32>
        %swap3A_559 = vector.shape_cast %add3A_555 : vector<16xf32> to vector<16xf32>
        tpu.vector_store %arg28[%swap3A_556], %swap3A_559 {strides = array<i32>} : memref<64xf32, #tpu.memory_space<vmem>>, vector<16xf32>,
        %get3A_560 = arith.constant 40 : index
        %get3A_561 = tpu.vector_load %arg28[%get3A_560] {strides = array<i32>} : memref<64xf32, #tpu.memory_space<vmem>>, vector<16xf32>,
        %get3A_562 = vector.shape_cast %get3A_561 : vector<16xf32> to vector<16xf32>
        %add3A_563 = arith.addf %add3A_555, %get3A_562 : vector<16xf32>
        %swap3A_564 = arith.constant 32 : index
        %swap3A_565 = tpu.vector_load %arg28[%swap3A_564] {strides = array<i32>} : memref<64xf32, #tpu.memory_space<vmem>>, vector<16xf32>,
        %swap3A_566 = vector.shape_cast %swap3A_565 : vector<16xf32> to vector<16xf32>
        %swap3A_567 = vector.shape_cast %add3A_563 : vector<16xf32> to vector<16xf32>
        tpu.vector_store %arg28[%swap3A_564], %swap3A_567 {strides = array<i32>} : memref<64xf32, #tpu.memory_space<vmem>>, vector<16xf32>,
        %get3A_568 = arith.constant 36 : index
        %get3A_569 = tpu.vector_load %arg28[%get3A_568] {strides = array<i32>} : memref<64xf32, #tpu.memory_space<vmem>>, vector<16xf32>,
        %get3A_570 = vector.shape_cast %get3A_569 : vector<16xf32> to vector<16xf32>
        %add3A_571 = arith.addf %add3A_563, %get3A_570 : vector<16xf32>
        %swap3A_572 = arith.constant 32 : index
        %swap3A_573 = tpu.vector_load %arg28[%swap3A_572] {strides = array<i32>} : memref<64xf32, #tpu.memory_space<vmem>>, vector<16xf32>,
        %swap3A_574 = vector.shape_cast %swap3A_573 : vector<16xf32> to vector<16xf32>
        %swap3A_575 = vector.shape_cast %add3A_571 : vector<16xf32> to vector<16xf32>
        tpu.vector_store %arg28[%swap3A_572], %swap3A_575 {strides = array<i32>} : memref<64xf32, #tpu.memory_space<vmem>>, vector<16xf32>,
        %get3A_576 = arith.constant 34 : index
        %get3A_577 = tpu.vector_load %arg28[%get3A_576] {strides = array<i32>} : memref<64xf32, #tpu.memory_space<vmem>>, vector<16xf32>,
        %get3A_578 = vector.shape_cast %get3A_577 : vector<16xf32> to vector<16xf32>
        %add3A_579 = arith.addf %add3A_571, %get3A_578 : vector<16xf32>
        %swap3A_580 = arith.constant 32 : index
        %swap3A_581 = tpu.vector_load %arg28[%swap3A_580] {strides = array<i32>} : memref<64xf32, #tpu.memory_space<vmem>>, vector<16xf32>,
        %swap3A_582 = vector.shape_cast %swap3A_581 : vector<16xf32> to vector<16xf32>
        %swap3A_583 = vector.shape_cast %add3A_579 : vector<16xf32> to vector<16xf32>
        tpu.vector_store %arg28[%swap3A_580], %swap3A_583 {strides = array<i32>} : memref<64xf32, #tpu.memory_space<vmem>>, vector<16xf32>,
        %get3A_584 = arith.constant 33 : index
        %get3A_585 = tpu.vector_load %arg28[%get3A_584] {strides = array<i32>} : memref<64xf32, #tpu.memory_space<vmem>>, vector<16xf32>,
        %get3A_586 = vector.shape_cast %get3A_585 : vector<16xf32> to vector<16xf32>
        %add3A_587 = arith.addf %add3A_579, %get3A_586 : vector<16xf32>
        %slice3A_588 = vector.extract_strided_slice %add3A_587 {offsets = [0], sizes = [1], strides = [1]} : vector<16xf32> to vector<1xf32>
        %squeeze3A_589 = vector.extract %slice3A_588[0] : f32 from vector<1xf32>
        %mul3A_590 = arith.constant 2.000000e+00 : f32
        %mul3A_591 = arith.mulf %mul3A_590, %squeeze3A_589 : f32
        %broadcast_in_dim3A_592 = arith.constant 0.000000e+00 : f32
        %broadcast_in_dim3A_593 = vector.broadcast %broadcast_in_dim3A_592 : f32 to vector<16xf32>
        %mul3A_594 = vector.broadcast %mul3A_591 : f32 to vector<16xf32>
        %mul3A_595 = arith.mulf %mul3A_594, %get3A_6 : vector<16xf32>
        %add3A_596 = arith.addf %mul3A_595, %get3A_18 : vector<16xf32>
        %min3A_597 = arith.constant 6.000000e+01 : f32
        %min3A_598 = vector.broadcast %min3A_597 : f32 to vector<16xf32>
        %min3A_599 = arith.minimumf %add3A_596, %min3A_598 : vector<16xf32>
        %exp3A_600 = math.exp %min3A_599 : vector<16xf32>
        %sub3A_601 = arith.constant 1.000000e+00 : f32
        %sub3A_602 = vector.broadcast %sub3A_601 : f32 to vector<16xf32>
        %sub3A_603 = arith.subf %exp3A_600, %sub3A_602 : vector<16xf32>
        %add3A_604 = arith.constant 1.000000e+00 : f32
        %add3A_605 = vector.broadcast %add3A_604 : f32 to vector<16xf32>
        %add3A_606 = arith.addf %exp3A_600, %add3A_605 : vector<16xf32>
        %div3A_607 = arith.divf %sub3A_603, %add3A_606 : vector<16xf32>
        %mul3A_608 = arith.mulf %div3A_607, %get3A_30 : vector<16xf32>
        %add3A_609 = arith.addf %broadcast_in_dim3A_593, %mul3A_608 : vector<16xf32>
        %mul3A_610 = vector.broadcast %mul3A_591 : f32 to vector<16xf32>
        %mul3A_611 = arith.mulf %mul3A_610, %get3A_9 : vector<16xf32>
        %add3A_612 = arith.addf %mul3A_611, %get3A_21 : vector<16xf32>
        %min3A_613 = arith.constant 6.000000e+01 : f32
        %min3A_614 = vector.broadcast %min3A_613 : f32 to vector<16xf32>
        %min3A_615 = arith.minimumf %add3A_612, %min3A_614 : vector<16xf32>
        %exp3A_616 = math.exp %min3A_615 : vector<16xf32>
        %sub3A_617 = arith.constant 1.000000e+00 : f32
        %sub3A_618 = vector.broadcast %sub3A_617 : f32 to vector<16xf32>
        %sub3A_619 = arith.subf %exp3A_616, %sub3A_618 : vector<16xf32>
        %add3A_620 = arith.constant 1.000000e+00 : f32
        %add3A_621 = vector.broadcast %add3A_620 : f32 to vector<16xf32>
        %add3A_622 = arith.addf %exp3A_616, %add3A_621 : vector<16xf32>
        %div3A_623 = arith.divf %sub3A_619, %add3A_622 : vector<16xf32>
        %mul3A_624 = arith.mulf %div3A_623, %get3A_33 : vector<16xf32>
        %add3A_625 = arith.addf %add3A_609, %mul3A_624 : vector<16xf32>
        %mul3A_626 = vector.broadcast %mul3A_591 : f32 to vector<16xf32>
        %mul3A_627 = arith.mulf %mul3A_626, %get3A_12 : vector<16xf32>
        %add3A_628 = arith.addf %mul3A_627, %get3A_24 : vector<16xf32>
        %min3A_629 = arith.constant 6.000000e+01 : f32
        %min3A_630 = vector.broadcast %min3A_629 : f32 to vector<16xf32>
        %min3A_631 = arith.minimumf %add3A_628, %min3A_630 : vector<16xf32>
        %exp3A_632 = math.exp %min3A_631 : vector<16xf32>
        %sub3A_633 = arith.constant 1.000000e+00 : f32
        %sub3A_634 = vector.broadcast %sub3A_633 : f32 to vector<16xf32>
        %sub3A_635 = arith.subf %exp3A_632, %sub3A_634 : vector<16xf32>
        %add3A_636 = arith.constant 1.000000e+00 : f32
        %add3A_637 = vector.broadcast %add3A_636 : f32 to vector<16xf32>
        %add3A_638 = arith.addf %exp3A_632, %add3A_637 : vector<16xf32>
        %div3A_639 = arith.divf %sub3A_635, %add3A_638 : vector<16xf32>
        %mul3A_640 = arith.mulf %div3A_639, %get3A_36 : vector<16xf32>
        %add3A_641 = arith.addf %add3A_625, %mul3A_640 : vector<16xf32>
        %mul3A_642 = vector.broadcast %mul3A_591 : f32 to vector<16xf32>
        %mul3A_643 = arith.mulf %mul3A_642, %get3A_15 : vector<16xf32>
        %add3A_644 = arith.addf %mul3A_643, %get3A_27 : vector<16xf32>
        %min3A_645 = arith.constant 6.000000e+01 : f32
        %min3A_646 = vector.broadcast %min3A_645 : f32 to vector<16xf32>
        %min3A_647 = arith.minimumf %add3A_644, %min3A_646 : vector<16xf32>
        %exp3A_648 = math.exp %min3A_647 : vector<16xf32>
        %sub3A_649 = arith.constant 1.000000e+00 : f32
        %sub3A_650 = vector.broadcast %sub3A_649 : f32 to vector<16xf32>
        %sub3A_651 = arith.subf %exp3A_648, %sub3A_650 : vector<16xf32>
        %add3A_652 = arith.constant 1.000000e+00 : f32
        %add3A_653 = vector.broadcast %add3A_652 : f32 to vector<16xf32>
        %add3A_654 = arith.addf %exp3A_648, %add3A_653 : vector<16xf32>
        %div3A_655 = arith.divf %sub3A_651, %add3A_654 : vector<16xf32>
        %mul3A_656 = arith.mulf %div3A_655, %get3A_39 : vector<16xf32>
        %add3A_657 = arith.addf %add3A_641, %mul3A_656 : vector<16xf32>
        %swap3A_658 = arith.constant 32 : index
        %swap3A_659 = tpu.vector_load %arg28[%swap3A_658] {strides = array<i32>} : memref<64xf32, #tpu.memory_space<vmem>>, vector<16xf32>,
        %swap3A_660 = vector.shape_cast %swap3A_659 : vector<16xf32> to vector<16xf32>
        %swap3A_661 = vector.shape_cast %add3A_657 : vector<16xf32> to vector<16xf32>
        tpu.vector_store %arg28[%swap3A_658], %swap3A_661 {strides = array<i32>} : memref<64xf32, #tpu.memory_space<vmem>>, vector<16xf32>,
        %get3A_662 = arith.constant 40 : index
        %get3A_663 = tpu.vector_load %arg28[%get3A_662] {strides = array<i32>} : memref<64xf32, #tpu.memory_space<vmem>>, vector<16xf32>,
        %get3A_664 = vector.shape_cast %get3A_663 : vector<16xf32> to vector<16xf32>
        %add3A_665 = arith.addf %add3A_657, %get3A_664 : vector<16xf32>
        %swap3A_666 = arith.constant 32 : index
        %swap3A_667 = tpu.vector_load %arg28[%swap3A_666] {strides = array<i32>} : memref<64xf32, #tpu.memory_space<vmem>>, vector<16xf32>,
        %swap3A_668 = vector.shape_cast %swap3A_667 : vector<16xf32> to vector<16xf32>
        %swap3A_669 = vector.shape_cast %add3A_665 : vector<16xf32> to vector<16xf32>
        tpu.vector_store %arg28[%swap3A_666], %swap3A_669 {strides = array<i32>} : memref<64xf32, #tpu.memory_space<vmem>>, vector<16xf32>,
        %get3A_670 = arith.constant 36 : index
        %get3A_671 = tpu.vector_load %arg28[%get3A_670] {strides = array<i32>} : memref<64xf32, #tpu.memory_space<vmem>>, vector<16xf32>,
        %get3A_672 = vector.shape_cast %get3A_671 : vector<16xf32> to vector<16xf32>
        %add3A_673 = arith.addf %add3A_665, %get3A_672 : vector<16xf32>
        %swap3A_674 = arith.constant 32 : index
        %swap3A_675 = tpu.vector_load %arg28[%swap3A_674] {strides = array<i32>} : memref<64xf32, #tpu.memory_space<vmem>>, vector<16xf32>,
        %swap3A_676 = vector.shape_cast %swap3A_675 : vector<16xf32> to vector<16xf32>
        %swap3A_677 = vector.shape_cast %add3A_673 : vector<16xf32> to vector<16xf32>
        tpu.vector_store %arg28[%swap3A_674], %swap3A_677 {strides = array<i32>} : memref<64xf32, #tpu.memory_space<vmem>>, vector<16xf32>,
        %get3A_678 = arith.constant 34 : index
        %get3A_679 = tpu.vector_load %arg28[%get3A_678] {strides = array<i32>} : memref<64xf32, #tpu.memory_space<vmem>>, vector<16xf32>,
        %get3A_680 = vector.shape_cast %get3A_679 : vector<16xf32> to vector<16xf32>
        %add3A_681 = arith.addf %add3A_673, %get3A_680 : vector<16xf32>
        %swap3A_682 = arith.constant 32 : index
        %swap3A_683 = tpu.vector_load %arg28[%swap3A_682] {strides = array<i32>} : memref<64xf32, #tpu.memory_space<vmem>>, vector<16xf32>,
        %swap3A_684 = vector.shape_cast %swap3A_683 : vector<16xf32> to vector<16xf32>
        %swap3A_685 = vector.shape_cast %add3A_681 : vector<16xf32> to vector<16xf32>
        tpu.vector_store %arg28[%swap3A_682], %swap3A_685 {strides = array<i32>} : memref<64xf32, #tpu.memory_space<vmem>>, vector<16xf32>,
        %get3A_686 = arith.constant 33 : index
        %get3A_687 = tpu.vector_load %arg28[%get3A_686] {strides = array<i32>} : memref<64xf32, #tpu.memory_space<vmem>>, vector<16xf32>,
        %get3A_688 = vector.shape_cast %get3A_687 : vector<16xf32> to vector<16xf32>
        %add3A_689 = arith.addf %add3A_681, %get3A_688 : vector<16xf32>
        %slice3A_690 = vector.extract_strided_slice %add3A_689 {offsets = [0], sizes = [1], strides = [1]} : vector<16xf32> to vector<1xf32>
        %squeeze3A_691 = vector.extract %slice3A_690[0] : f32 from vector<1xf32>
        %mul3A_692 = arith.constant 1.000000e-01 : f32
        %mul3A_693 = arith.mulf %mul3A_692, %squeeze3A_691 : f32
        %broadcast_in_dim3A_694 = vector.broadcast %mul3A_693 : f32 to vector<16xf32>
        %get3A_695 = arith.index_cast %add3A_476 : i32 to index
        %get3A_696 = arith.constant 0 : index
        %get3A_697 = tpu.vector_load %arg27[%get3A_695, %get3A_696] {strides = array<i32>} : memref<80x128xf32, #tpu.memory_space<vmem>>, vector<1x16xf32>,
        %get3A_698 = vector.shape_cast %get3A_697 : vector<1x16xf32> to vector<16xf32>
        %mul3A_699 = arith.mulf %get3A_698, %broadcast_in_dim3A_694 : vector<16xf32>
        %swap3A_700 = arith.index_cast %add3A_476 : i32 to index
        %swap3A_701 = arith.constant 0 : index
        %swap3A_702 = tpu.vector_load %arg27[%swap3A_700, %swap3A_701] {strides = array<i32>} : memref<80x128xf32, #tpu.memory_space<vmem>>, vector<1x16xf32>,
        %swap3A_703 = vector.shape_cast %swap3A_702 : vector<1x16xf32> to vector<16xf32>
        %swap3A_704 = vector.shape_cast %mul3A_699 : vector<16xf32> to vector<1x16xf32>
        tpu.vector_store %arg27[%swap3A_700, %swap3A_701], %swap3A_704 {strides = array<i32>} : memref<80x128xf32, #tpu.memory_space<vmem>>, vector<1x16xf32>,
        %get3A_705 = arith.index_cast %add3A_476 : i32 to index
        %get3A_706 = arith.constant 0 : index
        %get3A_707 = tpu.vector_load %arg26[%get3A_705, %get3A_706] {strides = array<i32>} : memref<80x128xf32, #tpu.memory_space<vmem>>, vector<1x16xf32>,
        %get3A_708 = vector.shape_cast %get3A_707 : vector<1x16xf32> to vector<16xf32>
        %mul3A_709 = arith.mulf %get3A_708, %broadcast_in_dim3A_694 : vector<16xf32>
        %swap3A_710 = arith.index_cast %add3A_476 : i32 to index
        %swap3A_711 = arith.constant 0 : index
        %swap3A_712 = tpu.vector_load %arg26[%swap3A_710, %swap3A_711] {strides = array<i32>} : memref<80x128xf32, #tpu.memory_space<vmem>>, vector<1x16xf32>,
        %swap3A_713 = vector.shape_cast %swap3A_712 : vector<1x16xf32> to vector<16xf32>
        %swap3A_714 = vector.shape_cast %mul3A_709 : vector<16xf32> to vector<1x16xf32>
        tpu.vector_store %arg26[%swap3A_710, %swap3A_711], %swap3A_714 {strides = array<i32>} : memref<80x128xf32, #tpu.memory_space<vmem>>, vector<1x16xf32>,
        %get3A_715 = arith.index_cast %add3A_476 : i32 to index
        %get3A_716 = arith.constant 16 : index
        %get3A_717 = tpu.vector_load %arg27[%get3A_715, %get3A_716] {strides = array<i32>} : memref<80x128xf32, #tpu.memory_space<vmem>>, vector<1x16xf32>,
        %get3A_718 = vector.shape_cast %get3A_717 : vector<1x16xf32> to vector<16xf32>
        %mul3A_719 = arith.mulf %get3A_718, %broadcast_in_dim3A_694 : vector<16xf32>
        %swap3A_720 = arith.index_cast %add3A_476 : i32 to index
        %swap3A_721 = arith.constant 16 : index
        %swap3A_722 = tpu.vector_load %arg27[%swap3A_720, %swap3A_721] {strides = array<i32>} : memref<80x128xf32, #tpu.memory_space<vmem>>, vector<1x16xf32>,
        %swap3A_723 = vector.shape_cast %swap3A_722 : vector<1x16xf32> to vector<16xf32>
        %swap3A_724 = vector.shape_cast %mul3A_719 : vector<16xf32> to vector<1x16xf32>
        tpu.vector_store %arg27[%swap3A_720, %swap3A_721], %swap3A_724 {strides = array<i32>} : memref<80x128xf32, #tpu.memory_space<vmem>>, vector<1x16xf32>,
        %get3A_725 = arith.index_cast %add3A_476 : i32 to index
        %get3A_726 = arith.constant 16 : index
        %get3A_727 = tpu.vector_load %arg26[%get3A_725, %get3A_726] {strides = array<i32>} : memref<80x128xf32, #tpu.memory_space<vmem>>, vector<1x16xf32>,
        %get3A_728 = vector.shape_cast %get3A_727 : vector<1x16xf32> to vector<16xf32>
        %mul3A_729 = arith.mulf %get3A_728, %broadcast_in_dim3A_694 : vector<16xf32>
        %swap3A_730 = arith.index_cast %add3A_476 : i32 to index
        %swap3A_731 = arith.constant 16 : index
        %swap3A_732 = tpu.vector_load %arg26[%swap3A_730, %swap3A_731] {strides = array<i32>} : memref<80x128xf32, #tpu.memory_space<vmem>>, vector<1x16xf32>,
        %swap3A_733 = vector.shape_cast %swap3A_732 : vector<1x16xf32> to vector<16xf32>
        %swap3A_734 = vector.shape_cast %mul3A_729 : vector<16xf32> to vector<1x16xf32>
        tpu.vector_store %arg26[%swap3A_730, %swap3A_731], %swap3A_734 {strides = array<i32>} : memref<80x128xf32, #tpu.memory_space<vmem>>, vector<1x16xf32>,
        %get3A_735 = arith.index_cast %add3A_476 : i32 to index
        %get3A_736 = arith.constant 32 : index
        %get3A_737 = tpu.vector_load %arg27[%get3A_735, %get3A_736] {strides = array<i32>} : memref<80x128xf32, #tpu.memory_space<vmem>>, vector<1x16xf32>,
        %get3A_738 = vector.shape_cast %get3A_737 : vector<1x16xf32> to vector<16xf32>
        %mul3A_739 = arith.mulf %get3A_738, %broadcast_in_dim3A_694 : vector<16xf32>
        %swap3A_740 = arith.index_cast %add3A_476 : i32 to index
        %swap3A_741 = arith.constant 32 : index
        %swap3A_742 = tpu.vector_load %arg27[%swap3A_740, %swap3A_741] {strides = array<i32>} : memref<80x128xf32, #tpu.memory_space<vmem>>, vector<1x16xf32>,
        %swap3A_743 = vector.shape_cast %swap3A_742 : vector<1x16xf32> to vector<16xf32>
        %swap3A_744 = vector.shape_cast %mul3A_739 : vector<16xf32> to vector<1x16xf32>
        tpu.vector_store %arg27[%swap3A_740, %swap3A_741], %swap3A_744 {strides = array<i32>} : memref<80x128xf32, #tpu.memory_space<vmem>>, vector<1x16xf32>,
        %get3A_745 = arith.index_cast %add3A_476 : i32 to index
        %get3A_746 = arith.constant 32 : index
        %get3A_747 = tpu.vector_load %arg26[%get3A_745, %get3A_746] {strides = array<i32>} : memref<80x128xf32, #tpu.memory_space<vmem>>, vector<1x16xf32>,
        %get3A_748 = vector.shape_cast %get3A_747 : vector<1x16xf32> to vector<16xf32>
        %mul3A_749 = arith.mulf %get3A_748, %broadcast_in_dim3A_694 : vector<16xf32>
        %swap3A_750 = arith.index_cast %add3A_476 : i32 to index
        %swap3A_751 = arith.constant 32 : index
        %swap3A_752 = tpu.vector_load %arg26[%swap3A_750, %swap3A_751] {strides = array<i32>} : memref<80x128xf32, #tpu.memory_space<vmem>>, vector<1x16xf32>,
        %swap3A_753 = vector.shape_cast %swap3A_752 : vector<1x16xf32> to vector<16xf32>
        %swap3A_754 = vector.shape_cast %mul3A_749 : vector<16xf32> to vector<1x16xf32>
        tpu.vector_store %arg26[%swap3A_750, %swap3A_751], %swap3A_754 {strides = array<i32>} : memref<80x128xf32, #tpu.memory_space<vmem>>, vector<1x16xf32>,
        %get3A_755 = arith.index_cast %add3A_476 : i32 to index
        %get3A_756 = arith.constant 48 : index
        %get3A_757 = tpu.vector_load %arg27[%get3A_755, %get3A_756] {strides = array<i32>} : memref<80x128xf32, #tpu.memory_space<vmem>>, vector<1x16xf32>,
        %get3A_758 = vector.shape_cast %get3A_757 : vector<1x16xf32> to vector<16xf32>
        %mul3A_759 = arith.mulf %get3A_758, %broadcast_in_dim3A_694 : vector<16xf32>
        %swap3A_760 = arith.index_cast %add3A_476 : i32 to index
        %swap3A_761 = arith.constant 48 : index
        %swap3A_762 = tpu.vector_load %arg27[%swap3A_760, %swap3A_761] {strides = array<i32>} : memref<80x128xf32, #tpu.memory_space<vmem>>, vector<1x16xf32>,
        %swap3A_763 = vector.shape_cast %swap3A_762 : vector<1x16xf32> to vector<16xf32>
        %swap3A_764 = vector.shape_cast %mul3A_759 : vector<16xf32> to vector<1x16xf32>
        tpu.vector_store %arg27[%swap3A_760, %swap3A_761], %swap3A_764 {strides = array<i32>} : memref<80x128xf32, #tpu.memory_space<vmem>>, vector<1x16xf32>,
        %get3A_765 = arith.index_cast %add3A_476 : i32 to index
        %get3A_766 = arith.constant 48 : index
        %get3A_767 = tpu.vector_load %arg26[%get3A_765, %get3A_766] {strides = array<i32>} : memref<80x128xf32, #tpu.memory_space<vmem>>, vector<1x16xf32>,
        %get3A_768 = vector.shape_cast %get3A_767 : vector<1x16xf32> to vector<16xf32>
        %mul3A_769 = arith.mulf %get3A_768, %broadcast_in_dim3A_694 : vector<16xf32>
        %swap3A_770 = arith.index_cast %add3A_476 : i32 to index
        %swap3A_771 = arith.constant 48 : index
        %swap3A_772 = tpu.vector_load %arg26[%swap3A_770, %swap3A_771] {strides = array<i32>} : memref<80x128xf32, #tpu.memory_space<vmem>>, vector<1x16xf32>,
        %swap3A_773 = vector.shape_cast %swap3A_772 : vector<1x16xf32> to vector<16xf32>
        %swap3A_774 = vector.shape_cast %mul3A_769 : vector<16xf32> to vector<1x16xf32>
        tpu.vector_store %arg26[%swap3A_770, %swap3A_771], %swap3A_774 {strides = array<i32>} : memref<80x128xf32, #tpu.memory_space<vmem>>, vector<1x16xf32>,
        %get3A_775 = arith.index_cast %add3A_476 : i32 to index
        %get3A_776 = arith.constant 64 : index
        %get3A_777 = tpu.vector_load %arg27[%get3A_775, %get3A_776] {strides = array<i32>} : memref<80x128xf32, #tpu.memory_space<vmem>>, vector<1x16xf32>,
        %get3A_778 = vector.shape_cast %get3A_777 : vector<1x16xf32> to vector<16xf32>
        %mul3A_779 = arith.mulf %get3A_778, %broadcast_in_dim3A_694 : vector<16xf32>
        %swap3A_780 = arith.index_cast %add3A_476 : i32 to index
        %swap3A_781 = arith.constant 64 : index
        %swap3A_782 = tpu.vector_load %arg27[%swap3A_780, %swap3A_781] {strides = array<i32>} : memref<80x128xf32, #tpu.memory_space<vmem>>, vector<1x16xf32>,
        %swap3A_783 = vector.shape_cast %swap3A_782 : vector<1x16xf32> to vector<16xf32>
        %swap3A_784 = vector.shape_cast %mul3A_779 : vector<16xf32> to vector<1x16xf32>
        tpu.vector_store %arg27[%swap3A_780, %swap3A_781], %swap3A_784 {strides = array<i32>} : memref<80x128xf32, #tpu.memory_space<vmem>>, vector<1x16xf32>,
        %get3A_785 = arith.index_cast %add3A_476 : i32 to index
        %get3A_786 = arith.constant 64 : index
        %get3A_787 = tpu.vector_load %arg26[%get3A_785, %get3A_786] {strides = array<i32>} : memref<80x128xf32, #tpu.memory_space<vmem>>, vector<1x16xf32>,
        %get3A_788 = vector.shape_cast %get3A_787 : vector<1x16xf32> to vector<16xf32>
        %mul3A_789 = arith.mulf %get3A_788, %broadcast_in_dim3A_694 : vector<16xf32>
        %swap3A_790 = arith.index_cast %add3A_476 : i32 to index
        %swap3A_791 = arith.constant 64 : index
        %swap3A_792 = tpu.vector_load %arg26[%swap3A_790, %swap3A_791] {strides = array<i32>} : memref<80x128xf32, #tpu.memory_space<vmem>>, vector<1x16xf32>,
        %swap3A_793 = vector.shape_cast %swap3A_792 : vector<1x16xf32> to vector<16xf32>
        %swap3A_794 = vector.shape_cast %mul3A_789 : vector<16xf32> to vector<1x16xf32>
        tpu.vector_store %arg26[%swap3A_790, %swap3A_791], %swap3A_794 {strides = array<i32>} : memref<80x128xf32, #tpu.memory_space<vmem>>, vector<1x16xf32>,
        %get3A_795 = arith.index_cast %add3A_476 : i32 to index
        %get3A_796 = arith.constant 80 : index
        %get3A_797 = tpu.vector_load %arg27[%get3A_795, %get3A_796] {strides = array<i32>} : memref<80x128xf32, #tpu.memory_space<vmem>>, vector<1x16xf32>,
        %get3A_798 = vector.shape_cast %get3A_797 : vector<1x16xf32> to vector<16xf32>
        %mul3A_799 = arith.mulf %get3A_798, %broadcast_in_dim3A_694 : vector<16xf32>
        %swap3A_800 = arith.index_cast %add3A_476 : i32 to index
        %swap3A_801 = arith.constant 80 : index
        %swap3A_802 = tpu.vector_load %arg27[%swap3A_800, %swap3A_801] {strides = array<i32>} : memref<80x128xf32, #tpu.memory_space<vmem>>, vector<1x16xf32>,
        %swap3A_803 = vector.shape_cast %swap3A_802 : vector<1x16xf32> to vector<16xf32>
        %swap3A_804 = vector.shape_cast %mul3A_799 : vector<16xf32> to vector<1x16xf32>
        tpu.vector_store %arg27[%swap3A_800, %swap3A_801], %swap3A_804 {strides = array<i32>} : memref<80x128xf32, #tpu.memory_space<vmem>>, vector<1x16xf32>,
        %get3A_805 = arith.index_cast %add3A_476 : i32 to index
        %get3A_806 = arith.constant 80 : index
        %get3A_807 = tpu.vector_load %arg26[%get3A_805, %get3A_806] {strides = array<i32>} : memref<80x128xf32, #tpu.memory_space<vmem>>, vector<1x16xf32>,
        %get3A_808 = vector.shape_cast %get3A_807 : vector<1x16xf32> to vector<16xf32>
        %mul3A_809 = arith.mulf %get3A_808, %broadcast_in_dim3A_694 : vector<16xf32>
        %swap3A_810 = arith.index_cast %add3A_476 : i32 to index
        %swap3A_811 = arith.constant 80 : index
        %swap3A_812 = tpu.vector_load %arg26[%swap3A_810, %swap3A_811] {strides = array<i32>} : memref<80x128xf32, #tpu.memory_space<vmem>>, vector<1x16xf32>,
        %swap3A_813 = vector.shape_cast %swap3A_812 : vector<1x16xf32> to vector<16xf32>
        %swap3A_814 = vector.shape_cast %mul3A_809 : vector<16xf32> to vector<1x16xf32>
        tpu.vector_store %arg26[%swap3A_810, %swap3A_811], %swap3A_814 {strides = array<i32>} : memref<80x128xf32, #tpu.memory_space<vmem>>, vector<1x16xf32>,
        %get3A_815 = arith.index_cast %add3A_476 : i32 to index
        %get3A_816 = arith.constant 96 : index
        %get3A_817 = tpu.vector_load %arg27[%get3A_815, %get3A_816] {strides = array<i32>} : memref<80x128xf32, #tpu.memory_space<vmem>>, vector<1x16xf32>,
        %get3A_818 = vector.shape_cast %get3A_817 : vector<1x16xf32> to vector<16xf32>
        %mul3A_819 = arith.mulf %get3A_818, %broadcast_in_dim3A_694 : vector<16xf32>
        %swap3A_820 = arith.index_cast %add3A_476 : i32 to index
        %swap3A_821 = arith.constant 96 : index
        %swap3A_822 = tpu.vector_load %arg27[%swap3A_820, %swap3A_821] {strides = array<i32>} : memref<80x128xf32, #tpu.memory_space<vmem>>, vector<1x16xf32>,
        %swap3A_823 = vector.shape_cast %swap3A_822 : vector<1x16xf32> to vector<16xf32>
        %swap3A_824 = vector.shape_cast %mul3A_819 : vector<16xf32> to vector<1x16xf32>
        tpu.vector_store %arg27[%swap3A_820, %swap3A_821], %swap3A_824 {strides = array<i32>} : memref<80x128xf32, #tpu.memory_space<vmem>>, vector<1x16xf32>,
        %get3A_825 = arith.index_cast %add3A_476 : i32 to index
        %get3A_826 = arith.constant 96 : index
        %get3A_827 = tpu.vector_load %arg26[%get3A_825, %get3A_826] {strides = array<i32>} : memref<80x128xf32, #tpu.memory_space<vmem>>, vector<1x16xf32>,
        %get3A_828 = vector.shape_cast %get3A_827 : vector<1x16xf32> to vector<16xf32>
        %mul3A_829 = arith.mulf %get3A_828, %broadcast_in_dim3A_694 : vector<16xf32>
        %swap3A_830 = arith.index_cast %add3A_476 : i32 to index
        %swap3A_831 = arith.constant 96 : index
        %swap3A_832 = tpu.vector_load %arg26[%swap3A_830, %swap3A_831] {strides = array<i32>} : memref<80x128xf32, #tpu.memory_space<vmem>>, vector<1x16xf32>,
        %swap3A_833 = vector.shape_cast %swap3A_832 : vector<1x16xf32> to vector<16xf32>
        %swap3A_834 = vector.shape_cast %mul3A_829 : vector<16xf32> to vector<1x16xf32>
        tpu.vector_store %arg26[%swap3A_830, %swap3A_831], %swap3A_834 {strides = array<i32>} : memref<80x128xf32, #tpu.memory_space<vmem>>, vector<1x16xf32>,
        %get3A_835 = arith.index_cast %add3A_476 : i32 to index
        %get3A_836 = arith.constant 112 : index
        %get3A_837 = tpu.vector_load %arg27[%get3A_835, %get3A_836] {strides = array<i32>} : memref<80x128xf32, #tpu.memory_space<vmem>>, vector<1x16xf32>,
        %get3A_838 = vector.shape_cast %get3A_837 : vector<1x16xf32> to vector<16xf32>
        %mul3A_839 = arith.mulf %get3A_838, %broadcast_in_dim3A_694 : vector<16xf32>
        %swap3A_840 = arith.index_cast %add3A_476 : i32 to index
        %swap3A_841 = arith.constant 112 : index
        %swap3A_842 = tpu.vector_load %arg27[%swap3A_840, %swap3A_841] {strides = array<i32>} : memref<80x128xf32, #tpu.memory_space<vmem>>, vector<1x16xf32>,
        %swap3A_843 = vector.shape_cast %swap3A_842 : vector<1x16xf32> to vector<16xf32>
        %swap3A_844 = vector.shape_cast %mul3A_839 : vector<16xf32> to vector<1x16xf32>
        tpu.vector_store %arg27[%swap3A_840, %swap3A_841], %swap3A_844 {strides = array<i32>} : memref<80x128xf32, #tpu.memory_space<vmem>>, vector<1x16xf32>,
        %get3A_845 = arith.index_cast %add3A_476 : i32 to index
        %get3A_846 = arith.constant 112 : index
        %get3A_847 = tpu.vector_load %arg26[%get3A_845, %get3A_846] {strides = array<i32>} : memref<80x128xf32, #tpu.memory_space<vmem>>, vector<1x16xf32>,
        %get3A_848 = vector.shape_cast %get3A_847 : vector<1x16xf32> to vector<16xf32>
        %mul3A_849 = arith.mulf %get3A_848, %broadcast_in_dim3A_694 : vector<16xf32>
        %swap3A_850 = arith.index_cast %add3A_476 : i32 to index
        %swap3A_851 = arith.constant 112 : index
        %swap3A_852 = tpu.vector_load %arg26[%swap3A_850, %swap3A_851] {strides = array<i32>} : memref<80x128xf32, #tpu.memory_space<vmem>>, vector<1x16xf32>,
        %swap3A_853 = vector.shape_cast %swap3A_852 : vector<1x16xf32> to vector<16xf32>
        %swap3A_854 = vector.shape_cast %mul3A_849 : vector<16xf32> to vector<1x16xf32>
        tpu.vector_store %arg26[%swap3A_850, %swap3A_851], %swap3A_854 {strides = array<i32>} : memref<80x128xf32, #tpu.memory_space<vmem>>, vector<1x16xf32>,
        %scan3A_855 = arith.constant 0 : i32
        scf.yield %scan3A_855 : i32
      }
      %scan3A_97 = arith.constant 40 : i32
      "tpu.region"() ({
        %run_scoped3A = tpu.sem_alloc : memref<!tpu.dma_semaphore, #tpu.memory_space<semaphore_mem>>
        %dma_start3A_99 = arith.constant 0 : i32
        %dma_start3A_100 = arith.constant 0 : i32
        %dma_start3A_101 = tpu.memref_slice %arg32[%dma_start3A_99, %dma_start3A_100] : memref<10240x128xf32, #tpu.memory_space<vmem_shared>> -> memref<10240x128xf32, #tpu.memory_space<vmem_shared>>
        tpu.enqueue_indirect_dma source(%arg27 : memref<80x128xf32, #tpu.memory_space<vmem>>) target(%dma_start3A_101 : memref<10240x128xf32, #tpu.memory_space<vmem_shared>>) offsets(%arg18 : memref<80xi32, #tpu.memory_space<vmem>>) semaphore(%run_scoped3A : memref<!tpu.dma_semaphore, #tpu.memory_space<semaphore_mem>>) {add = true}
        %dma_wait3A_102 = arith.constant 0 : i32
        %dma_wait3A_103 = arith.constant 0 : i32
        %dma_wait3A_104 = tpu.memref_slice %arg32[%dma_wait3A_102, %dma_wait3A_103] : memref<10240x128xf32, #tpu.memory_space<vmem_shared>> -> memref<10240x128xf32, #tpu.memory_space<vmem_shared>>
        tpu.wait_indirect_dma semaphore(%run_scoped3A : memref<!tpu.dma_semaphore, #tpu.memory_space<semaphore_mem>>) src(%arg27 : memref<80x128xf32, #tpu.memory_space<vmem>>) dst(%dma_wait3A_104 : memref<10240x128xf32, #tpu.memory_space<vmem_shared>>)
        tpu.yield
      }) : () -> ()
      "tpu.region"() ({
        %run_scoped3A = tpu.sem_alloc : memref<!tpu.dma_semaphore, #tpu.memory_space<semaphore_mem>>
        %dma_start3A_99 = arith.constant 0 : i32
        %dma_start3A_100 = arith.constant 0 : i32
        %dma_start3A_101 = tpu.memref_slice %arg32[%dma_start3A_99, %dma_start3A_100] : memref<10240x128xf32, #tpu.memory_space<vmem_shared>> -> memref<10240x128xf32, #tpu.memory_space<vmem_shared>>
        tpu.enqueue_indirect_dma source(%arg26 : memref<80x128xf32, #tpu.memory_space<vmem>>) target(%dma_start3A_101 : memref<10240x128xf32, #tpu.memory_space<vmem_shared>>) offsets(%arg19 : memref<80xi32, #tpu.memory_space<vmem>>) semaphore(%run_scoped3A : memref<!tpu.dma_semaphore, #tpu.memory_space<semaphore_mem>>) {add = true}
        %dma_wait3A_102 = arith.constant 0 : i32
        %dma_wait3A_103 = arith.constant 0 : i32
        %dma_wait3A_104 = tpu.memref_slice %arg32[%dma_wait3A_102, %dma_wait3A_103] : memref<10240x128xf32, #tpu.memory_space<vmem_shared>> -> memref<10240x128xf32, #tpu.memory_space<vmem_shared>>
        tpu.wait_indirect_dma semaphore(%run_scoped3A : memref<!tpu.dma_semaphore, #tpu.memory_space<semaphore_mem>>) src(%arg26 : memref<80x128xf32, #tpu.memory_space<vmem>>) dst(%dma_wait3A_104 : memref<10240x128xf32, #tpu.memory_space<vmem_shared>>)
        tpu.yield
      }) : () -> ()
      %scan3A_98 = arith.constant 0 : i32
      scf.yield %scan3A_98 : i32
    }
    %scan3A_52 = arith.constant 125 : i32
    %barrier3A_53 = arith.constant 0 : index
    tpu.barrier barrier_id(%barrier3A_53)
    "tpu.region"() ({
      %run_scoped3A = tpu.sem_alloc : memref<!tpu.dma_semaphore, #tpu.memory_space<semaphore_mem>>
      %dma_start3A = arith.constant 0 : i32
      %dma_start3A_58 = tpu.memref_slice %arg14[%add3A, %dma_start3A] : memref<32x10240xf32, #tpu.memory_space<hbm>> -> memref<1x10240xf32, #tpu.memory_space<hbm>>
      %dma_start3A_59 = tpu.memref_squeeze %dma_start3A_58 : memref<1x10240xf32, #tpu.memory_space<hbm>> -> memref<10240xf32, #tpu.memory_space<hbm>>
      %dma_start3A_60 = arith.constant 0 : i32
      %dma_start3A_61 = tpu.memref_slice %arg14[%add3A, %dma_start3A_60] : memref<32x10240xf32, #tpu.memory_space<hbm>> -> memref<1x10240xf32, #tpu.memory_space<hbm>>
      %dma_start3A_62 = tpu.memref_squeeze %dma_start3A_61 : memref<1x10240xf32, #tpu.memory_space<hbm>> -> memref<10240xf32, #tpu.memory_space<hbm>>
      tpu.enqueue_dma source(%arg17 : memref<10240xf32, #tpu.memory_space<vmem>>) target(%dma_start3A_62 : memref<10240xf32, #tpu.memory_space<hbm>>) target_semaphore(%run_scoped3A : memref<!tpu.dma_semaphore, #tpu.memory_space<semaphore_mem>>)
      %dma_wait3A = arith.constant 0 : i32
      %dma_wait3A_63 = tpu.memref_slice %arg14[%add3A, %dma_wait3A] : memref<32x10240xf32, #tpu.memory_space<hbm>> -> memref<1x10240xf32, #tpu.memory_space<hbm>>
      %dma_wait3A_64 = tpu.memref_squeeze %dma_wait3A_63 : memref<1x10240xf32, #tpu.memory_space<hbm>> -> memref<10240xf32, #tpu.memory_space<hbm>>
      %dma_wait3A_65 = arith.constant 0 : i32
      %dma_wait3A_66 = tpu.memref_slice %arg14[%add3A, %dma_wait3A_65] : memref<32x10240xf32, #tpu.memory_space<hbm>> -> memref<1x10240xf32, #tpu.memory_space<hbm>>
      %dma_wait3A_67 = tpu.memref_squeeze %dma_wait3A_66 : memref<1x10240xf32, #tpu.memory_space<hbm>> -> memref<10240xf32, #tpu.memory_space<hbm>>
      tpu.wait_dma2 semaphore(%run_scoped3A : memref<!tpu.dma_semaphore, #tpu.memory_space<semaphore_mem>>) src(%arg17 : memref<10240xf32, #tpu.memory_space<vmem>>) dst(%dma_wait3A_67 : memref<10240xf32, #tpu.memory_space<hbm>>)
      tpu.yield
    }) : () -> ()
    %mul3A_54 = arith.constant 640 : i32
    %mul3A_55 = arith.muli %arg1, %mul3A_54 : i32
    %mul3A_56 = arith.constant 640 : i32
    %mul3A_57 = arith.muli %arg1, %mul3A_56 : i32
    "tpu.region"() ({
      %run_scoped3A = tpu.sem_alloc : memref<!tpu.dma_semaphore, #tpu.memory_space<semaphore_mem>>
      %dma_start3A = arith.constant 0 : i32
      %dma_start3A_58 = tpu.memref_slice %arg15[%arg0, %mul3A_57, %dma_start3A] : memref<2x10240x128xf32, #tpu.memory_space<hbm>> -> memref<1x640x128xf32, #tpu.memory_space<hbm>>
      %dma_start3A_59 = tpu.memref_squeeze %dma_start3A_58 : memref<1x640x128xf32, #tpu.memory_space<hbm>> -> memref<640x128xf32, #tpu.memory_space<hbm>>
      %dma_start3A_60 = arith.constant 0 : i32
      %dma_start3A_61 = tpu.memref_slice %arg32[%mul3A_55, %dma_start3A_60] : memref<10240x128xf32, #tpu.memory_space<vmem_shared>> -> memref<640x128xf32, #tpu.memory_space<vmem_shared>>
      tpu.enqueue_dma source(%dma_start3A_61 : memref<640x128xf32, #tpu.memory_space<vmem_shared>>) target(%dma_start3A_59 : memref<640x128xf32, #tpu.memory_space<hbm>>) target_semaphore(%run_scoped3A : memref<!tpu.dma_semaphore, #tpu.memory_space<semaphore_mem>>)
      %dma_wait3A = arith.constant 0 : i32
      %dma_wait3A_62 = tpu.memref_slice %arg15[%arg0, %mul3A_57, %dma_wait3A] : memref<2x10240x128xf32, #tpu.memory_space<hbm>> -> memref<1x640x128xf32, #tpu.memory_space<hbm>>
      %dma_wait3A_63 = tpu.memref_squeeze %dma_wait3A_62 : memref<1x640x128xf32, #tpu.memory_space<hbm>> -> memref<640x128xf32, #tpu.memory_space<hbm>>
      %dma_wait3A_64 = arith.constant 0 : i32
      %dma_wait3A_65 = tpu.memref_slice %arg32[%mul3A_55, %dma_wait3A_64] : memref<10240x128xf32, #tpu.memory_space<vmem_shared>> -> memref<640x128xf32, #tpu.memory_space<vmem_shared>>
      tpu.wait_dma2 semaphore(%run_scoped3A : memref<!tpu.dma_semaphore, #tpu.memory_space<semaphore_mem>>) src(%dma_wait3A_65 : memref<640x128xf32, #tpu.memory_space<vmem_shared>>) dst(%dma_wait3A_63 : memref<640x128xf32, #tpu.memory_space<hbm>>)
      tpu.yield
    }) : () -> ()
    return
  }
}

module attributes {stable_mosaic.version = 14 : i64} {
  func.func @_symmv_body(%arg0: i32, %arg1: memref<200x10000xf32, #tpu.memory_space<vmem>>, %arg2: memref<1x1x200xf32, #tpu.memory_space<vmem>>, %arg3: memref<10000xf32, #tpu.memory_space<vmem>>, %arg4: memref<1x1x200xf32, #tpu.memory_space<vmem>>, %arg5: memref<1x10000xf32, #tpu.memory_space<vmem>>) attributes {dimension_semantics = [#tpu.dimension_semantics<arbitrary>], iteration_bounds = array<i64: 50>, scalar_prefetch = 0 : i64, scratch_operands = 0 : i64, tpu.core_type = #tpu.core_type<tc>, window_params = [{transform_indices = @transform_0, window_bounds = array<i64: 200, 10000>}, {transform_indices = @transform_1, window_bounds = array<i64: 1, 1, 200>}, {pipeline_mode = #tpu.pipeline_mode<synchronous>, transform_indices = @transform_2, window_bounds = array<i64: 10000>}, {transform_indices = @transform_3, window_bounds = array<i64: 1, 1, 200>}, {pipeline_mode = #tpu.pipeline_mode<synchronous>, transform_indices = @transform_4, window_bounds = array<i64: 1, 10000>}]} {
    %eq3A = arith.constant 0 : i32
    %eq3A_0 = arith.cmpi eq, %arg0, %eq3A : i32
    %convert_element_type3A = arith.extui %eq3A_0 : i1 to i32
    %cond3A = arith.constant 0 : i32
    %cond3A_1 = arith.cmpi ne, %convert_element_type3A, %cond3A : i32
    scf.if %cond3A_1 {
      %broadcast_in_dim3A_23 = arith.constant 0.000000e+00 : f32
      %broadcast_in_dim3A_24 = vector.broadcast %broadcast_in_dim3A_23 : f32 to vector<1x10000xf32>
      %swap3A_25 = arith.constant 0 : index
      %swap3A_26 = arith.constant 0 : index
      %swap3A_27 = vector.load %arg5[%swap3A_25, %swap3A_26] : memref<1x10000xf32, #tpu.memory_space<vmem>>, vector<1x10000xf32>
      tpu.vector_store %arg5[%swap3A_25, %swap3A_26], %broadcast_in_dim3A_24 {strides = array<i32>} : memref<1x10000xf32, #tpu.memory_space<vmem>>, vector<1x10000xf32>,
    } else {
    }
    %get3A = arith.constant 0 : index
    %get3A_2 = arith.constant 0 : index
    %get3A_3 = vector.load %arg1[%get3A, %get3A_2] : memref<200x10000xf32, #tpu.memory_space<vmem>>, vector<200x10000xf32>
    %get3A_4 = arith.constant 0 : index
    %get3A_5 = vector.load %arg3[%get3A_4] : memref<10000xf32, #tpu.memory_space<vmem>>, vector<10000xf32>
    %dot_general3A = arith.constant dense<0.000000e+00> : vector<200xf32>
    %dot_general3A_6 = tpu.matmul %get3A_3, %get3A_5, %dot_general3A {dimension_numbers = #tpu.dot_dimension_numbers<[1], [0], [0], [], [0, 0], [], []>, transpose_lhs_hint = false} : vector<200x10000xf32>, vector<10000xf32>, vector<200xf32> -> vector<200xf32>
    %reshape3A = vector.shape_cast %dot_general3A_6 : vector<200xf32> to vector<1x1x200xf32>
    %swap3A = arith.constant 0 : index
    %swap3A_7 = arith.constant 0 : index
    %swap3A_8 = arith.constant 0 : index
    %swap3A_9 = vector.load %arg4[%swap3A, %swap3A_7, %swap3A_8] : memref<1x1x200xf32, #tpu.memory_space<vmem>>, vector<1x1x200xf32>
    tpu.vector_store %arg4[%swap3A, %swap3A_7, %swap3A_8], %reshape3A {strides = array<i32>} : memref<1x1x200xf32, #tpu.memory_space<vmem>>, vector<1x1x200xf32>,
    %get3A_10 = arith.constant 0 : index
    %get3A_11 = arith.constant 0 : index
    %get3A_12 = arith.constant 0 : index
    %get3A_13 = vector.load %arg2[%get3A_10, %get3A_11, %get3A_12] : memref<1x1x200xf32, #tpu.memory_space<vmem>>, vector<1x1x200xf32>
    %get3A_14 = vector.shape_cast %get3A_13 : vector<1x1x200xf32> to vector<200xf32>
    %get3A_15 = arith.constant 0 : index
    %get3A_16 = arith.constant 0 : index
    %get3A_17 = vector.load %arg5[%get3A_15, %get3A_16] : memref<1x10000xf32, #tpu.memory_space<vmem>>, vector<1x10000xf32>
    %dot_general3A_18 = arith.constant dense<0.000000e+00> : vector<10000xf32>
    %dot_general3A_19 = tpu.matmul %get3A_14, %get3A_3, %dot_general3A_18 {dimension_numbers = #tpu.dot_dimension_numbers<[0], [0], [], [1], [1, 1], [], []>, transpose_lhs_hint = false} : vector<200xf32>, vector<200x10000xf32>, vector<10000xf32> -> vector<10000xf32>
    %broadcast_in_dim3A = vector.shape_cast %dot_general3A_19 : vector<10000xf32> to vector<1x10000xf32>
    %add3A = arith.addf %get3A_17, %broadcast_in_dim3A : vector<1x10000xf32>
    %swap3A_20 = arith.constant 0 : index
    %swap3A_21 = arith.constant 0 : index
    %swap3A_22 = vector.load %arg5[%swap3A_20, %swap3A_21] : memref<1x10000xf32, #tpu.memory_space<vmem>>, vector<1x10000xf32>
    tpu.vector_store %arg5[%swap3A_20, %swap3A_21], %add3A {strides = array<i32>} : memref<1x10000xf32, #tpu.memory_space<vmem>>, vector<1x10000xf32>,
    return
  }
  func.func @transform_0(%arg0: i32) -> (i32, i32) {
    %c0_i32 = arith.constant 0 : i32
    %c0_i32_0 = arith.constant 0 : i32
    return %arg0, %c0_i32 : i32, i32
  }
  func.func @transform_1(%arg0: i32) -> (i32, i32, i32) {
    %c0_i32 = arith.constant 0 : i32
    %c0_i32_0 = arith.constant 0 : i32
    %c0_i32_1 = arith.constant 0 : i32
    return %arg0, %c0_i32, %c0_i32_0 : i32, i32, i32
  }
  func.func @transform_2(%arg0: i32) -> i32 {
    %c0_i32 = arith.constant 0 : i32
    %c0_i32_0 = arith.constant 0 : i32
    return %c0_i32 : i32
  }
  func.func @transform_3(%arg0: i32) -> (i32, i32, i32) {
    %c0_i32 = arith.constant 0 : i32
    %c0_i32_0 = arith.constant 0 : i32
    %c0_i32_1 = arith.constant 0 : i32
    return %arg0, %c0_i32, %c0_i32_0 : i32, i32, i32
  }
  func.func @transform_4(%arg0: i32) -> (i32, i32) {
    %c0_i32 = arith.constant 0 : i32
    %c0_i32_0 = arith.constant 0 : i32
    %c0_i32_1 = arith.constant 0 : i32
    return %c0_i32, %c0_i32_0 : i32, i32
  }
}

</mosaic_0001>

<sc_bundles>
// kernel: kernel.4.cloned.1.call-start
scs
__scs_entry_jumppad:
0x0: {  	(pc) =	sbr.rel $0x88, $3  }
0x1: {  	(tag) =	ssettag $0x0;
	lr =	simm.s32 $0x1  }
0x2: {  	[smem:$0x3F98] =	sst lr;
	_ =	strace $0xD0000000  }
0x3: {  	_ = 	snop  }
0x4: {  	_ = 	snop  }
0x5: {  	_ = 	snop  }
0x6: {  	_ = 	snop  }
0x7: {  	_ = 	snop  }
__scs_overlays_trampoline_lowered:
0x8: {  	[smem:$0x3FA7] =	sst s0  }
0x9: {  	[smem:$0x3FA8] =	sst s1  }
0xa: {  	[smem:$0x3FA9] =	sst s2  }
0xb: {  	[smem:$0x3FAA] =	sst s3  }
0xc: {  	[smem:$0x3FAB] =	sst s4  }
0xd: {  	[smem:$0x3FAC] =	sst s5  }
0xe: {  	[smem:$0x3FAD] =	sst s6  }
0xf: {  	[smem:$0x3FAE] =	sst s7  }
0x10: {  	[smem:$0x3FAF] =	sst s8  }
0x11: {  	[smem:$0x3FB0] =	sst s9;
	s0 =	simm.s32 @!p0 $0x0  }
0x12: {  	s1 =	sld [smem:$0x3F96];
	s0 =	simm.s32 @p0 $0x1  }
0x13: {  	[smem:$0x3FB1] =	sst s0;
	s0 =	simm.s32 @!p1 $0x0  }
0x14: {  	s2 =	sld [smem:$0x3F95];
	s0 =	simm.s32 @p1 $0x1  }
0x15: {  	[smem:$0x3FB2] =	sst s0;
	s0 =	simm.s32 @!p2 $0x0  }
0x16: {  	s3 =	sld [smem:$0x3FDB];
	s0 =	simm.s32 @p2 $0x1  }
0x17: {  	s4 =	simm.s32 $0x1BF5;
	[smem:$0x3FB4] =	sst s0  }
0x18: {  	s0 =	sld [smem:$0x3F97];
	_ =	swait.ge [sflag:s4], $0x0  }
0x19: {  	s7 =	sld [smem:$0x3F98]  }
0x1a: {  	s8 =	sadd.s32 $0xFFFFE003, lr  }
0x1b: {  	s9 =	sadd.s32 $0xFFFFFEF7, lr;
	s5 =	simm.s32 $0xFFFFFFFF;
	p2 =	slt.u32 s8, $0xFFFFF086  }
0x1c: {  	p1 =	slt.u32 s9, $0xF7A;
	s5 =	simm.s32 @!p2 $0x0  }
0x1d: {  	s5 =	simm.s32 @p1 $0x1;
	p0 =	seq.s32 s7, s2  }
0x1e: {  	s7 =	smul.u32 @!p0 $0xF7A, s2;
	p2 =	seq.s32 @!p0 s5, $0x0  }
0x1f: {  	s9 =	smul.u32 $0xF7A, s1;
	s8 =	simm.s32 @!p0 $0x1BF5;
	p2 =	por !p2, p0  }
0x20: {  	[sflag:s8] =	ssyncset.s32 @!p0 $0xFFFFF086;
	s6 =	sadd.s32 @!p0 s3, s7;
	s7 =	simm.s32 @!p0 $0x108  }
0x21: {  	s3 =	sadd.s32 s3, s9;
	s6 =	sadd.s32 @!p0 $0x88, s6;
	s7 =	simm.s32 @p2 $0x1082  }
0x22: {  	[simem:s7], [sflag:s8] =	dma.local @!p0 [hbm:s6], $0xF7A  }
0x23: {  	s9 =	sor.u32 $0xD0000000, s2;
	s6 =	simm.s32 $0x108;
	_ =	swait.ge @!p0 [sflag:s8], $0x0  }
0x24: {  	s3 =	sadd.s32 $0x88, s3;
	s6 =	simm.s32 @!p1 $0x1082;
	[sflag:s4] =	ssyncset.s32 $0xFFFFF086  }
0x25: {  	[simem:s6], [sflag:s4] =	dma.local [hbm:s3], $0xF7A  }
0x26: {  	[smem:$0x3F98] =	sst s1;
	(tag) =	ssettag s2;
	_ =	strace s9  }
0x27: {  	s1 =	sld [smem:$0x3FA8]  }
0x28: {  	s2 =	sld [smem:$0x3FA9]  }
0x29: {  	s4 =	sld [smem:$0x3FAB]  }
0x2a: {  	p0 =	seq.s32 s5, $0x0;
	s5 =	sld [smem:$0x3FAC]  }
0x2b: {  	s6 =	sld [smem:$0x3FAD]  }
0x2c: {  	s7 =	sld [smem:$0x3FAE]  }
0x2d: {  	s3 =	simm.s32 $0x108;
	s8 =	sld [smem:$0x3FAF]  }
0x2e: {  	s3 =	simm.s32 @!p0 $0x1082;
	s9 =	sld [smem:$0x3FB0]  }
0x2f: {  	lr =	sadd.s32 s0, s3;
	s0 =	sld [smem:$0x3FA7]  }
0x30: {  	s3 =	sld [smem:$0x3FAA]  }
0x31: {  	[smem:$0x3FB3] =	sst s10  }
0x32: {  	s10 =	sld [smem:$0x3FB1];
	_ =	sdelay $0x3  }
0x33: {  	p0 =	seq.s32 s10, $0x1;
	s10 =	sld [smem:$0x3FB3];
	_ =	sdelay $0x3  }
0x34: {  	[smem:$0x3FB3] =	sst s10  }
0x35: {  	s10 =	sld [smem:$0x3FB2];
	_ =	sdelay $0x3  }
0x36: {  	p1 =	seq.s32 s10, $0x1;
	s10 =	sld [smem:$0x3FB3];
	_ =	sdelay $0x3  }
0x37: {  	[smem:$0x3FB3] =	sst s10  }
0x38: {  	s10 =	sld [smem:$0x3FB4]  }
0x39: {  	_ = 	snop;
	(pc) =	sbr.ind lr, $3  }
0x3a: {  	_ = 	snop  }
0x3b: {  	_ = 	snop  }
0x3c: {  	p2 =	seq.s32 s10, $0x1;
	s10 =	sld [smem:$0x3FB3]  }
0x3d: {  	_ =	shalt  }
0x3e: {  	_ =	shalt  }
0x3f: {  	_ =	shalt  }
0x40: {  	_ =	shalt  }
0x41: {  	_ =	shalt  }
0x42: {  	_ =	shalt  }
0x43: {  	_ =	shalt  }
0x44: {  	_ =	shalt  }
0x45: {  	_ =	shalt  }
0x46: {  	_ =	shalt  }
0x47: {  	_ =	shalt  }
0x48: {  	_ =	shalt  }
0x49: {  	_ =	shalt  }
0x4a: {  	_ =	shalt  }
0x4b: {  	_ =	shalt  }
0x4c: {  	_ =	shalt  }
0x4d: {  	_ =	shalt  }
0x4e: {  	_ =	shalt  }
0x4f: {  	_ =	shalt  }
0x50: {  	_ =	shalt  }
0x51: {  	_ =	shalt  }
0x52: {  	_ =	shalt  }
0x53: {  	_ =	shalt  }
0x54: {  	_ =	shalt  }
0x55: {  	_ =	shalt  }
0x56: {  	_ =	shalt  }
0x57: {  	_ =	shalt  }
0x58: {  	_ =	shalt  }
0x59: {  	_ =	shalt  }
0x5a: {  	_ =	shalt  }
0x5b: {  	_ =	shalt  }
0x5c: {  	_ =	shalt  }
0x5d: {  	_ =	shalt  }
0x5e: {  	_ =	shalt  }
0x5f: {  	_ =	shalt  }
0x60: {  	_ =	shalt  }
0x61: {  	_ =	shalt  }
0x62: {  	_ =	shalt  }
0x63: {  	_ =	shalt  }
0x64: {  	_ =	shalt  }
0x65: {  	_ =	shalt  }
0x66: {  	_ =	shalt  }
0x67: {  	_ =	shalt  }
0x68: {  	_ =	shalt  }
0x69: {  	_ =	shalt  }
0x6a: {  	_ =	shalt  }
0x6b: {  	_ =	shalt  }
0x6c: {  	_ =	shalt  }
0x6d: {  	_ =	shalt  }
0x6e: {  	_ =	shalt  }
0x6f: {  	_ =	shalt  }
0x70: {  	_ =	shalt  }
0x71: {  	_ =	shalt  }
0x72: {  	_ =	shalt  }
0x73: {  	_ =	shalt  }
0x74: {  	_ =	shalt  }
0x75: {  	_ =	shalt  }
0x76: {  	_ =	shalt  }
0x77: {  	_ =	shalt  }
0x78: {  	_ =	shalt  }
0x79: {  	_ =	shalt  }
0x7a: {  	_ =	shalt  }
0x7b: {  	_ =	shalt  }
0x7c: {  	_ =	shalt  }
0x7d: {  	_ =	shalt  }
0x7e: {  	_ =	shalt  }
0x7f: {  	_ =	shalt  }
0x80: {  	_ =	shalt  }
0x81: {  	_ =	shalt  }
0x82: {  	_ =	shalt  }
0x83: {  	_ =	shalt  }
0x84: {  	_ =	shalt  }
0x85: {  	_ =	shalt  }
0x86: {  	_ =	shalt  }
0x87: {  	_ =	shalt  }
.Lfunc_end0:
.L_simem_size_0:
called_computation_lowered:
.L_overlay_start_0:
0x88: {  	s2 =	sld [smem:$0x3FD9]  }
0x89: {  	s3 =	sld [smem:$0x3FFE];
	_ =	sdelay $0x1  }
0x8a: {  	s1 =	srdreg.scid  }
0x8b: {  	s0 =	sand.u32 $0x1, s1  }
0x8c: {  	s14 =	sshll.u32 s0, $0xA;
	s2 =	sadd.s32 s3, s2  }
0x8d: {  	s2 =	sadd.s32 s2, s14  }
0x8e: {  	[smem:$0x3FBF] =	sst s2  }
0x8f: {  	_ = 	snop  }
0x90: {  	s2 =	sld [smem:$0x3FD0];
	_ =	sdelay $0x2  }
0x91: {  	s4 =	simm.s32 $0xA;
	s5 =	simm.s32 $0x10;
	s15 =	sld [smem:$0x3FC1]  }
0x92: {  	[smem:s5], [sflag:s4] =	dma.local [hbm:s2], $0x1  }
0x93: {  	_ =	swait.eq [sflag:s4], $0x1  }
0x94: {  	[sflag:s4] =	ssyncset.done $0x0  }
0x95: {  	[sflag:s4] =	ssyncadd.s32 $0xFFFFFFFF  }
0x96: {  	s16 =	sld [smem:$0x11];
	(tm) =	ssettm $0x1  }
0x97: {  	s17 =	sld [smem:$0x3FFB];
	_ =	sdelay $0x3  }
0x98: {  	_ =	strace s17  }
0x99: {  	s4 =	sld [smem:$0x3FFC];
	_ =	sdelay $0x3  }
0x9a: {  	_ =	strace s4  }
0x9b: {  	s4 =	sld [smem:$0x3FFD];
	_ =	sdelay $0x3  }
0x9c: {  	_ =	strace s4  }
0x9d: {  	_ =	strace $0x8FFFFFFF  }
0x9e: {  	s18 =	sld [smem:$0x3FDB];
	_ =	sdelay $0x1  }
0x9f: {  	s19 =	simm.s32 $_scs_section_size  }
0xa0: {  	s6 =	simm.s32 $_size__tile_overlayer_lowered;
	s7 =	simm.s32 $_tile_overlayer_lowered  }
0xa1: {  	s22 =	simm.s32 $0x1BFF;
	s21 =	sshll.u32 s7, $0x1;
	s4 =	sadd.s32 s19, s18  }
0xa2: {  	s8 =	simm.s32 $0x0;
	s20 =	sshll.u32 s6, $0x1;
	s6 =	sadd.s32 s21, s4  }
0xa3: {  	[timem:s8], [sflag:s22] =	dma.local [hbm:s6], s20  }
0xa4: {  	_ =	swait.ge [sflag:s22], s20  }
0xa5: {  	s5 =	ssub.s32 $0x0, s20;
	[sflag:s22] =	ssyncset.done $0x0  }
0xa6: {  	[sflag:s22] =	ssyncadd.s32 s5;
	_ =	sdelay $0x1  }
0xa7: {  	s23 =	simm.s32 $0x1B8B  }
0xa8: {  	_ =	swait.ge [sflag:s23], $0x1  }
0xa9: {  	[sflag:s23] =	ssyncset.done $0x0  }
0xaa: {  	s25 =	simm.s32 $0x1B8E;
	s24 =	sld [smem:$0x3FFE];
	[sflag:s23] =	ssyncadd.s32 $0xFFFFFFFF  }
0xab: {  	s26 =	simm.s32 $execute0_lowered;
	[smem:$0x3FD2] =	sst s25  }
0xac: {  	s6 =	sshll.u32 s26, $0x1;
	_ =	strace $0x80000046;
	[dreg:$0x1] =	wrdreg $0xFFFFFFFF  }
0xad: {  	s28 =	simm.s32 $_size_execute0_lowered;
	s4 =	sadd.s32 s4, s6;
	[dreg:$0x0] =	wrdreg $0x0  }
0xae: {  	s6 =	sshll.u32 s28, $0x1;
	[dreg:$0x2] =	wrdreg s4  }
0xaf: {  	[dreg:$0x3] =	wrdreg s6  }
0xb0: {  	[dreg:$0x4] =	wrdreg $0xC0  }
0xb1: {  	_ =	task [dreg:s8], $0x5FFFF  }
0xb2: {  	[dreg:$0x1] =	wrdreg $0xFFFFFFFF  }
0xb3: {  	[dreg:$0x0] =	wrdreg $0x60  }
0xb4: {  	[dreg:$0x2] =	wrdreg s16  }
0xb5: {  	[dreg:$0x3] =	wrdreg s24  }
0xb6: {  	[dreg:$0x4] =	wrdreg s15  }
0xb7: {  	[dreg:$0x5] =	wrdreg $0xA6000  }
0xb8: {  	[dreg:$0x6] =	wrdreg $0x9  }
0xb9: {  	_ =	task.clear_ibuf [dreg:s8], $0x7FFFF;
	_ =	strace $0x90000046  }
0xba: {  	s29 =	simm.s32 $0x9;
	_ =	strace $0x80000048  }
0xbb: {  	_ =	swait.ge [sflag:s29], $0x1  }
0xbc: {  	[sflag:s29] =	ssyncadd.s32 $0xFFFFFFFF  }
0xbd: {  	_ =	strace $0x90000048  }
0xbe: {  	_ =	sfence  }
0xbf: {  	s30 =	sld [smem:$0x0];
	_ =	sdelay $0x2  }
0xc0: {  	s31 =	sshll.u32 s1, $0xD;
	s1 =	sshrl.u32 s1, $0x2  }
0xc1: {  	s3 =	sand.u32 $0x4000, s31;
	s1 =	sadd.s32 s1, s30  }
0xc2: {  	s0 =	sor.u32 s3, s0;
	s1 =	sshll.u32 s1, $0x11  }
0xc3: {  	s0 =	sor.u32 s1, s0  }
0xc4: {  	s0 =	sadd.s32 $0x8F2B, s0  }
0xc5: {  	[sflag:s0] =	ssyncadd.remote.s32 $0x1  }
0xc6: {  	_ =	sfence.sel $0xFFFF  }
0xc7: {  	[dreg:$0x0] =	wrdreg $0xFFFFFFFF;
	(pc) =	sbr.abs _section_cstart, $3  }
0xc8: {  	[dreg:$0x1] =	wrdreg $0xFFFFFFFF  }
0xc9: {  	_ =	task.clear_ibuf [dreg:s8], $0x2FFFF;
	_ =	strace $0x9FFFFFFF  }
0xca: {  	(tm) =	ssettm $0x7FFFFFFF  }
0xcb: {  	_ =	shalt  }
tec
execute0_lowered:
.L_overlay_start_1:
0x0: {  	(tag) =	ssettag $0x1  }
0x1: {  	s1 =	rddreg [dreg:$0x0]  }
0x2: {  	s0 =	rddreg [dreg:$0x1]  }
0x3: {  	s3 =	rddreg [dreg:$0x3];
	s4 =	simm.s32 $0x0;
	s15 =	srdreg.scid  }
0x4: {  	s8 =	stileid.u32;
	s28 =	simm.s32 $0x5000;
	s29 =	simm.s32 $0x5080  }
0x5: {  	s30 =	simm.s32 $0x5100;
	s31 =	simm.s32 $0x5180;
	[smem:$0x7FF] =	sst s4  }
0x6: {  	s2 =	sadd.s32 $0xC14000, s0;
	s7 =	sadd.s32 $0x27E00, s0;
	s14 =	sadd.s32 $0x600, s0  }
0x7: {  	s9 =	sadd.s32 $0xA400, s0;
	s5 =	sshll.u32 s8, $0x1;
	s6 =	sshrl.u32 s8, $0x2  }
0x8: {  	s10 =	sadd.s32 $0x14200, s0;
	s11 =	sadd.s32 $0x1E000, s0;
	s16 =	smul.u32 $0x14000, s8  }
0x9: {  	s17 =	sadd.s32 $0xC16E00, s0;
	_ =	strace $0x80000047;
	[dreg:$0x5] =	wrdreg s2  }
0xa: {  	s18 =	sadd.s32 $0xC14600, s0;
	s20 =	smul.u32 $0x50000, s8;
	[dreg:$0x6] =	wrdreg s14  }
0xb: {  	s26 =	sshll.u32 s8, $0x6;
	s8 =	simm.s32 $0x0;
	[dreg:$0x9] =	wrdreg s17  }
0xc: {  	s2 =	sand.u32 $0x1, s15;
	s14 =	sadd.s32 $0xC13E00, s0;
	[dreg:$0xa] =	wrdreg s18  }
0xd: {  	s6 =	smul.u32 $0x14000, s6;
	s15 =	sadd.s32 $0xC13C00, s0;
	[dreg:$0x7] =	wrdreg s14  }
0xe: {  	s5 =	sor.u32 s2, s5;
	s13 =	smul.u32 $0x140000, s2;
	[dreg:$0x8] =	wrdreg s15  }
0xf: {  	s2 =	ssub.s32 $0x2, s2;
	s22 =	sshrl.u32 s20, $0x2;
	s12 =	sshll.u32 s5, $0x7  }
0x10: {  	s21 =	sshrl.u32 s2, $0x1;
	s23 =	sadd.s32 s22, s3;
	s22 =	simm.s32 $0x7C00  }
0x11: {  	s12 =	sand.u32 $0x380, s12;
	s19 =	sadd.s32 s16, s13;
	s2 =	ssub.s32 s2, s21  }
0x12: {  	s16 =	smul.u32 $0x2710, s5;
	[dreg:$0xb] =	wrdreg s23;
	s21 =	simm.s32 $0x2  }
0x13: {  	s13 =	simm.s32 $0x2800;
	s6 =	sor.u32 s6, s12;
	s25 =	smax.u32 s2, $0x1  }
0x14: {  	s12 =	sshrl.u32 s19, $0x3;
	s6 =	sshrl.u32 s6, $0x3;
	[dreg:$0xe] =	wrdreg s25  }
0x15: {  	s6 =	sadd.s32 s6, s0;
	s0 =	sadd.s32 s12, s0;
	s12 =	sor.u32 $0x1C02, s26  }
0x16: {  	s23 =	simm.s32 $0x60;
	s24 =	sadd.s32 $0xC67400, s6;
	[dreg:$0xf] =	wrdreg s12  }
0x17: {  	s2 =	simm.s32 $0x5400;
	s0 =	sadd.s32 $0xC17400, s0;
	[dreg:$0xc] =	wrdreg s24  }
0x18: {  	vm0 =	vcmask $0x300;
	s6 =	simm.s32 $0x50;
	[dreg:$0xd] =	wrdreg s0;
	s0 =	simm.s32 $0x1  }
.LBB2_1:
0x19: {  	[dreg:$0x10] =	wrdreg s8  }
0x1a: {  	s5 =	rddreg [dreg:$0x5]  }
0x1b: {  	[tilespmem:s4], [sflag:$0x2] =	stream.linear.gather [hbm4b:s5+s4], $0x2800, $0x38;
	[tilespmem:$0x1E600] =	vst v63  }
0x1c: {  	_ =	swait.ge [sflag:s21], $0x2800  }
0x1d: {  	[sflag:s21] =	ssyncset.done $0x0  }
0x1e: {  	s14 =	simm.s32 $0xA480;
	s8 =	rddreg [dreg:$0x7];
	[sflag:s21] =	ssyncadd.s32 $0xFFFFD800  }
0x1f: {  	[tilespmem:s14], [sflag:$0x2] =	stream.linear.gather [hbm4b:s8+s4], $0x80, $0x38;
	[tilespmem:$0x1E600] =	vst v63  }
0x20: {  	_ =	swait.ge [sflag:s21], $0x80  }
0x21: {  	[sflag:s21] =	ssyncset.done $0x0  }
0x22: {  	s17 =	simm.s32 $0xA500;
	s15 =	rddreg [dreg:$0x8];
	[sflag:s21] =	ssyncadd.s32 $0xFFFFFF80  }
0x23: {  	[tilespmem:s17], [sflag:$0x2] =	stream.linear.gather [hbm4b:s15+s4], $0x80, $0x38;
	[tilespmem:$0x1E600] =	vst v63  }
0x24: {  	_ =	swait.ge [sflag:s21], $0x80  }
0x25: {  	[sflag:s21] =	ssyncset.done $0x0  }
0x26: {  	[sflag:s21] =	ssyncadd.s32 $0xFFFFFF80  }
0x27: {  	s19 =	simm.s32 $0xA580;
	s18 =	rddreg [dreg:$0x2]  }
0x28: {  	[tilespmem:s19], [sflag:$0x2] =	stream.linear.gather [hbm4b:s18+s4], $0x80, $0x38;
	[tilespmem:$0x1E600] =	vst v63  }
0x29: {  	_ =	swait.ge [sflag:s21], $0x80  }
0x2a: {  	[sflag:s21] =	ssyncset.done $0x0  }
0x2b: {  	s20 =	rddreg [dreg:$0x9];
	[sflag:s21] =	ssyncadd.s32 $0xFFFFFF80  }
0x2c: {  	[tilespmem:s13], [sflag:$0x2] =	stream.linear.gather [hbm4b:s20+s4], $0x2800, $0x38;
	[tilespmem:$0x1E600] =	vst v63  }
0x2d: {  	_ =	swait.ge [sflag:s21], $0x2800  }
0x2e: {  	s24 =	rddreg [dreg:$0xb]  }
0x2f: {  	[sflag:s21] =	ssyncset.done $0x0;
	s26 =	rddreg [dreg:$0xa];
	s25 =	sshrl.u32 s24, $0x3  }
0x30: {  	[sflag:s21] =	ssyncadd.s32 $0xFFFFD800;
	[dreg:$0x11] =	wrdreg s25  }
0x31: {  	[spmem:s25], [sflag:s12] =	dma.local [hbm:s26], $0x2800  }
0x32: {  	_ =	swait.ge [sflag:s21], $0x2800  }
0x33: {  	[sflag:s21] =	ssyncset.done $0x0  }
0x34: {  	[sflag:s21] =	ssyncadd.s32 $0xFFFFD800  }
0x35: {  	[bflag:$0x0] =	sbarrier.arrive $0xFFFF  }
0x36: {  	v0 =	vld [tilespmem:$0xA480]  }
0x37: {  	v1 =	vld [tilespmem:$0xA490]  }
0x38: {  	v2 =	vld [tilespmem:$0xA4A0]  }
0x39: {  	v3 =	vld [tilespmem:$0xA4B0]  }
0x3a: {  	v4 =	vld [tilespmem:$0xA500]  }
0x3b: {  	v5 =	vld [tilespmem:$0xA510]  }
0x3c: {  	v6 =	vld [tilespmem:$0xA520]  }
0x3d: {  	v7 =	vld [tilespmem:$0xA530]  }
0x3e: {  	v8 =	vld [tilespmem:$0xA580]  }
0x3f: {  	v9 =	vld [tilespmem:$0xA590]  }
0x40: {  	v10 =	vld [tilespmem:$0xA5A0]  }
0x41: {  	s26 =	simm.s32 $0x0;
	v11 =	vld [tilespmem:$0xA5B0]  }
.LBB2_2:
0x42: {  	s17 =	smul.u32 $0x50, s26;
	_ =	sdelay $0x1  }
0x43: {  	s17 =	sadd.s32 s16, s17  }
0x44: {  	s5 =	rddreg [dreg:$0x6];
	s17 =	sshrl.u32 s17, $0x3  }
0x45: {  	s18 =	sadd.s32 s5, s17  }
0x46: {  	[tilespmem:s28], [sflag:$0x1] =	stream.linear.gather [hbm4b:s18+s4], $0x50, $0x38;
	[tilespmem:$0x1E600] =	vst v63  }
0x47: {  	s17 =	sadd.s32 s9, s17  }
0x48: {  	[tilespmem:s29], [sflag:$0x1] =	stream.linear.gather [hbm4b:s17+s4], $0x50, $0x38;
	[tilespmem:$0x1E600] =	vst v63  }
0x49: {  	_ = 	snop  }
0x4a: {  	[tilespmem:s30], [sflag:$0x1] =	stream.linear.gather [hbm4b:s18+s4], $0x60, $0x38;
	[tilespmem:$0x1E600] =	vst v63  }
0x4b: {  	_ = 	snop  }
0x4c: {  	[tilespmem:s31], [sflag:$0x1] =	stream.linear.gather [hbm4b:s17+s4], $0x60, $0x38;
	[tilespmem:$0x1E600] =	vst v63  }
0x4d: {  	_ =	swait.ge [sflag:s0], $0x50  }
0x4e: {  	[sflag:s0] =	ssyncset.done $0x0  }
0x4f: {  	[sflag:s0] =	ssyncadd.s32 $0xFFFFFFB0  }
0x50: {  	_ =	swait.ge [sflag:s0], $0x50  }
0x51: {  	[sflag:s0] =	ssyncset.done $0x0  }
0x52: {  	[sflag:s0] =	ssyncadd.s32 $0xFFFFFFB0  }
0x53: {  	_ =	swait.ge [sflag:s0], $0x60  }
0x54: {  	[sflag:s0] =	ssyncset.done $0x0  }
0x55: {  	[sflag:s0] =	ssyncadd.s32 $0xFFFFFFA0  }
0x56: {  	_ =	swait.ge [sflag:s0], $0x60  }
0x57: {  	[sflag:s0] =	ssyncset.done $0x0  }
0x58: {  	[sflag:s0] =	ssyncadd.s32 $0xFFFFFFA0  }
0x59: {  	[tilespmem:s2], [sflag:$0x1] =	stream.indirect.gather [hbm4b:s1+s6], $0x80, s28, s6, $0xb8;
	[tilespmem:$0x1E600] =	vst v63  }
0x5a: {  	_ = 	snop  }
0x5b: {  	[tilespmem:s22], [sflag:$0x1] =	stream.indirect.gather [hbm4b:s1+s6], $0x80, s29, s6, $0xb8;
	[tilespmem:$0x1E600] =	vst v63  }
0x5c: {  	v12 =	vld [tilespmem:$0x5100]  }
0x5d: {  	v13 =	vld [tilespmem:$0x5180]  }
0x5e: {  	v14 =	vld [tilespmem:$0x5110]  }
0x5f: {  	v15 =	vld [tilespmem:$0x5190]  }
0x60: {  	v16 =	vld [tilespmem:$0x5120]  }
0x61: {  	v18 =	vld [tilespmem:$0x51A0];
	v17 =	vmul.u32 $0x2710, v12  }
0x62: {  	v20 =	vld [tilespmem:$0x5130];
	v19 =	vmul.u32 $0x2710, v13  }
0x63: {  	v21 =	vld [tilespmem:$0x51B0];
	v40 =	vmul.u32 $0x2710, v14;
	v13 =	vadd.s32 v13, v17  }
0x64: {  	v42 =	vld [tilespmem:$0x5140];
	v41 =	vmul.u32 $0x2710, v15;
	v12 =	vadd.s32 v12, v19;
	[tilespmem:$0x5200] =	vst v13  }
0x65: {  	v45 =	vld [tilespmem:$0x51C0];
	v44 =	vmul.u32 $0x2710, v16;
	v43 =	vadd.s32 v15, v40;
	[tilespmem:$0x5280] =	vst v12  }
0x66: {  	v48 =	vld [tilespmem:$0x5150];
	v47 =	vmul.u32 $0x2710, v18;
	v46 =	vadd.s32 v14, v41;
	[tilespmem:$0x5210] =	vst v43  }
0x67: {  	v51 =	vld [tilespmem:$0x51D0];
	v50 =	vmul.u32 $0x2710, v20;
	v49 =	vadd.s32 v18, v44;
	[tilespmem:$0x5290] =	vst v46  }
0x68: {  	v53 =	vmul.u32 $0x2710, v21;
	v52 =	vadd.s32 v16, v47;
	[tilespmem:$0x5220] =	vst v49  }
0x69: {  	v55 =	vmul.u32 $0x2710, v42;
	v54 =	vadd.s32 v21, v50;
	[tilespmem:$0x52A0] =	vst v52  }
0x6a: {  	v57 =	vmul.u32 $0x2710, v45;
	v56 =	vadd.s32 v20, v53;
	[tilespmem:$0x5230] =	vst v54  }
0x6b: {  	v59 =	vmul.u32 $0x2710, v48;
	v58 =	vadd.s32 v45, v55;
	[tilespmem:$0x52B0] =	vst v56  }
0x6c: {  	v61 =	vmul.u32 $0x2710, v51;
	v60 =	vadd.s32 v42, v57;
	[tilespmem:$0x5240] =	vst v58  }
0x6d: {  	v62 =	vadd.s32 v51, v59;
	[tilespmem:$0x52C0] =	vst v60  }
0x6e: {  	v63 =	vadd.s32 v48, v61;
	[tilespmem:$0x5250] =	vst v62  }
0x6f: {  	s20 =	simm.s32 $0x5200;
	s8 =	simm.s32 $0x5300;
	[tilespmem:$0x52D0] =	vst v63  }
0x70: {  	[tilespmem:s8], [sflag:$0x1] =	stream.indirect.gather [hbm4b:s7+s23], $0x1, s20, s23, $0xb8;
	[tilespmem:$0x1E600] =	vst v63  }
0x71: {  	s24 =	simm.s32 $0x5280;
	s25 =	simm.s32 $0x5380  }
0x72: {  	[tilespmem:s25], [sflag:$0x1] =	stream.indirect.gather [hbm4b:s7+s23], $0x1, s24, s23, $0xb8;
	[tilespmem:$0x1E600] =	vst v63  }
0x73: {  	_ =	swait.ge [sflag:s0], $0x2800  }
0x74: {  	[sflag:s0] =	ssyncset.done $0x0  }
0x75: {  	[sflag:s0] =	ssyncadd.s32 $0xFFFFD800  }
0x76: {  	_ =	swait.ge [sflag:s0], $0x2800  }
0x77: {  	[sflag:s0] =	ssyncset.done $0x0  }
0x78: {  	[sflag:s0] =	ssyncadd.s32 $0xFFFFD800  }
0x79: {  	_ =	swait.ge [sflag:s0], $0x60  }
0x7a: {  	[sflag:s0] =	ssyncset.done $0x0  }
0x7b: {  	[sflag:s0] =	ssyncadd.s32 $0xFFFFFFA0  }
0x7c: {  	_ =	swait.ge [sflag:s0], $0x60  }
0x7d: {  	s19 =	simm.s32 $0x7C80;
	[sflag:s0] =	ssyncset.done $0x0  }
0x7e: {  	s18 =	simm.s32 $0x5480;
	s17 =	simm.s32 $0x4;
	[sflag:s0] =	ssyncadd.s32 $0xFFFFFFA0  }
.LBB2_3:
0x7f: {  	v12 =	vld [tilespmem:s18+$0xFFFFFF80]  }
0x80: {  	v13 =	vld [tilespmem:s19+$0xFFFFFF80]  }
0x81: {  	v14 =	vld [tilespmem:s18+$0xFFFFFF90]  }
0x82: {  	v15 =	vld [tilespmem:s19+$0xFFFFFF90]  }
0x83: {  	v16 =	vld [tilespmem:s18+$0xFFFFFFA0]  }
0x84: {  	v17 =	vld [tilespmem:s19+$0xFFFFFFA0]  }
0x85: {  	v18 =	vld [tilespmem:s18+$0xFFFFFFB0]  }
0x86: {  	v19 =	vld [tilespmem:s19+$0xFFFFFFB0]  }
0x87: {  	v49 =	vld [tilespmem:s18+$0xFFFFFFC0];
	v12 =	vmul.f32 v13, v12;
	v48 =	vmul.f32 v15, v14  }
0x88: {  	v50 =	vld [tilespmem:s19+$0xFFFFFFC0]  }
0x89: {  	v52 =	vld [tilespmem:s18+$0xFFFFFFD0];
	v51 =	vmul.f32 v17, v16;
	v12 =	vadd.f32 v48, v12  }
0x8a: {  	v53 =	vld [tilespmem:s19+$0xFFFFFFD0]  }
0x8b: {  	v55 =	vld [tilespmem:s18+$0xFFFFFFE0];
	v54 =	vmul.f32 v19, v18;
	v12 =	vadd.f32 v51, v12  }
0x8c: {  	v56 =	vld [tilespmem:s19+$0xFFFFFFE0]  }
0x8d: {  	v58 =	vld [tilespmem:s18+$0xFFFFFFF0];
	v57 =	vmul.f32 v50, v49;
	v12 =	vadd.f32 v54, v12  }
0x8e: {  	v59 =	vld [tilespmem:s19+$0xFFFFFFF0]  }
0x8f: {  	v60 =	vmul.f32 v53, v52;
	v12 =	vadd.f32 v57, v12;
	_ =	sdelay $0x1  }
0x90: {  	v61 =	vmul.f32 v56, v55;
	v12 =	vadd.f32 v60, v12;
	_ =	sdelay $0x1  }
0x91: {  	v62 =	vmul.f32 v59, v58;
	v12 =	vadd.f32 v61, v12;
	_ =	sdelay $0x1  }
0x92: {  	v12 =	vadd.f32 v62, v12;
	_ =	sdelay $0x1  }
0x93: {  	[tilespmem:$0xA400] =	vst v12  }
0x94: {  	v63 =	vld [tilespmem:$0xA408];
	_ =	sdelay $0x4  }
0x95: {  	v12 =	vadd.f32 v63, v12;
	_ =	sdelay $0x1  }
0x96: {  	[tilespmem:$0xA400] =	vst v12  }
0x97: {  	v16 =	vld [tilespmem:$0xA404];
	_ =	sdelay $0x4  }
0x98: {  	v12 =	vadd.f32 v16, v12;
	_ =	sdelay $0x1  }
0x99: {  	[tilespmem:$0xA400] =	vst v12  }
0x9a: {  	v17 =	vld [tilespmem:$0xA402];
	_ =	sdelay $0x4  }
0x9b: {  	v12 =	vadd.f32 v17, v12;
	_ =	sdelay $0x1  }
0x9c: {  	[tilespmem:$0xA400] =	vst v12  }
0x9d: {  	s20 =	sshra.s32 s17, $0x2;
	v18 =	vld [tilespmem:$0xA401]  }
0x9e: {  	v19 =	vld [tilespmem:s20+$0x50FF]  }
0x9f: {  	v20 =	vld [tilespmem:s20+$0x517F];
	_ =	sdelay $0x1  }
0xa0: {  	(v2sf) =	vpush v12, $0x0  }
0xa1: {  	(v2sf) =	vpush v18, $0x0  }
0xa2: {  	(v2sf) =	vpush v19, $0x0  }
0xa3: {  	(v2sf) =	vpush v20, $0x0;
	_ =	sdelay $0xb  }
0xa4: {  	s25 =	spop (v2sf)  }
0xa5: {  	s15 =	spop (v2sf)  }
0xa6: {  	s14 =	spop (v2sf)  }
0xa7: {  	s24 =	spop (v2sf);
	v21 =	vld [tilespmem:s14+$0x0]  }
0xa8: {  	v22 =	vld [tilespmem:s24+$0x0]  }
0xa9: {  	v23 =	vld [tilespmem:s20+$0x52FF]  }
0xaa: {  	v24 =	vld [tilespmem:s20+$0x537F];
	_ =	sdelay $0x1  }
0xab: {  	(v2sf) =	vpush v21, $0x0  }
0xac: {  	(v2sf) =	vpush v22, $0x0  }
0xad: {  	(v2sf) =	vpush v23, $0x0  }
0xae: {  	(v2sf) =	vpush v24, $0x0;
	_ =	sdelay $0xb  }
0xaf: {  	s5 =	spop (v2sf)  }
0xb0: {  	s12 =	spop (v2sf)  }
0xb1: {  	s13 =	spop (v2sf)  }
0xb2: {  	s8 =	spop (v2sf)  }
0xb3: {  	s8 =	sadd.f32 s8, s13;
	_ =	sdelay $0x1  }
0xb4: {  	s15 =	sadd.f32 s15, s25;
	s8 =	smul.f32 $5.000000000e-01, s8  }
0xb5: {  	_ = 	snop  }
0xb6: {  	s13 =	smul.f32 s8, s15  }
0xb7: {  	v25 =	vld [tilespmem:s14+$0x2800]  }
0xb8: {  	s25 =	smul.f32 s13, s12;
	_ =	sdelay $0x1  }
0xb9: {  	v26 =	vmov s25  }
0xba: {  	v13 =	vnsel vm0, $0x0, v26  }
0xbb: {  	v12 =	vadd.f32 v13, v25;
	_ =	sdelay $0x1  }
0xbc: {  	[tilespmem:s14+$0x2800] =	vst v12  }
0xbd: {  	v12 =	vld [tilespmem:s24+$0x2800]  }
0xbe: {  	s13 =	smul.f32 s13, s5;
	_ =	sdelay $0x1  }
0xbf: {  	v27 =	vmov s13  }
0xc0: {  	v13 =	vnsel vm0, $0x0, v27  }
0xc1: {  	v12 =	vadd.f32 v13, v12;
	_ =	sdelay $0x1  }
0xc2: {  	s5 =	smul.f32 s12, s5;
	[tilespmem:s24+$0x2800] =	vst v12  }
0xc3: {  	v12 =	vld [tilespmem:s19+$0xFFFFFF80]  }
0xc4: {  	s5 =	ssub.f32 $0.0e+00, s5;
	_ =	sdelay $0x1  }
0xc5: {  	s5 =	smul.f32 s8, s5;
	_ =	sdelay $0x1  }
0xc6: {  	v12 =	vmul.f32 s5, v12;
	_ =	sdelay $0x1  }
0xc7: {  	[tilespmem:s19+$0xFFFFFF80] =	vst v12  }
0xc8: {  	v12 =	vld [tilespmem:s18+$0xFFFFFF80];
	_ =	sdelay $0x4  }
0xc9: {  	v12 =	vmul.f32 s5, v12;
	_ =	sdelay $0x1  }
0xca: {  	[tilespmem:s18+$0xFFFFFF80] =	vst v12  }
0xcb: {  	v12 =	vld [tilespmem:s19+$0xFFFFFF90];
	_ =	sdelay $0x4  }
0xcc: {  	v12 =	vmul.f32 s5, v12;
	_ =	sdelay $0x1  }
0xcd: {  	[tilespmem:s19+$0xFFFFFF90] =	vst v12  }
0xce: {  	v12 =	vld [tilespmem:s18+$0xFFFFFF90];
	_ =	sdelay $0x4  }
0xcf: {  	v12 =	vmul.f32 s5, v12;
	_ =	sdelay $0x1  }
0xd0: {  	[tilespmem:s18+$0xFFFFFF90] =	vst v12  }
0xd1: {  	v12 =	vld [tilespmem:s19+$0xFFFFFFA0];
	_ =	sdelay $0x4  }
0xd2: {  	v12 =	vmul.f32 s5, v12;
	_ =	sdelay $0x1  }
0xd3: {  	[tilespmem:s19+$0xFFFFFFA0] =	vst v12  }
0xd4: {  	v12 =	vld [tilespmem:s18+$0xFFFFFFA0];
	_ =	sdelay $0x4  }
0xd5: {  	v12 =	vmul.f32 s5, v12;
	_ =	sdelay $0x1  }
0xd6: {  	[tilespmem:s18+$0xFFFFFFA0] =	vst v12  }
0xd7: {  	v12 =	vld [tilespmem:s19+$0xFFFFFFB0];
	_ =	sdelay $0x4  }
0xd8: {  	v12 =	vmul.f32 s5, v12;
	_ =	sdelay $0x1  }
0xd9: {  	[tilespmem:s19+$0xFFFFFFB0] =	vst v12  }
0xda: {  	v12 =	vld [tilespmem:s18+$0xFFFFFFB0];
	_ =	sdelay $0x4  }
0xdb: {  	v12 =	vmul.f32 s5, v12;
	_ =	sdelay $0x1  }
0xdc: {  	[tilespmem:s18+$0xFFFFFFB0] =	vst v12  }
0xdd: {  	v12 =	vld [tilespmem:s19+$0xFFFFFFC0];
	_ =	sdelay $0x4  }
0xde: {  	v12 =	vmul.f32 s5, v12;
	_ =	sdelay $0x1  }
0xdf: {  	[tilespmem:s19+$0xFFFFFFC0] =	vst v12  }
0xe0: {  	v12 =	vld [tilespmem:s18+$0xFFFFFFC0];
	_ =	sdelay $0x4  }
0xe1: {  	v12 =	vmul.f32 s5, v12;
	_ =	sdelay $0x1  }
0xe2: {  	[tilespmem:s18+$0xFFFFFFC0] =	vst v12  }
0xe3: {  	v12 =	vld [tilespmem:s19+$0xFFFFFFD0];
	_ =	sdelay $0x4  }
0xe4: {  	v12 =	vmul.f32 s5, v12;
	_ =	sdelay $0x1  }
0xe5: {  	[tilespmem:s19+$0xFFFFFFD0] =	vst v12  }
0xe6: {  	v12 =	vld [tilespmem:s18+$0xFFFFFFD0];
	_ =	sdelay $0x4  }
0xe7: {  	v12 =	vmul.f32 s5, v12;
	_ =	sdelay $0x1  }
0xe8: {  	[tilespmem:s18+$0xFFFFFFD0] =	vst v12  }
0xe9: {  	v12 =	vld [tilespmem:s19+$0xFFFFFFE0];
	_ =	sdelay $0x4  }
0xea: {  	v12 =	vmul.f32 s5, v12;
	_ =	sdelay $0x1  }
0xeb: {  	[tilespmem:s19+$0xFFFFFFE0] =	vst v12  }
0xec: {  	v12 =	vld [tilespmem:s18+$0xFFFFFFE0];
	_ =	sdelay $0x4  }
0xed: {  	v12 =	vmul.f32 s5, v12;
	_ =	sdelay $0x1  }
0xee: {  	[tilespmem:s18+$0xFFFFFFE0] =	vst v12  }
0xef: {  	v12 =	vld [tilespmem:s19+$0xFFFFFFF0];
	_ =	sdelay $0x4  }
0xf0: {  	v12 =	vmul.f32 s5, v12;
	_ =	sdelay $0x1  }
0xf1: {  	[tilespmem:s19+$0xFFFFFFF0] =	vst v12  }
0xf2: {  	v12 =	vld [tilespmem:s18+$0xFFFFFFF0];
	_ =	sdelay $0x4  }
0xf3: {  	v12 =	vmul.f32 s5, v12  }
0xf4: {  	v28 =	vld [tilespmem:s18+$0x0]  }
0xf5: {  	v30 =	vld [tilespmem:s18+$0x10];
	[tilespmem:s18+$0xFFFFFFF0] =	vst v12  }
0xf6: {  	v29 =	vld [tilespmem:s19+$0x0]  }
0xf7: {  	v31 =	vld [tilespmem:s19+$0x10]  }
0xf8: {  	v32 =	vld [tilespmem:s18+$0x20]  }
0xf9: {  	v33 =	vld [tilespmem:s19+$0x20]  }
0xfa: {  	v34 =	vld [tilespmem:s18+$0x30]  }
0xfb: {  	v35 =	vld [tilespmem:s19+$0x30]  }
0xfc: {  	v37 =	vld [tilespmem:s18+$0x40];
	v12 =	vmul.f32 v29, v28;
	v36 =	vmul.f32 v31, v30  }
0xfd: {  	v38 =	vld [tilespmem:s19+$0x40]  }
0xfe: {  	v40 =	vld [tilespmem:s18+$0x50];
	v39 =	vmul.f32 v33, v32;
	v12 =	vadd.f32 v36, v12  }
0xff: {  	v41 =	vld [tilespmem:s19+$0x50]  }
0x100: {  	v43 =	vld [tilespmem:s18+$0x60];
	v42 =	vmul.f32 v35, v34;
	v12 =	vadd.f32 v39, v12  }
0x101: {  	v44 =	vld [tilespmem:s19+$0x60]  }
0x102: {  	v46 =	vld [tilespmem:s18+$0x70];
	v45 =	vmul.f32 v38, v37;
	v12 =	vadd.f32 v42, v12  }
0x103: {  	v47 =	vld [tilespmem:s19+$0x70]  }
0x104: {  	v48 =	vmul.f32 v41, v40;
	v12 =	vadd.f32 v45, v12;
	_ =	sdelay $0x1  }
0x105: {  	v49 =	vmul.f32 v44, v43;
	v12 =	vadd.f32 v48, v12;
	_ =	sdelay $0x1  }
0x106: {  	v50 =	vmul.f32 v47, v46;
	v12 =	vadd.f32 v49, v12;
	_ =	sdelay $0x1  }
0x107: {  	v12 =	vadd.f32 v50, v12;
	_ =	sdelay $0x1  }
0x108: {  	[tilespmem:$0xA420] =	vst v12  }
0x109: {  	v51 =	vld [tilespmem:$0xA428];
	_ =	sdelay $0x4  }
0x10a: {  	v12 =	vadd.f32 v51, v12;
	_ =	sdelay $0x1  }
0x10b: {  	[tilespmem:$0xA420] =	vst v12  }
0x10c: {  	v52 =	vld [tilespmem:$0xA424];
	_ =	sdelay $0x4  }
0x10d: {  	v12 =	vadd.f32 v52, v12;
	_ =	sdelay $0x1  }
0x10e: {  	[tilespmem:$0xA420] =	vst v12  }
0x10f: {  	v53 =	vld [tilespmem:$0xA422];
	_ =	sdelay $0x4  }
0x110: {  	v12 =	vadd.f32 v53, v12;
	_ =	sdelay $0x1  }
0x111: {  	[tilespmem:$0xA420] =	vst v12  }
0x112: {  	v54 =	vld [tilespmem:$0xA421]  }
0x113: {  	v55 =	vld [tilespmem:s20+$0x5100]  }
0x114: {  	v56 =	vld [tilespmem:s20+$0x5180];
	_ =	sdelay $0x1  }
0x115: {  	(v2sf) =	vpush v12, $0x0  }
0x116: {  	(v2sf) =	vpush v54, $0x0  }
0x117: {  	(v2sf) =	vpush v55, $0x0  }
0x118: {  	(v2sf) =	vpush v56, $0x0;
	_ =	sdelay $0xb  }
0x119: {  	s5 =	spop (v2sf)  }
0x11a: {  	s8 =	spop (v2sf)  }
0x11b: {  	s12 =	spop (v2sf)  }
0x11c: {  	s13 =	spop (v2sf);
	v57 =	vld [tilespmem:s12+$0x0]  }
0x11d: {  	v58 =	vld [tilespmem:s13+$0x0]  }
0x11e: {  	v59 =	vld [tilespmem:s20+$0x5300]  }
0x11f: {  	v60 =	vld [tilespmem:s20+$0x5380];
	_ =	sdelay $0x1  }
0x120: {  	(v2sf) =	vpush v57, $0x0  }
0x121: {  	(v2sf) =	vpush v58, $0x0  }
0x122: {  	(v2sf) =	vpush v59, $0x0  }
0x123: {  	(v2sf) =	vpush v60, $0x0;
	_ =	sdelay $0xb  }
0x124: {  	s14 =	spop (v2sf)  }
0x125: {  	s15 =	spop (v2sf)  }
0x126: {  	s24 =	spop (v2sf)  }
0x127: {  	s25 =	spop (v2sf)  }
0x128: {  	s20 =	sadd.f32 s25, s24;
	_ =	sdelay $0x1  }
0x129: {  	s5 =	sadd.f32 s8, s5;
	s8 =	smul.f32 $5.000000000e-01, s20  }
0x12a: {  	_ = 	snop  }
0x12b: {  	s5 =	smul.f32 s8, s5  }
0x12c: {  	v61 =	vld [tilespmem:s12+$0x2800]  }
0x12d: {  	s24 =	smul.f32 s5, s15;
	_ =	sdelay $0x1  }
0x12e: {  	v62 =	vmov s24  }
0x12f: {  	v13 =	vnsel vm0, $0x0, v62  }
0x130: {  	v12 =	vadd.f32 v13, v61;
	_ =	sdelay $0x1  }
0x131: {  	[tilespmem:s12+$0x2800] =	vst v12  }
0x132: {  	v12 =	vld [tilespmem:s13+$0x2800]  }
0x133: {  	s5 =	smul.f32 s5, s14;
	_ =	sdelay $0x1  }
0x134: {  	v63 =	vmov s5  }
0x135: {  	v13 =	vnsel vm0, $0x0, v63  }
0x136: {  	v12 =	vadd.f32 v13, v12;
	_ =	sdelay $0x1  }
0x137: {  	s25 =	smul.f32 s15, s14;
	[tilespmem:s13+$0x2800] =	vst v12  }
0x138: {  	v12 =	vld [tilespmem:s19+$0x0]  }
0x139: {  	s5 =	ssub.f32 $0.0e+00, s25;
	_ =	sdelay $0x1  }
0x13a: {  	s5 =	smul.f32 s8, s5;
	_ =	sdelay $0x1  }
0x13b: {  	v12 =	vmul.f32 s5, v12;
	_ =	sdelay $0x1  }
0x13c: {  	[tilespmem:s19+$0x0] =	vst v12  }
0x13d: {  	v12 =	vld [tilespmem:s18+$0x0];
	_ =	sdelay $0x4  }
0x13e: {  	v12 =	vmul.f32 s5, v12;
	_ =	sdelay $0x1  }
0x13f: {  	[tilespmem:s18+$0x0] =	vst v12  }
0x140: {  	v12 =	vld [tilespmem:s19+$0x10];
	_ =	sdelay $0x4  }
0x141: {  	v12 =	vmul.f32 s5, v12;
	_ =	sdelay $0x1  }
0x142: {  	[tilespmem:s19+$0x10] =	vst v12  }
0x143: {  	v12 =	vld [tilespmem:s18+$0x10];
	_ =	sdelay $0x4  }
0x144: {  	v12 =	vmul.f32 s5, v12;
	_ =	sdelay $0x1  }
0x145: {  	[tilespmem:s18+$0x10] =	vst v12  }
0x146: {  	v12 =	vld [tilespmem:s19+$0x20];
	_ =	sdelay $0x4  }
0x147: {  	v12 =	vmul.f32 s5, v12;
	_ =	sdelay $0x1  }
0x148: {  	[tilespmem:s19+$0x20] =	vst v12  }
0x149: {  	v12 =	vld [tilespmem:s18+$0x20];
	_ =	sdelay $0x4  }
0x14a: {  	v12 =	vmul.f32 s5, v12;
	_ =	sdelay $0x1  }
0x14b: {  	[tilespmem:s18+$0x20] =	vst v12  }
0x14c: {  	v12 =	vld [tilespmem:s19+$0x30];
	_ =	sdelay $0x4  }
0x14d: {  	v12 =	vmul.f32 s5, v12;
	_ =	sdelay $0x1  }
0x14e: {  	[tilespmem:s19+$0x30] =	vst v12  }
0x14f: {  	v12 =	vld [tilespmem:s18+$0x30];
	_ =	sdelay $0x4  }
0x150: {  	v12 =	vmul.f32 s5, v12;
	_ =	sdelay $0x1  }
0x151: {  	[tilespmem:s18+$0x30] =	vst v12  }
0x152: {  	v12 =	vld [tilespmem:s19+$0x40];
	_ =	sdelay $0x4  }
0x153: {  	v12 =	vmul.f32 s5, v12;
	_ =	sdelay $0x1  }
0x154: {  	[tilespmem:s19+$0x40] =	vst v12  }
0x155: {  	v12 =	vld [tilespmem:s18+$0x40];
	_ =	sdelay $0x4  }
0x156: {  	v12 =	vmul.f32 s5, v12;
	_ =	sdelay $0x1  }
0x157: {  	[tilespmem:s18+$0x40] =	vst v12  }
0x158: {  	v12 =	vld [tilespmem:s19+$0x50];
	_ =	sdelay $0x4  }
0x159: {  	v12 =	vmul.f32 s5, v12;
	_ =	sdelay $0x1  }
0x15a: {  	[tilespmem:s19+$0x50] =	vst v12  }
0x15b: {  	v12 =	vld [tilespmem:s18+$0x50];
	_ =	sdelay $0x4  }
0x15c: {  	v12 =	vmul.f32 s5, v12;
	_ =	sdelay $0x1  }
0x15d: {  	[tilespmem:s18+$0x50] =	vst v12  }
0x15e: {  	v12 =	vld [tilespmem:s19+$0x60];
	_ =	sdelay $0x4  }
0x15f: {  	v12 =	vmul.f32 s5, v12;
	_ =	sdelay $0x1  }
0x160: {  	[tilespmem:s19+$0x60] =	vst v12  }
0x161: {  	v12 =	vld [tilespmem:s18+$0x60];
	_ =	sdelay $0x4  }
0x162: {  	v12 =	vmul.f32 s5, v12;
	_ =	sdelay $0x1  }
0x163: {  	[tilespmem:s18+$0x60] =	vst v12  }
0x164: {  	v12 =	vld [tilespmem:s19+$0x70];
	_ =	sdelay $0x4  }
0x165: {  	v12 =	vmul.f32 s5, v12;
	_ =	sdelay $0x1  }
0x166: {  	[tilespmem:s19+$0x70] =	vst v12  }
0x167: {  	v12 =	vld [tilespmem:s18+$0x70];
	_ =	sdelay $0x1  }
0x168: {  	p0 =	sne.s32 s17, $0x13C  }
.Ltmp0:
0x169: {  	_ = 	snop;
	(pc) =	sbr.rel @p0 .LBB2_3-.Ltmp0, $3  }
0x16a: {  	_ = 	snop  }
0x16b: {  	v12 =	vmul.f32 s5, v12;
	_ =	sdelay $0x1  }
0x16c: {  	s17 =	sadd.s32 $0x8, s17;
	s19 =	sadd.s32 $0x100, s19;
	[tilespmem:s18+$0x70] =	vst v12;
	s18 =	sadd.s32 $0x100, s18  }
0x16d: {  	[spmem:s3] =	stream.indirect.scatter.add.f32 [tilespmem:s22], [sflag:$0x2], $0x80, s28, s6, $0xb8;
	[tilespmem:$0x1E600] =	vst v63  }
0x16e: {  	s26 =	sadd.s32 $0x1, s26;
	_ =	swait.ge [sflag:s21], $0x2800  }
0x16f: {  	p0 =	sne.s32 s26, $0x7D;
	[sflag:s21] =	ssyncset.done $0x0  }
.Ltmp1:
0x170: {  	[sflag:s21] =	ssyncadd.s32 $0xFFFFD800;
	(pc) =	sbr.rel @p0 .LBB2_2-.Ltmp1, $4  }
0x171: {  	[spmem:s3] =	stream.indirect.scatter.add.f32 [tilespmem:s2], [sflag:$0x2], $0x80, s29, s6, $0xb8;
	[tilespmem:$0x1E600] =	vst v63  }
0x172: {  	_ =	swait.ge [sflag:s21], $0x2800  }
0x173: {  	[sflag:s21] =	ssyncset.done $0x0  }
0x174: {  	[sflag:s21] =	ssyncadd.s32 $0xFFFFD800  }
0x175: {  	s26 =	simm.s32 $0x0;
	s12 =	rddreg [dreg:$0xf];
	s13 =	simm.s32 $0x2800  }
.LBB2_6:
0x176: {  	s5 =	smul.u32 $0x50, s26;
	_ =	sdelay $0x1  }
0x177: {  	s5 =	sadd.s32 s16, s5  }
0x178: {  	s5 =	sshrl.u32 s5, $0x3  }
0x179: {  	s8 =	sadd.s32 s10, s5  }
0x17a: {  	[tilespmem:s28], [sflag:$0x1] =	stream.linear.gather [hbm4b:s8+s4], $0x50, $0x38;
	[tilespmem:$0x1E600] =	vst v63  }
0x17b: {  	s5 =	sadd.s32 s11, s5  }
0x17c: {  	[tilespmem:s29], [sflag:$0x1] =	stream.linear.gather [hbm4b:s5+s4], $0x50, $0x38;
	[tilespmem:$0x1E600] =	vst v63  }
0x17d: {  	_ = 	snop  }
0x17e: {  	[tilespmem:s30], [sflag:$0x1] =	stream.linear.gather [hbm4b:s8+s4], $0x60, $0x38;
	[tilespmem:$0x1E600] =	vst v63  }
0x17f: {  	_ = 	snop  }
0x180: {  	[tilespmem:s31], [sflag:$0x1] =	stream.linear.gather [hbm4b:s5+s4], $0x60, $0x38;
	[tilespmem:$0x1E600] =	vst v63  }
0x181: {  	_ =	swait.ge [sflag:s0], $0x50  }
0x182: {  	[sflag:s0] =	ssyncset.done $0x0  }
0x183: {  	[sflag:s0] =	ssyncadd.s32 $0xFFFFFFB0  }
0x184: {  	_ =	swait.ge [sflag:s0], $0x50  }
0x185: {  	[sflag:s0] =	ssyncset.done $0x0  }
0x186: {  	[sflag:s0] =	ssyncadd.s32 $0xFFFFFFB0  }
0x187: {  	_ =	swait.ge [sflag:s0], $0x60  }
0x188: {  	[sflag:s0] =	ssyncset.done $0x0  }
0x189: {  	[sflag:s0] =	ssyncadd.s32 $0xFFFFFFA0  }
0x18a: {  	_ =	swait.ge [sflag:s0], $0x60  }
0x18b: {  	[sflag:s0] =	ssyncset.done $0x0  }
0x18c: {  	[sflag:s0] =	ssyncadd.s32 $0xFFFFFFA0  }
0x18d: {  	[tilespmem:s2], [sflag:$0x1] =	stream.indirect.gather [hbm4b:s1+s6], $0x80, s28, s6, $0xb8;
	[tilespmem:$0x1E600] =	vst v63  }
0x18e: {  	_ = 	snop  }
0x18f: {  	[tilespmem:s22], [sflag:$0x1] =	stream.indirect.gather [hbm4b:s1+s6], $0x80, s29, s6, $0xb8;
	[tilespmem:$0x1E600] =	vst v63  }
0x190: {  	_ =	swait.ge [sflag:s0], $0x2800  }
0x191: {  	[sflag:s0] =	ssyncset.done $0x0  }
0x192: {  	[sflag:s0] =	ssyncadd.s32 $0xFFFFD800  }
0x193: {  	_ =	swait.ge [sflag:s0], $0x2800  }
0x194: {  	[sflag:s0] =	ssyncset.done $0x0  }
0x195: {  	s17 =	simm.s32 $0x3C0;
	[sflag:s0] =	ssyncadd.s32 $0xFFFFD800  }
.LBB2_7:
0x196: {  	s18 =	sshra.s32 s17, $0x2  }
0x197: {  	v12 =	vld [tilespmem:s18+$0x5310]  }
0x198: {  	v13 =	vld [tilespmem:s18+$0x7B10]  }
0x199: {  	v14 =	vld [tilespmem:s18+$0x5320]  }
0x19a: {  	v15 =	vld [tilespmem:s18+$0x7B20]  }
0x19b: {  	v16 =	vld [tilespmem:s18+$0x5330]  }
0x19c: {  	v17 =	vld [tilespmem:s18+$0x7B30]  }
0x19d: {  	v18 =	vld [tilespmem:s18+$0x5340]  }
0x19e: {  	v19 =	vld [tilespmem:s18+$0x7B40]  }
0x19f: {  	v53 =	vld [tilespmem:s18+$0x5350];
	v12 =	vmul.f32 v13, v12;
	v52 =	vmul.f32 v15, v14  }
0x1a0: {  	v54 =	vld [tilespmem:s18+$0x7B50]  }
0x1a1: {  	v56 =	vld [tilespmem:s18+$0x5360];
	v55 =	vmul.f32 v17, v16;
	v12 =	vadd.f32 v52, v12  }
0x1a2: {  	v57 =	vld [tilespmem:s18+$0x7B60]  }
0x1a3: {  	v59 =	vld [tilespmem:s18+$0x5370];
	v58 =	vmul.f32 v19, v18;
	v12 =	vadd.f32 v55, v12  }
0x1a4: {  	v60 =	vld [tilespmem:s18+$0x7B70]  }
0x1a5: {  	v62 =	vld [tilespmem:s18+$0x5380];
	v61 =	vmul.f32 v54, v53;
	v12 =	vadd.f32 v58, v12  }
0x1a6: {  	v63 =	vld [tilespmem:s18+$0x7B80]  }
0x1a7: {  	v16 =	vmul.f32 v57, v56;
	v12 =	vadd.f32 v61, v12;
	_ =	sdelay $0x1  }
0x1a8: {  	v17 =	vmul.f32 v60, v59;
	v12 =	vadd.f32 v16, v12;
	_ =	sdelay $0x1  }
0x1a9: {  	v18 =	vmul.f32 v63, v62;
	v12 =	vadd.f32 v17, v12;
	_ =	sdelay $0x1  }
0x1aa: {  	v12 =	vadd.f32 v18, v12;
	_ =	sdelay $0x1  }
0x1ab: {  	[tilespmem:$0xA400] =	vst v12  }
0x1ac: {  	v19 =	vld [tilespmem:$0xA408];
	_ =	sdelay $0x4  }
0x1ad: {  	v12 =	vadd.f32 v19, v12;
	_ =	sdelay $0x1  }
0x1ae: {  	[tilespmem:$0xA400] =	vst v12  }
0x1af: {  	v20 =	vld [tilespmem:$0xA404];
	_ =	sdelay $0x4  }
0x1b0: {  	v12 =	vadd.f32 v20, v12;
	_ =	sdelay $0x1  }
0x1b1: {  	[tilespmem:$0xA400] =	vst v12  }
0x1b2: {  	v21 =	vld [tilespmem:$0xA402];
	_ =	sdelay $0x4  }
0x1b3: {  	v12 =	vadd.f32 v21, v12;
	_ =	sdelay $0x1  }
0x1b4: {  	[tilespmem:$0xA400] =	vst v12  }
0x1b5: {  	v22 =	vld [tilespmem:$0xA401];
	_ =	sdelay $0x3  }
0x1b6: {  	(v2sf) =	vpush v12, $0x0  }
0x1b7: {  	(v2sf) =	vpush v22, $0x0;
	_ =	sdelay $0xd  }
0x1b8: {  	s5 =	spop (v2sf)  }
0x1b9: {  	s8 =	spop (v2sf)  }
0x1ba: {  	s5 =	sadd.f32 s8, s5;
	_ =	sdelay $0x1  }
0x1bb: {  	s5 =	sadd.f32 s5, s5;
	_ =	sdelay $0x1  }
0x1bc: {  	v23 =	vmul.f32 s5, v0;
	_ =	sdelay $0x1  }
0x1bd: {  	v12 =	vadd.f32 v23, v4;
	_ =	sdelay $0x1  }
0x1be: {  	v12 =	vmin.f32 v12, $6.000000000e+01  }
0x1bf: {  	v12 =	vmul.f32 $1.442695020e+00, v12;
	_ =	sdelay $0x1  }
0x1c0: {  	(erf) = vpow2.f32 v12;
	_ =	sdelay $0x5  }
0x1c1: {  	v24 =	vmul.f32 s5, v1;
	_ =	sdelay $0x1  }
0x1c2: {  	v12 =	vadd.f32 v24, v5  }
0x1c3: {  	v25 =	vpop (erf)  }
0x1c4: {  	v12 =	vmin.f32 v12, $6.000000000e+01;
	v26 =	vadd.f32 $1.000000000e+00, v25  }
0x1c5: {  	v12 =	vmul.f32 $1.442695020e+00, v12  }
0x1c6: {  	(erf) = vrcp.f32 v26  }
0x1c7: {  	(erf) = vpow2.f32 v12;
	_ =	sdelay $0x5  }
0x1c8: {  	v27 =	vmul.f32 s5, v2;
	_ =	sdelay $0x1  }
0x1c9: {  	v12 =	vadd.f32 v27, v6;
	v14 =	vpop (erf)  }
0x1ca: {  	v28 =	vpop (erf)  }
0x1cb: {  	v12 =	vmin.f32 v12, $6.000000000e+01;
	v29 =	vadd.f32 $1.000000000e+00, v28  }
0x1cc: {  	v12 =	vmul.f32 $1.442695020e+00, v12  }
0x1cd: {  	(erf) = vrcp.f32 v29  }
0x1ce: {  	(erf) = vpow2.f32 v12;
	_ =	sdelay $0x5  }
0x1cf: {  	v30 =	vmul.f32 s5, v3;
	_ =	sdelay $0x1  }
0x1d0: {  	v12 =	vadd.f32 v30, v7;
	v16 =	vpop (erf)  }
0x1d1: {  	v31 =	vpop (erf)  }
0x1d2: {  	v12 =	vmin.f32 v12, $6.000000000e+01;
	v32 =	vadd.f32 $1.000000000e+00, v31  }
0x1d3: {  	v12 =	vmul.f32 $1.442695020e+00, v12  }
0x1d4: {  	(erf) = vrcp.f32 v32  }
0x1d5: {  	(erf) = vpow2.f32 v12;
	_ =	sdelay $0x7  }
0x1d6: {  	v33 =	vpop (erf)  }
0x1d7: {  	v34 =	vpop (erf)  }
0x1d8: {  	v35 =	vadd.f32 $1.000000000e+00, v34;
	_ =	sdelay $0x1  }
0x1d9: {  	(erf) = vrcp.f32 v35  }
0x1da: {  	v13 =	vadd.f32 $-1.000000000e+00, v25;
	_ =	sdelay $0x1  }
0x1db: {  	v13 =	vmul.f32 v14, v13  }
0x1dc: {  	v36 =	vadd.f32 $-1.000000000e+00, v28  }
0x1dd: {  	v13 =	vmul.f32 v13, v8  }
0x1de: {  	v14 =	vmul.f32 v16, v36;
	v37 =	vadd.f32 $-1.000000000e+00, v31  }
0x1df: {  	v13 =	vadd.f32 $0.0e+00, v13  }
0x1e0: {  	v14 =	vmul.f32 v14, v9;
	v12 =	vmul.f32 v33, v37;
	v38 =	vadd.f32 $-1.000000000e+00, v34  }
0x1e1: {  	v39 =	vpop (erf)  }
0x1e2: {  	v13 =	vadd.f32 v13, v14;
	v12 =	vmul.f32 v12, v10;
	v40 =	vmul.f32 v39, v38;
	_ =	sdelay $0x1  }
0x1e3: {  	v12 =	vadd.f32 v13, v12;
	v41 =	vmul.f32 v40, v11;
	_ =	sdelay $0x1  }
0x1e4: {  	v12 =	vadd.f32 v12, v41;
	_ =	sdelay $0x1  }
0x1e5: {  	[tilespmem:$0xA400] =	vst v12  }
0x1e6: {  	v42 =	vld [tilespmem:$0xA408];
	_ =	sdelay $0x4  }
0x1e7: {  	v12 =	vadd.f32 v12, v42;
	_ =	sdelay $0x1  }
0x1e8: {  	[tilespmem:$0xA400] =	vst v12  }
0x1e9: {  	v43 =	vld [tilespmem:$0xA404];
	_ =	sdelay $0x4  }
0x1ea: {  	v12 =	vadd.f32 v12, v43;
	_ =	sdelay $0x1  }
0x1eb: {  	[tilespmem:$0xA400] =	vst v12  }
0x1ec: {  	v44 =	vld [tilespmem:$0xA402];
	_ =	sdelay $0x4  }
0x1ed: {  	v12 =	vadd.f32 v12, v44;
	_ =	sdelay $0x1  }
0x1ee: {  	[tilespmem:$0xA400] =	vst v12  }
0x1ef: {  	v45 =	vld [tilespmem:$0xA401];
	_ =	sdelay $0x3  }
0x1f0: {  	(v2sf) =	vpush v12, $0x0;
	v46 =	vld [tilespmem:s18+$0x7B10]  }
0x1f1: {  	v47 =	vld [tilespmem:s18+$0x5310];
	(v2sf) =	vpush v45, $0x0  }
0x1f2: {  	v48 =	vld [tilespmem:s18+$0x7B20]  }
0x1f3: {  	v49 =	vld [tilespmem:s18+$0x5320]  }
0x1f4: {  	v50 =	vld [tilespmem:s18+$0x7B30]  }
0x1f5: {  	v51 =	vld [tilespmem:s18+$0x5330]  }
0x1f6: {  	v52 =	vld [tilespmem:s18+$0x7B40]  }
0x1f7: {  	v53 =	vld [tilespmem:s18+$0x5340]  }
0x1f8: {  	v20 =	vld [tilespmem:s18+$0x7B50]  }
0x1f9: {  	v21 =	vld [tilespmem:s18+$0x5350]  }
0x1fa: {  	v22 =	vld [tilespmem:s18+$0x7B60]  }
0x1fb: {  	v23 =	vld [tilespmem:s18+$0x5360]  }
0x1fc: {  	v24 =	vld [tilespmem:s18+$0x7B70]  }
0x1fd: {  	v25 =	vld [tilespmem:s18+$0x5370]  }
0x1fe: {  	v26 =	vld [tilespmem:s18+$0x7B80]  }
0x1ff: {  	v27 =	vld [tilespmem:s18+$0x5390];
	s14 =	spop (v2sf)  }
0x200: {  	v28 =	vld [tilespmem:s18+$0x7B90];
	s15 =	spop (v2sf)  }
0x201: {  	v29 =	vld [tilespmem:s18+$0x53A0];
	s5 =	sadd.f32 s14, s15  }
0x202: {  	v30 =	vld [tilespmem:s18+$0x7BA0]  }
0x203: {  	v31 =	vld [tilespmem:s18+$0x53B0];
	s5 =	smul.f32 $1.000000010e-01, s5  }
0x204: {  	v32 =	vld [tilespmem:s18+$0x7BB0]  }
0x205: {  	v33 =	vld [tilespmem:s18+$0x53C0];
	v12 =	vmul.f32 s5, v46  }
0x206: {  	v54 =	vld [tilespmem:s18+$0x7BC0];
	v27 =	vmul.f32 v28, v27;
	v13 =	vmul.f32 s5, v47  }
0x207: {  	v57 =	vld [tilespmem:s18+$0x53D0];
	v56 =	vmul.f32 v30, v29;
	v55 =	vmul.f32 s5, v48;
	[tilespmem:s18+$0x7B10] =	vst v12  }
0x208: {  	v59 =	vld [tilespmem:s18+$0x7BD0];
	v58 =	vmul.f32 s5, v49;
	[tilespmem:s18+$0x5310] =	vst v13  }
0x209: {  	v63 =	vld [tilespmem:s18+$0x53E0];
	v62 =	vmul.f32 v32, v31;
	v60 =	vadd.f32 v56, v27;
	v61 =	vmul.f32 s5, v50;
	[tilespmem:s18+$0x7B20] =	vst v55  }
0x20a: {  	v31 =	vld [tilespmem:s18+$0x7BE0];
	v30 =	vmul.f32 s5, v51;
	[tilespmem:s18+$0x5320] =	vst v58  }
0x20b: {  	v34 =	vld [tilespmem:s18+$0x53F0];
	v33 =	vmul.f32 v54, v33;
	v32 =	vmul.f32 s5, v52;
	[tilespmem:s18+$0x7B30] =	vst v61;
	v12 =	vadd.f32 v62, v60  }
0x20c: {  	v36 =	vld [tilespmem:s18+$0x7BF0];
	v35 =	vmul.f32 s5, v53;
	[tilespmem:s18+$0x5330] =	vst v30  }
0x20d: {  	v38 =	vld [tilespmem:s18+$0x5400];
	v15 =	vmul.f32 v59, v57;
	v37 =	vmul.f32 s5, v20;
	[tilespmem:s18+$0x7B40] =	vst v32;
	v12 =	vadd.f32 v33, v12  }
0x20e: {  	v40 =	vld [tilespmem:s18+$0x7C00];
	v39 =	vmul.f32 s5, v21;
	[tilespmem:s18+$0x5340] =	vst v35  }
0x20f: {  	v43 =	vld [tilespmem:s18+$0x5380];
	v42 =	vmul.f32 v31, v63;
	v41 =	vmul.f32 s5, v22;
	[tilespmem:s18+$0x7B50] =	vst v37;
	v12 =	vadd.f32 v15, v12  }
0x210: {  	v44 =	vmul.f32 s5, v23;
	[tilespmem:s18+$0x5350] =	vst v39  }
0x211: {  	v45 =	vmul.f32 v36, v34;
	v46 =	vmul.f32 s5, v24;
	[tilespmem:s18+$0x7B60] =	vst v41;
	v12 =	vadd.f32 v42, v12  }
0x212: {  	v47 =	vmul.f32 s5, v25;
	[tilespmem:s18+$0x5360] =	vst v44  }
0x213: {  	v48 =	vmul.f32 s5, v26;
	v49 =	vmul.f32 v40, v38;
	[tilespmem:s18+$0x7B70] =	vst v46;
	v12 =	vadd.f32 v45, v12  }
0x214: {  	v50 =	vmul.f32 s5, v43;
	[tilespmem:s18+$0x5370] =	vst v47  }
0x215: {  	[tilespmem:s18+$0x7B80] =	vst v48;
	v12 =	vadd.f32 v49, v12  }
0x216: {  	[tilespmem:s18+$0x5380] =	vst v50  }
0x217: {  	[tilespmem:$0xA420] =	vst v12  }
0x218: {  	v13 =	vld [tilespmem:$0xA428];
	_ =	sdelay $0x4  }
0x219: {  	v12 =	vadd.f32 v13, v12;
	_ =	sdelay $0x1  }
0x21a: {  	[tilespmem:$0xA420] =	vst v12  }
0x21b: {  	v51 =	vld [tilespmem:$0xA424];
	_ =	sdelay $0x4  }
0x21c: {  	v12 =	vadd.f32 v51, v12;
	_ =	sdelay $0x1  }
0x21d: {  	[tilespmem:$0xA420] =	vst v12  }
0x21e: {  	v52 =	vld [tilespmem:$0xA422];
	_ =	sdelay $0x4  }
0x21f: {  	v12 =	vadd.f32 v52, v12;
	_ =	sdelay $0x1  }
0x220: {  	[tilespmem:$0xA420] =	vst v12  }
0x221: {  	v53 =	vld [tilespmem:$0xA421];
	_ =	sdelay $0x3  }
0x222: {  	(v2sf) =	vpush v12, $0x0  }
0x223: {  	(v2sf) =	vpush v53, $0x0;
	_ =	sdelay $0xd  }
0x224: {  	s19 =	spop (v2sf)  }
0x225: {  	s20 =	spop (v2sf)  }
0x226: {  	s5 =	sadd.f32 s20, s19;
	_ =	sdelay $0x1  }
0x227: {  	s5 =	sadd.f32 s5, s5;
	_ =	sdelay $0x1  }
0x228: {  	v54 =	vmul.f32 s5, v0;
	_ =	sdelay $0x1  }
0x229: {  	v12 =	vadd.f32 v54, v4;
	_ =	sdelay $0x1  }
0x22a: {  	v12 =	vmin.f32 v12, $6.000000000e+01  }
0x22b: {  	v12 =	vmul.f32 $1.442695020e+00, v12;
	_ =	sdelay $0x1  }
0x22c: {  	(erf) = vpow2.f32 v12;
	_ =	sdelay $0x5  }
0x22d: {  	v55 =	vmul.f32 s5, v1;
	_ =	sdelay $0x1  }
0x22e: {  	v12 =	vadd.f32 v55, v5  }
0x22f: {  	v56 =	vpop (erf)  }
0x230: {  	v12 =	vmin.f32 v12, $6.000000000e+01;
	v57 =	vadd.f32 $1.000000000e+00, v56  }
0x231: {  	v12 =	vmul.f32 $1.442695020e+00, v12  }
0x232: {  	(erf) = vrcp.f32 v57  }
0x233: {  	(erf) = vpow2.f32 v12;
	_ =	sdelay $0x5  }
0x234: {  	v58 =	vmul.f32 s5, v2;
	_ =	sdelay $0x1  }
0x235: {  	v12 =	vadd.f32 v58, v6;
	v14 =	vpop (erf)  }
0x236: {  	v59 =	vpop (erf)  }
0x237: {  	v12 =	vmin.f32 v12, $6.000000000e+01;
	v60 =	vadd.f32 $1.000000000e+00, v59  }
0x238: {  	v12 =	vmul.f32 $1.442695020e+00, v12  }
0x239: {  	(erf) = vrcp.f32 v60  }
0x23a: {  	(erf) = vpow2.f32 v12;
	_ =	sdelay $0x5  }
0x23b: {  	v61 =	vmul.f32 s5, v3;
	_ =	sdelay $0x1  }
0x23c: {  	v12 =	vadd.f32 v61, v7;
	v16 =	vpop (erf)  }
0x23d: {  	v62 =	vpop (erf)  }
0x23e: {  	v12 =	vmin.f32 v12, $6.000000000e+01;
	v63 =	vadd.f32 $1.000000000e+00, v62  }
0x23f: {  	v12 =	vmul.f32 $1.442695020e+00, v12  }
0x240: {  	(erf) = vrcp.f32 v63  }
0x241: {  	(erf) = vpow2.f32 v12;
	_ =	sdelay $0x7  }
0x242: {  	v21 =	vpop (erf)  }
0x243: {  	v22 =	vpop (erf)  }
0x244: {  	v23 =	vadd.f32 $1.000000000e+00, v22;
	_ =	sdelay $0x1  }
0x245: {  	(erf) = vrcp.f32 v23  }
0x246: {  	v13 =	vadd.f32 $-1.000000000e+00, v56;
	_ =	sdelay $0x1  }
0x247: {  	v13 =	vmul.f32 v14, v13  }
0x248: {  	v24 =	vadd.f32 $-1.000000000e+00, v59  }
0x249: {  	v13 =	vmul.f32 v13, v8  }
0x24a: {  	v14 =	vmul.f32 v16, v24;
	v25 =	vadd.f32 $-1.000000000e+00, v62  }
0x24b: {  	v13 =	vadd.f32 $0.0e+00, v13  }
0x24c: {  	v14 =	vmul.f32 v14, v9;
	v12 =	vmul.f32 v21, v25;
	v26 =	vadd.f32 $-1.000000000e+00, v22  }
0x24d: {  	v27 =	vpop (erf)  }
0x24e: {  	v13 =	vadd.f32 v13, v14;
	v12 =	vmul.f32 v12, v10;
	v28 =	vmul.f32 v27, v26;
	_ =	sdelay $0x1  }
0x24f: {  	v12 =	vadd.f32 v13, v12;
	v29 =	vmul.f32 v28, v11;
	_ =	sdelay $0x1  }
0x250: {  	v12 =	vadd.f32 v12, v29;
	_ =	sdelay $0x1  }
0x251: {  	[tilespmem:$0xA420] =	vst v12  }
0x252: {  	v30 =	vld [tilespmem:$0xA428];
	_ =	sdelay $0x4  }
0x253: {  	v12 =	vadd.f32 v12, v30;
	_ =	sdelay $0x1  }
0x254: {  	[tilespmem:$0xA420] =	vst v12  }
0x255: {  	v31 =	vld [tilespmem:$0xA424];
	_ =	sdelay $0x4  }
0x256: {  	v12 =	vadd.f32 v12, v31;
	_ =	sdelay $0x1  }
0x257: {  	[tilespmem:$0xA420] =	vst v12  }
0x258: {  	v32 =	vld [tilespmem:$0xA422];
	_ =	sdelay $0x4  }
0x259: {  	v12 =	vadd.f32 v12, v32;
	_ =	sdelay $0x1  }
0x25a: {  	[tilespmem:$0xA420] =	vst v12  }
0x25b: {  	v33 =	vld [tilespmem:$0xA421];
	_ =	sdelay $0x3  }
0x25c: {  	(v2sf) =	vpush v12, $0x0  }
0x25d: {  	(v2sf) =	vpush v33, $0x0;
	_ =	sdelay $0xd  }
0x25e: {  	s24 =	spop (v2sf)  }
0x25f: {  	v34 =	vld [tilespmem:s18+$0x7B90];
	s25 =	spop (v2sf)  }
0x260: {  	v35 =	vld [tilespmem:s18+$0x5390];
	s5 =	sadd.f32 s24, s25  }
0x261: {  	v36 =	vld [tilespmem:s18+$0x7BA0]  }
0x262: {  	v37 =	vld [tilespmem:s18+$0x53A0];
	s5 =	smul.f32 $1.000000010e-01, s5  }
0x263: {  	v38 =	vld [tilespmem:s18+$0x7BB0]  }
0x264: {  	v39 =	vld [tilespmem:s18+$0x53B0];
	v12 =	vmul.f32 s5, v34  }
0x265: {  	v40 =	vld [tilespmem:s18+$0x7BC0];
	v13 =	vmul.f32 s5, v35  }
0x266: {  	v42 =	vld [tilespmem:s18+$0x53C0];
	v41 =	vmul.f32 s5, v36;
	[tilespmem:s18+$0x7B90] =	vst v12  }
0x267: {  	v44 =	vld [tilespmem:s18+$0x7BD0];
	v43 =	vmul.f32 s5, v37;
	[tilespmem:s18+$0x5390] =	vst v13  }
0x268: {  	v46 =	vld [tilespmem:s18+$0x53D0];
	v45 =	vmul.f32 s5, v38;
	[tilespmem:s18+$0x7BA0] =	vst v41  }
0x269: {  	v48 =	vld [tilespmem:s18+$0x7BE0];
	v47 =	vmul.f32 s5, v39;
	[tilespmem:s18+$0x53A0] =	vst v43  }
0x26a: {  	v50 =	vld [tilespmem:s18+$0x53E0];
	v49 =	vmul.f32 s5, v40;
	[tilespmem:s18+$0x7BB0] =	vst v45  }
0x26b: {  	v52 =	vld [tilespmem:s18+$0x7BF0];
	v51 =	vmul.f32 s5, v42;
	[tilespmem:s18+$0x53B0] =	vst v47  }
0x26c: {  	v54 =	vld [tilespmem:s18+$0x53F0];
	v53 =	vmul.f32 s5, v44;
	[tilespmem:s18+$0x7BC0] =	vst v49  }
0x26d: {  	v56 =	vld [tilespmem:s18+$0x7C00];
	v55 =	vmul.f32 s5, v46;
	[tilespmem:s18+$0x53C0] =	vst v51  }
0x26e: {  	v58 =	vld [tilespmem:s18+$0x5400];
	v57 =	vmul.f32 s5, v48;
	[tilespmem:s18+$0x7BD0] =	vst v53  }
0x26f: {  	v59 =	vmul.f32 s5, v50;
	[tilespmem:s18+$0x53D0] =	vst v55  }
0x270: {  	p0 =	sne.s32 s17, $0x9FC0;
	v60 =	vmul.f32 s5, v52;
	[tilespmem:s18+$0x7BE0] =	vst v57  }
.Ltmp2:
0x271: {  	v61 =	vmul.f32 s5, v54;
	[tilespmem:s18+$0x53E0] =	vst v59;
	(pc) =	sbr.rel @p0 .LBB2_7-.Ltmp2, $4  }
0x272: {  	v62 =	vmul.f32 s5, v56;
	[tilespmem:s18+$0x7BF0] =	vst v60  }
0x273: {  	v63 =	vmul.f32 s5, v58;
	[tilespmem:s18+$0x53F0] =	vst v61  }
0x274: {  	[tilespmem:s18+$0x7C00] =	vst v62  }
0x275: {  	s17 =	sadd.s32 $0x400, s17;
	[tilespmem:s18+$0x5400] =	vst v63  }
0x276: {  	[spmem:s3] =	stream.indirect.scatter.add.f32 [tilespmem:s22], [sflag:$0x2], $0x80, s28, s6, $0xb8;
	[tilespmem:$0x1E600] =	vst v63  }
0x277: {  	s26 =	sadd.s32 $0x1, s26;
	_ =	swait.ge [sflag:s21], $0x2800  }
0x278: {  	p0 =	sne.s32 s26, $0x7D;
	[sflag:s21] =	ssyncset.done $0x0  }
.Ltmp3:
0x279: {  	[sflag:s21] =	ssyncadd.s32 $0xFFFFD800;
	(pc) =	sbr.rel @p0 .LBB2_6-.Ltmp3, $4  }
0x27a: {  	[spmem:s3] =	stream.indirect.scatter.add.f32 [tilespmem:s2], [sflag:$0x2], $0x80, s29, s6, $0xb8;
	[tilespmem:$0x1E600] =	vst v63  }
0x27b: {  	_ =	swait.ge [sflag:s21], $0x2800  }
0x27c: {  	[sflag:s21] =	ssyncset.done $0x0  }
0x27d: {  	[sflag:s21] =	ssyncadd.s32 $0xFFFFD800  }
0x27e: {  	[bflag:$0x0] =	sbarrier.arrive $0xFFFF  }
0x27f: {  	s8 =	simm.s32 $0x80;
	s14 =	simm.s32 $0x400;
	s5 =	rddreg [dreg:$0xc]  }
0x280: {  	[hbm4b:s5+s8] =	stream.strided.scatter [tilespmem:s13], [sflag:$0x2], $0x2800, s14, s8, $0x38;
	[tilespmem:$0x1E600] =	vst v63  }
0x281: {  	_ =	swait.ge [sflag:s21], $0x2800  }
0x282: {  	[sflag:s21] =	ssyncset.done $0x0;
	s20 =	rddreg [dreg:$0xd]  }
0x283: {  	s24 =	rddreg [dreg:$0x11];
	[sflag:s21] =	ssyncadd.s32 $0xFFFFD800  }
0x284: {  	[hbm:s20], [sflag:s12] =	dma.local [spmem:s24], $0x2800  }
0x285: {  	_ =	swait.ge [sflag:s21], $0x2800  }
0x286: {  	s25 =	rddreg [dreg:$0x10]  }
0x287: {  	s26 =	rddreg [dreg:$0xe];
	s8 =	sadd.s32 $0x1, s25  }
0x288: {  	p0 =	sne.s32 s8, s26  }
.Ltmp4:
0x289: {  	_ = 	snop;
	(pc) =	sbr.rel @p0 .LBB2_1-.Ltmp4, $3  }
0x28a: {  	_ =	sdelay $0x1  }
0x28b: {  	[sflag:s21] =	ssyncset.done $0x0  }
0x28c: {  	[sflag:s21] =	ssyncadd.s32 $0xFFFFD800  }
0x28d: {  	_ =	sfence.sel $0x180000  }
0x28e: {  	[bflag:$0x0] =	sbarrier.arrive $0xFFFF  }
0x28f: {  	_ =	strace $0x90000047  }
0x290: {  	s0 =	stileid.u32;
	[bflag:$0x2] =	sbarrier.arrive $0xFFFF  }
0x291: {  	p0 =	sne.s32 s0, $0x0;
	s0 =	rddreg [dreg:$0x4]  }
0x292: {  	s0 =	sadd.s32 @!p0 $0x100000, s0  }
0x293: {  	[sflag:s0] =	ssyncadd.tile.s32 @!p0 $0x1;
	_ =	shalt  }
.Lfunc_end2:
_tile_overlayer_lowered:
.L_overlay_start_2:
0x294: {  	(tag) =	ssettag $0x2  }
0x295: {  	s0 =	rddreg [dreg:$0x0];
	s2 =	stileid.u32  }
0x296: {  	s1 =	rddreg [dreg:$0x1];
	p0 =	sne.s32 s2, $0x0  }
0x297: {  	s3 =	rddreg [dreg:$0x2];
	[bflag:$0x3] =	sbarrier.arrive $0xFFFF;
	s2 =	simm.s32 @!p0 $0x1C02  }
0x298: {  	[timem:s3], [sflag:s2] =	dma.local @!p0 [hbm:s0], s1  }
0x299: {  	s0 =	simm.s32 @!p0 $0x2  }
0x29a: {  	_ =	swait.ge @!p0 [sflag:s0], s1  }
0x29b: {  	s1 =	ssub.s32 @!p0 $0x0, s1;
	[sflag:s0] =	ssyncset.done @!p0 $0x0  }
0x29c: {  	[sflag:s0] =	ssyncadd.s32 @!p0 s1  }
0x29d: {  	[bflag:$0x3] =	sbarrier.arrive $0xFFFF  }
0x29e: {  	_ =	shalt  }

</sc_bundles>
